<compile_context>
chip_gen: v7x
topology: tpu7x:2x2x1
jax: 0.10.2.dev20260603
libtpu: 0.0.44.dev20260713+nightly
codegen_flags: <defaults>
</compile_context>

<pallas_src>
import functools

import jax
import jax.numpy as jnp
from jax import lax
from jax.experimental import pallas as pl
from jax.experimental.pallas import tpu as pltpu
from jax.experimental.pallas import tpu_sc as plsc

_NC = 2
_NS = 16
_NW = _NC * _NS
_CHUNK = 128
_RUNROLL = 2
_NBUF = 4


def _emb_body(nb, seq_len, embed, x_hbm, tok_hbm, pos_hbm, out_hbm,
              idx_v, posb, buf0, buf1, buf2, buf3,
              gsem0, gsem1, gsem2, gsem3, wsem0, wsem1, wsem2, wsem3,
              psem):
    bufs = (buf0, buf1, buf2, buf3)
    gsems = (gsem0, gsem1, gsem2, gsem3)
    wsems = (wsem0, wsem1, wsem2, wsem3)
    wid = lax.axis_index("s") * _NC + lax.axis_index("c")
    gb = wid // _NS
    gs = lax.rem(wid, _NS)
    s_base = gs * _CHUNK
    pltpu.sync_copy(x_hbm.at[wid], idx_v)

    def gather(k):
        return pltpu.async_copy(tok_hbm.at[idx_v.at[k]], bufs[k % _NBUF],
                                gsems[k % _NBUF])

    gs_pend = [gather(k) for k in range(_NBUF)]
    pfill = pltpu.async_copy(pos_hbm.at[pl.ds(s_base, _CHUNK)], posb, psem)
    pfill.wait()
    npair = nb // 2
    wbs = [None] * nb
    for p in range(npair):
        ka, kb = 2 * p, 2 * p + 1
        bufa, bufb = bufs[ka % _NBUF], bufs[kb % _NBUF]
        gs_pend[ka].wait()
        gs_pend[kb].wait()
        if p >= 1 and 2 * p + 2 < nb:
            wbs[2 * p - 2].wait()
            wbs[2 * p - 1].wait()
            gs_pend.append(gather(2 * p + 2))
            gs_pend.append(gather(2 * p + 3))

        @plsc.parallel_loop(0, _CHUNK, step=_RUNROLL, unroll=1)
        def add_rows(i):
            for r in range(_RUNROLL):
                for j in range(embed // 16):
                    sl = pl.ds(j * 16, 16)
                    v = posb[i + r, sl]
                    plsc.addupdate(bufa.at[i + r, sl], v)
                    plsc.addupdate(bufb.at[i + r, sl], v)

        rowa = (gb * nb + ka) * seq_len + s_base
        wbs[ka] = pltpu.async_copy(bufa, out_hbm.at[pl.ds(rowa, _CHUNK)],
                                   wsems[ka % _NBUF])
        rowb = (gb * nb + kb) * seq_len + s_base
        wbs[kb] = pltpu.async_copy(bufb, out_hbm.at[pl.ds(rowb, _CHUNK)],
                                   wsems[kb % _NBUF])
    for k in range(nb - _NBUF, nb):
        wbs[k].wait()


def kernel(x, token_table, position_table):
    b, s = x.shape
    vocab, embed = token_table.shape
    n = b * s
    ns_groups = s // _CHUNK
    nb_groups = _NW // ns_groups
    nb = b // nb_groups
    assert s % _CHUNK == 0 and _NW % ns_groups == 0 and b % nb_groups == 0
    assert embed % 16 == 0 and _CHUNK % _RUNROLL == 0 and nb % 2 == 0

    xw = (x.astype(jnp.int32)
          .reshape(nb_groups, nb, ns_groups, _CHUNK)
          .transpose(0, 2, 1, 3)
          .reshape(_NW, nb, _CHUNK))

    mesh = plsc.VectorSubcoreMesh(core_axis_name="c", subcore_axis_name="s")
    body = functools.partial(_emb_body, nb, s, embed)
    out = pl.kernel(
        body,
        mesh=mesh,
        out_type=jax.ShapeDtypeStruct((n, embed), jnp.float32),
        scratch_types=[
            pltpu.VMEM((nb, _CHUNK), jnp.int32),
            pltpu.VMEM((_CHUNK, embed), jnp.float32),
            pltpu.VMEM((_CHUNK, embed), jnp.float32),
            pltpu.VMEM((_CHUNK, embed), jnp.float32),
            pltpu.VMEM((_CHUNK, embed), jnp.float32),
            pltpu.VMEM((_CHUNK, embed), jnp.float32),
            pltpu.SemaphoreType.DMA,
            pltpu.SemaphoreType.DMA,
            pltpu.SemaphoreType.DMA,
            pltpu.SemaphoreType.DMA,
            pltpu.SemaphoreType.DMA,
            pltpu.SemaphoreType.DMA,
            pltpu.SemaphoreType.DMA,
            pltpu.SemaphoreType.DMA,
            pltpu.SemaphoreType.DMA,
        ],
    )(xw, token_table, position_table)
    return out.reshape(b, s, embed)

# --- scband reference (transcript-rebuilt; emitter-appended) ---
"""Pipeline reference for scband-embedding-layer-50457275793712 (READ-ONLY COPY).

The authoritative reference and input builder live on the scoring server;
editing this copy changes nothing except your own understanding.
"""

import jax, jax.numpy as jnp
import numpy as np

VOCAB = 100000
EMBED = 128
MAX_LEN = 2048
B, S = 16, 2048

def setup_inputs(seed: int = 0) -> dict:
    key = jax.random.key(seed)
    k1, k2, k3 = jax.random.split(key, 3)
    x = jax.random.randint(k1, (B, S), 0, VOCAB, dtype=jnp.int64 if jax.config.jax_enable_x64 else jnp.int32)
    token_table = jax.random.normal(k2, (VOCAB, EMBED), dtype=jnp.float32)
    position_table = jax.random.normal(k3, (MAX_LEN, EMBED), dtype=jnp.float32)
    return {"x": x, "token_table": token_table, "position_table": position_table}

def reference(x, token_table, position_table):
    seq_len = x.shape[1]
    positions = jnp.broadcast_to(jnp.arange(seq_len, dtype=x.dtype)[None, :], x.shape)
    token_embeddings = jnp.take(token_table, x, axis=0)
    position_embeddings = jnp.take(position_table, positions, axis=0)
    embeddings = token_embeddings + position_embeddings
    return embeddings

if __name__ == "__main__":
    import jax
    _d = setup_inputs()
    print(jax.jit(kernel)(*tuple(_d.values())))

</pallas_src>

<mosaic_0001>
#map = affine_map<(d0, d1) -> (0, 0, 0)>
#map1 = affine_map<(d0, d1) -> (0, 0)>
module attributes {stable_mosaic.version = 14 : i64} {
  func.func @_emb_body(%arg0: i32, %arg1: i32, %arg2: memref<32x8x128xi32, #tpu.memory_space<hbm>>, %arg3: memref<100000x128xf32, #tpu.memory_space<hbm>>, %arg4: memref<2048x128xf32, #tpu.memory_space<hbm>>, %arg5: memref<32768x128xf32, #tpu.memory_space<hbm>>, %arg6: memref<8x128xi32, #tpu.memory_space<vmem>>, %arg7: memref<128x128xf32, #tpu.memory_space<vmem>>, %arg8: memref<128x128xf32, #tpu.memory_space<vmem>>, %arg9: memref<128x128xf32, #tpu.memory_space<vmem>>, %arg10: memref<128x128xf32, #tpu.memory_space<vmem>>, %arg11: memref<128x128xf32, #tpu.memory_space<vmem>>, %arg12: memref<!tpu.dma_semaphore, #tpu.memory_space<semaphore_mem>>, %arg13: memref<!tpu.dma_semaphore, #tpu.memory_space<semaphore_mem>>, %arg14: memref<!tpu.dma_semaphore, #tpu.memory_space<semaphore_mem>>, %arg15: memref<!tpu.dma_semaphore, #tpu.memory_space<semaphore_mem>>, %arg16: memref<!tpu.dma_semaphore, #tpu.memory_space<semaphore_mem>>, %arg17: memref<!tpu.dma_semaphore, #tpu.memory_space<semaphore_mem>>, %arg18: memref<!tpu.dma_semaphore, #tpu.memory_space<semaphore_mem>>, %arg19: memref<!tpu.dma_semaphore, #tpu.memory_space<semaphore_mem>>, %arg20: memref<!tpu.dma_semaphore, #tpu.memory_space<semaphore_mem>>) attributes {dimension_semantics = [#tpu.dimension_semantics<core_parallel>, #tpu.dimension_semantics<subcore_parallel>], iteration_bounds = array<i64: 2, 16>, scalar_prefetch = 0 : i64, scratch_operands = 15 : i64, tpu.core_type = #tpu.core_type<sc_vector_subcore>, window_params = [{transform_indices = #map}, {transform_indices = #map1}, {transform_indices = #map1}, {transform_indices = #map1}]} {
    %mul3A = arith.constant 2 : i32
    %mul3A_0 = arith.muli %arg1, %mul3A : i32
    %add3A = arith.addi %mul3A_0, %arg0 : i32
    %jit3A = arith.constant 16 : i32
    %div3A = arith.divsi %add3A, %jit3A : i32
    %sign3A = arith.constant 0 : i32
    %sign3A_1 = arith.cmpi sgt, %add3A, %sign3A : i32
    %sign3A_2 = arith.extui %sign3A_1 : i1 to i32
    %sign3A_3 = arith.constant 0 : i32
    %sign3A_4 = arith.cmpi slt, %add3A, %sign3A_3 : i32
    %sign3A_5 = arith.extui %sign3A_4 : i1 to i32
    %sign3A_6 = arith.subi %sign3A_2, %sign3A_5 : i32
    %sign3A_7 = arith.constant 0 : i32
    %sign3A_8 = arith.cmpi sgt, %jit3A, %sign3A_7 : i32
    %sign3A_9 = arith.extui %sign3A_8 : i1 to i32
    %sign3A_10 = arith.constant 0 : i32
    %sign3A_11 = arith.cmpi slt, %jit3A, %sign3A_10 : i32
    %sign3A_12 = arith.extui %sign3A_11 : i1 to i32
    %sign3A_13 = arith.subi %sign3A_9, %sign3A_12 : i32
    %ne3A = arith.cmpi ne, %sign3A_6, %sign3A_13 : i32
    %rem3A = arith.remsi %add3A, %jit3A : i32
    %ne3A_14 = arith.constant 0 : i32
    %ne3A_15 = arith.cmpi ne, %rem3A, %ne3A_14 : i32
    %and3A = arith.andi %ne3A, %ne3A_15 : i1
    %sub3A = arith.constant 1 : i32
    %sub3A_16 = arith.subi %div3A, %sub3A : i32
    %select_n3A = arith.select %and3A, %sub3A_16, %div3A : i32
    %rem3A_17 = arith.constant 16 : i32
    %rem3A_18 = arith.remsi %add3A, %rem3A_17 : i32
    %mul3A_19 = arith.constant 128 : i32
    %mul3A_20 = arith.muli %rem3A_18, %mul3A_19 : i32
    "tpu.region"() ({
      %run_scoped3A = tpu.sem_alloc : memref<!tpu.dma_semaphore, #tpu.memory_space<semaphore_mem>>
      %dma_start3A_270 = arith.constant 0 : i32
      %dma_start3A_271 = arith.constant 0 : i32
      %dma_start3A_272 = tpu.memref_slice %arg2[%add3A, %dma_start3A_270, %dma_start3A_271] : memref<32x8x128xi32, #tpu.memory_space<hbm>> -> memref<1x8x128xi32, #tpu.memory_space<hbm>>
      %dma_start3A_273 = tpu.memref_squeeze %dma_start3A_272 : memref<1x8x128xi32, #tpu.memory_space<hbm>> -> memref<8x128xi32, #tpu.memory_space<hbm>>
      %dma_start3A_274 = arith.constant 0 : i32
      %dma_start3A_275 = arith.constant 0 : i32
      %dma_start3A_276 = tpu.memref_slice %arg2[%add3A, %dma_start3A_274, %dma_start3A_275] : memref<32x8x128xi32, #tpu.memory_space<hbm>> -> memref<1x8x128xi32, #tpu.memory_space<hbm>>
      %dma_start3A_277 = tpu.memref_squeeze %dma_start3A_276 : memref<1x8x128xi32, #tpu.memory_space<hbm>> -> memref<8x128xi32, #tpu.memory_space<hbm>>
      tpu.enqueue_dma source(%dma_start3A_277 : memref<8x128xi32, #tpu.memory_space<hbm>>) target(%arg6 : memref<8x128xi32, #tpu.memory_space<vmem>>) target_semaphore(%run_scoped3A : memref<!tpu.dma_semaphore, #tpu.memory_space<semaphore_mem>>)
      %dma_wait3A_278 = arith.constant 0 : i32
      %dma_wait3A_279 = arith.constant 0 : i32
      %dma_wait3A_280 = tpu.memref_slice %arg2[%add3A, %dma_wait3A_278, %dma_wait3A_279] : memref<32x8x128xi32, #tpu.memory_space<hbm>> -> memref<1x8x128xi32, #tpu.memory_space<hbm>>
      %dma_wait3A_281 = tpu.memref_squeeze %dma_wait3A_280 : memref<1x8x128xi32, #tpu.memory_space<hbm>> -> memref<8x128xi32, #tpu.memory_space<hbm>>
      %dma_wait3A_282 = arith.constant 0 : i32
      %dma_wait3A_283 = arith.constant 0 : i32
      %dma_wait3A_284 = tpu.memref_slice %arg2[%add3A, %dma_wait3A_282, %dma_wait3A_283] : memref<32x8x128xi32, #tpu.memory_space<hbm>> -> memref<1x8x128xi32, #tpu.memory_space<hbm>>
      %dma_wait3A_285 = tpu.memref_squeeze %dma_wait3A_284 : memref<1x8x128xi32, #tpu.memory_space<hbm>> -> memref<8x128xi32, #tpu.memory_space<hbm>>
      tpu.wait_dma2 semaphore(%run_scoped3A : memref<!tpu.dma_semaphore, #tpu.memory_space<semaphore_mem>>) src(%dma_wait3A_285 : memref<8x128xi32, #tpu.memory_space<hbm>>) dst(%arg6 : memref<8x128xi32, #tpu.memory_space<vmem>>)
      tpu.yield
    }) : () -> ()
    %dma_start3A = arith.constant 0 : i32
    %dma_start3A_21 = arith.constant 0 : i32
    %dma_start3A_22 = tpu.memref_slice %arg6[%dma_start3A, %dma_start3A_21] : memref<8x128xi32, #tpu.memory_space<vmem>> -> memref<1x128xi32, #tpu.memory_space<vmem>>
    %dma_start3A_23 = tpu.memref_squeeze %dma_start3A_22 : memref<1x128xi32, #tpu.memory_space<vmem>> -> memref<128xi32, #tpu.memory_space<vmem>>
    %dma_start3A_24 = arith.constant 0 : i32
    %dma_start3A_25 = arith.constant 0 : i32
    %dma_start3A_26 = tpu.memref_slice %arg3[%dma_start3A_24, %dma_start3A_25] : memref<100000x128xf32, #tpu.memory_space<hbm>> -> memref<100000x128xf32, #tpu.memory_space<hbm>>
    tpu.enqueue_indirect_dma source(%dma_start3A_26 : memref<100000x128xf32, #tpu.memory_space<hbm>>) target(%arg8 : memref<128x128xf32, #tpu.memory_space<vmem>>) offsets(%dma_start3A_23 : memref<128xi32, #tpu.memory_space<vmem>>) semaphore(%arg12 : memref<!tpu.dma_semaphore, #tpu.memory_space<semaphore_mem>>)
    %dma_start3A_27 = arith.constant 1 : i32
    %dma_start3A_28 = arith.constant 0 : i32
    %dma_start3A_29 = tpu.memref_slice %arg6[%dma_start3A_27, %dma_start3A_28] : memref<8x128xi32, #tpu.memory_space<vmem>> -> memref<1x128xi32, #tpu.memory_space<vmem>>
    %dma_start3A_30 = tpu.memref_squeeze %dma_start3A_29 : memref<1x128xi32, #tpu.memory_space<vmem>> -> memref<128xi32, #tpu.memory_space<vmem>>
    %dma_start3A_31 = arith.constant 0 : i32
    %dma_start3A_32 = arith.constant 0 : i32
    %dma_start3A_33 = tpu.memref_slice %arg3[%dma_start3A_31, %dma_start3A_32] : memref<100000x128xf32, #tpu.memory_space<hbm>> -> memref<100000x128xf32, #tpu.memory_space<hbm>>
    tpu.enqueue_indirect_dma source(%dma_start3A_33 : memref<100000x128xf32, #tpu.memory_space<hbm>>) target(%arg9 : memref<128x128xf32, #tpu.memory_space<vmem>>) offsets(%dma_start3A_30 : memref<128xi32, #tpu.memory_space<vmem>>) semaphore(%arg13 : memref<!tpu.dma_semaphore, #tpu.memory_space<semaphore_mem>>)
    %dma_start3A_34 = arith.constant 2 : i32
    %dma_start3A_35 = arith.constant 0 : i32
    %dma_start3A_36 = tpu.memref_slice %arg6[%dma_start3A_34, %dma_start3A_35] : memref<8x128xi32, #tpu.memory_space<vmem>> -> memref<1x128xi32, #tpu.memory_space<vmem>>
    %dma_start3A_37 = tpu.memref_squeeze %dma_start3A_36 : memref<1x128xi32, #tpu.memory_space<vmem>> -> memref<128xi32, #tpu.memory_space<vmem>>
    %dma_start3A_38 = arith.constant 0 : i32
    %dma_start3A_39 = arith.constant 0 : i32
    %dma_start3A_40 = tpu.memref_slice %arg3[%dma_start3A_38, %dma_start3A_39] : memref<100000x128xf32, #tpu.memory_space<hbm>> -> memref<100000x128xf32, #tpu.memory_space<hbm>>
    tpu.enqueue_indirect_dma source(%dma_start3A_40 : memref<100000x128xf32, #tpu.memory_space<hbm>>) target(%arg10 : memref<128x128xf32, #tpu.memory_space<vmem>>) offsets(%dma_start3A_37 : memref<128xi32, #tpu.memory_space<vmem>>) semaphore(%arg14 : memref<!tpu.dma_semaphore, #tpu.memory_space<semaphore_mem>>)
    %dma_start3A_41 = arith.constant 3 : i32
    %dma_start3A_42 = arith.constant 0 : i32
    %dma_start3A_43 = tpu.memref_slice %arg6[%dma_start3A_41, %dma_start3A_42] : memref<8x128xi32, #tpu.memory_space<vmem>> -> memref<1x128xi32, #tpu.memory_space<vmem>>
    %dma_start3A_44 = tpu.memref_squeeze %dma_start3A_43 : memref<1x128xi32, #tpu.memory_space<vmem>> -> memref<128xi32, #tpu.memory_space<vmem>>
    %dma_start3A_45 = arith.constant 0 : i32
    %dma_start3A_46 = arith.constant 0 : i32
    %dma_start3A_47 = tpu.memref_slice %arg3[%dma_start3A_45, %dma_start3A_46] : memref<100000x128xf32, #tpu.memory_space<hbm>> -> memref<100000x128xf32, #tpu.memory_space<hbm>>
    tpu.enqueue_indirect_dma source(%dma_start3A_47 : memref<100000x128xf32, #tpu.memory_space<hbm>>) target(%arg11 : memref<128x128xf32, #tpu.memory_space<vmem>>) offsets(%dma_start3A_44 : memref<128xi32, #tpu.memory_space<vmem>>) semaphore(%arg15 : memref<!tpu.dma_semaphore, #tpu.memory_space<semaphore_mem>>)
    %dma_start3A_48 = arith.constant 0 : i32
    %dma_start3A_49 = tpu.memref_slice %arg4[%mul3A_20, %dma_start3A_48] : memref<2048x128xf32, #tpu.memory_space<hbm>> -> memref<128x128xf32, #tpu.memory_space<hbm>>
    %dma_start3A_50 = arith.constant 0 : i32
    %dma_start3A_51 = tpu.memref_slice %arg4[%mul3A_20, %dma_start3A_50] : memref<2048x128xf32, #tpu.memory_space<hbm>> -> memref<128x128xf32, #tpu.memory_space<hbm>>
    tpu.enqueue_dma source(%dma_start3A_51 : memref<128x128xf32, #tpu.memory_space<hbm>>) target(%arg7 : memref<128x128xf32, #tpu.memory_space<vmem>>) target_semaphore(%arg20 : memref<!tpu.dma_semaphore, #tpu.memory_space<semaphore_mem>>)
    %dma_wait3A = arith.constant 0 : i32
    %dma_wait3A_52 = tpu.memref_slice %arg4[%mul3A_20, %dma_wait3A] : memref<2048x128xf32, #tpu.memory_space<hbm>> -> memref<128x128xf32, #tpu.memory_space<hbm>>
    %dma_wait3A_53 = arith.constant 0 : i32
    %dma_wait3A_54 = tpu.memref_slice %arg4[%mul3A_20, %dma_wait3A_53] : memref<2048x128xf32, #tpu.memory_space<hbm>> -> memref<128x128xf32, #tpu.memory_space<hbm>>
    tpu.wait_dma2 semaphore(%arg20 : memref<!tpu.dma_semaphore, #tpu.memory_space<semaphore_mem>>) src(%dma_wait3A_54 : memref<128x128xf32, #tpu.memory_space<hbm>>) dst(%arg7 : memref<128x128xf32, #tpu.memory_space<vmem>>)
    %dma_wait3A_55 = arith.constant 0 : i32
    %dma_wait3A_56 = arith.constant 0 : i32
    %dma_wait3A_57 = tpu.memref_slice %arg6[%dma_wait3A_55, %dma_wait3A_56] : memref<8x128xi32, #tpu.memory_space<vmem>> -> memref<1x128xi32, #tpu.memory_space<vmem>>
    %dma_wait3A_58 = tpu.memref_squeeze %dma_wait3A_57 : memref<1x128xi32, #tpu.memory_space<vmem>> -> memref<128xi32, #tpu.memory_space<vmem>>
    %dma_wait3A_59 = arith.constant 0 : i32
    %dma_wait3A_60 = arith.constant 0 : i32
    %dma_wait3A_61 = tpu.memref_slice %arg3[%dma_wait3A_59, %dma_wait3A_60] : memref<100000x128xf32, #tpu.memory_space<hbm>> -> memref<100000x128xf32, #tpu.memory_space<hbm>>
    tpu.wait_indirect_dma semaphore(%arg12 : memref<!tpu.dma_semaphore, #tpu.memory_space<semaphore_mem>>) src(%dma_wait3A_61 : memref<100000x128xf32, #tpu.memory_space<hbm>>) dst(%arg8 : memref<128x128xf32, #tpu.memory_space<vmem>>)
    %dma_wait3A_62 = arith.constant 1 : i32
    %dma_wait3A_63 = arith.constant 0 : i32
    %dma_wait3A_64 = tpu.memref_slice %arg6[%dma_wait3A_62, %dma_wait3A_63] : memref<8x128xi32, #tpu.memory_space<vmem>> -> memref<1x128xi32, #tpu.memory_space<vmem>>
    %dma_wait3A_65 = tpu.memref_squeeze %dma_wait3A_64 : memref<1x128xi32, #tpu.memory_space<vmem>> -> memref<128xi32, #tpu.memory_space<vmem>>
    %dma_wait3A_66 = arith.constant 0 : i32
    %dma_wait3A_67 = arith.constant 0 : i32
    %dma_wait3A_68 = tpu.memref_slice %arg3[%dma_wait3A_66, %dma_wait3A_67] : memref<100000x128xf32, #tpu.memory_space<hbm>> -> memref<100000x128xf32, #tpu.memory_space<hbm>>
    tpu.wait_indirect_dma semaphore(%arg13 : memref<!tpu.dma_semaphore, #tpu.memory_space<semaphore_mem>>) src(%dma_wait3A_68 : memref<100000x128xf32, #tpu.memory_space<hbm>>) dst(%arg9 : memref<128x128xf32, #tpu.memory_space<vmem>>)
    %parallel_loop3A = arith.constant 0 : i32
    %parallel_loop3A_69 = arith.constant 128 : i32
    %parallel_loop3A_70 = arith.constant 2 : i32
    scf.for %parallel_loop3A_270 = %parallel_loop3A to %parallel_loop3A_69 step %parallel_loop3A_70  : i32 {
      %parallel_loop3A_271 = arith.constant 0 : i32
      %parallel_loop3A_272 = arith.addi %parallel_loop3A_270, %parallel_loop3A_271 : i32
      %parallel_loop3A_273 = arith.index_cast %parallel_loop3A_272 : i32 to index
      %parallel_loop3A_274 = arith.constant 0 : index
      %parallel_loop3A_275 = tpu.vector_load %arg7[%parallel_loop3A_273, %parallel_loop3A_274] {strides = array<i32>} : memref<128x128xf32, #tpu.memory_space<vmem>>, vector<1x16xf32>,
      %parallel_loop3A_276 = vector.shape_cast %parallel_loop3A_275 : vector<1x16xf32> to vector<16xf32>
      %parallel_loop3A_277 = arith.constant 0 : i32
      %parallel_loop3A_278 = arith.addi %parallel_loop3A_270, %parallel_loop3A_277 : i32
      %parallel_loop3A_279 = arith.index_cast %parallel_loop3A_278 : i32 to index
      %parallel_loop3A_280 = arith.constant 0 : index
      %parallel_loop3A_281 = tpu.vector_load %arg8[%parallel_loop3A_279, %parallel_loop3A_280] {strides = array<i32>} : memref<128x128xf32, #tpu.memory_space<vmem>>, vector<1x16xf32>,
      %parallel_loop3A_282 = vector.shape_cast %parallel_loop3A_281 : vector<1x16xf32> to vector<16xf32>
      %parallel_loop3A_283 = vector.shape_cast %parallel_loop3A_276 : vector<16xf32> to vector<1x16xf32>
      tpu.vector_store %arg8[%parallel_loop3A_279, %parallel_loop3A_280], %parallel_loop3A_283 {add = true, strides = array<i32>} : memref<128x128xf32, #tpu.memory_space<vmem>>, vector<1x16xf32>,
      %parallel_loop3A_284 = arith.constant 0 : i32
      %parallel_loop3A_285 = arith.addi %parallel_loop3A_270, %parallel_loop3A_284 : i32
      %parallel_loop3A_286 = arith.index_cast %parallel_loop3A_285 : i32 to index
      %parallel_loop3A_287 = arith.constant 0 : index
      %parallel_loop3A_288 = tpu.vector_load %arg9[%parallel_loop3A_286, %parallel_loop3A_287] {strides = array<i32>} : memref<128x128xf32, #tpu.memory_space<vmem>>, vector<1x16xf32>,
      %parallel_loop3A_289 = vector.shape_cast %parallel_loop3A_288 : vector<1x16xf32> to vector<16xf32>
      %parallel_loop3A_290 = vector.shape_cast %parallel_loop3A_276 : vector<16xf32> to vector<1x16xf32>
      tpu.vector_store %arg9[%parallel_loop3A_286, %parallel_loop3A_287], %parallel_loop3A_290 {add = true, strides = array<i32>} : memref<128x128xf32, #tpu.memory_space<vmem>>, vector<1x16xf32>,
      %parallel_loop3A_291 = arith.constant 0 : i32
      %parallel_loop3A_292 = arith.addi %parallel_loop3A_270, %parallel_loop3A_291 : i32
      %parallel_loop3A_293 = arith.index_cast %parallel_loop3A_292 : i32 to index
      %parallel_loop3A_294 = arith.constant 16 : index
      %parallel_loop3A_295 = tpu.vector_load %arg7[%parallel_loop3A_293, %parallel_loop3A_294] {strides = array<i32>} : memref<128x128xf32, #tpu.memory_space<vmem>>, vector<1x16xf32>,
      %parallel_loop3A_296 = vector.shape_cast %parallel_loop3A_295 : vector<1x16xf32> to vector<16xf32>
      %parallel_loop3A_297 = arith.constant 0 : i32
      %parallel_loop3A_298 = arith.addi %parallel_loop3A_270, %parallel_loop3A_297 : i32
      %parallel_loop3A_299 = arith.index_cast %parallel_loop3A_298 : i32 to index
      %parallel_loop3A_300 = arith.constant 16 : index
      %parallel_loop3A_301 = tpu.vector_load %arg8[%parallel_loop3A_299, %parallel_loop3A_300] {strides = array<i32>} : memref<128x128xf32, #tpu.memory_space<vmem>>, vector<1x16xf32>,
      %parallel_loop3A_302 = vector.shape_cast %parallel_loop3A_301 : vector<1x16xf32> to vector<16xf32>
      %parallel_loop3A_303 = vector.shape_cast %parallel_loop3A_296 : vector<16xf32> to vector<1x16xf32>
      tpu.vector_store %arg8[%parallel_loop3A_299, %parallel_loop3A_300], %parallel_loop3A_303 {add = true, strides = array<i32>} : memref<128x128xf32, #tpu.memory_space<vmem>>, vector<1x16xf32>,
      %parallel_loop3A_304 = arith.constant 0 : i32
      %parallel_loop3A_305 = arith.addi %parallel_loop3A_270, %parallel_loop3A_304 : i32
      %parallel_loop3A_306 = arith.index_cast %parallel_loop3A_305 : i32 to index
      %parallel_loop3A_307 = arith.constant 16 : index
      %parallel_loop3A_308 = tpu.vector_load %arg9[%parallel_loop3A_306, %parallel_loop3A_307] {strides = array<i32>} : memref<128x128xf32, #tpu.memory_space<vmem>>, vector<1x16xf32>,
      %parallel_loop3A_309 = vector.shape_cast %parallel_loop3A_308 : vector<1x16xf32> to vector<16xf32>
      %parallel_loop3A_310 = vector.shape_cast %parallel_loop3A_296 : vector<16xf32> to vector<1x16xf32>
      tpu.vector_store %arg9[%parallel_loop3A_306, %parallel_loop3A_307], %parallel_loop3A_310 {add = true, strides = array<i32>} : memref<128x128xf32, #tpu.memory_space<vmem>>, vector<1x16xf32>,
      %parallel_loop3A_311 = arith.constant 0 : i32
      %parallel_loop3A_312 = arith.addi %parallel_loop3A_270, %parallel_loop3A_311 : i32
      %parallel_loop3A_313 = arith.index_cast %parallel_loop3A_312 : i32 to index
      %parallel_loop3A_314 = arith.constant 32 : index
      %parallel_loop3A_315 = tpu.vector_load %arg7[%parallel_loop3A_313, %parallel_loop3A_314] {strides = array<i32>} : memref<128x128xf32, #tpu.memory_space<vmem>>, vector<1x16xf32>,
      %parallel_loop3A_316 = vector.shape_cast %parallel_loop3A_315 : vector<1x16xf32> to vector<16xf32>
      %parallel_loop3A_317 = arith.constant 0 : i32
      %parallel_loop3A_318 = arith.addi %parallel_loop3A_270, %parallel_loop3A_317 : i32
      %parallel_loop3A_319 = arith.index_cast %parallel_loop3A_318 : i32 to index
      %parallel_loop3A_320 = arith.constant 32 : index
      %parallel_loop3A_321 = tpu.vector_load %arg8[%parallel_loop3A_319, %parallel_loop3A_320] {strides = array<i32>} : memref<128x128xf32, #tpu.memory_space<vmem>>, vector<1x16xf32>,
      %parallel_loop3A_322 = vector.shape_cast %parallel_loop3A_321 : vector<1x16xf32> to vector<16xf32>
      %parallel_loop3A_323 = vector.shape_cast %parallel_loop3A_316 : vector<16xf32> to vector<1x16xf32>
      tpu.vector_store %arg8[%parallel_loop3A_319, %parallel_loop3A_320], %parallel_loop3A_323 {add = true, strides = array<i32>} : memref<128x128xf32, #tpu.memory_space<vmem>>, vector<1x16xf32>,
      %parallel_loop3A_324 = arith.constant 0 : i32
      %parallel_loop3A_325 = arith.addi %parallel_loop3A_270, %parallel_loop3A_324 : i32
      %parallel_loop3A_326 = arith.index_cast %parallel_loop3A_325 : i32 to index
      %parallel_loop3A_327 = arith.constant 32 : index
      %parallel_loop3A_328 = tpu.vector_load %arg9[%parallel_loop3A_326, %parallel_loop3A_327] {strides = array<i32>} : memref<128x128xf32, #tpu.memory_space<vmem>>, vector<1x16xf32>,
      %parallel_loop3A_329 = vector.shape_cast %parallel_loop3A_328 : vector<1x16xf32> to vector<16xf32>
      %parallel_loop3A_330 = vector.shape_cast %parallel_loop3A_316 : vector<16xf32> to vector<1x16xf32>
      tpu.vector_store %arg9[%parallel_loop3A_326, %parallel_loop3A_327], %parallel_loop3A_330 {add = true, strides = array<i32>} : memref<128x128xf32, #tpu.memory_space<vmem>>, vector<1x16xf32>,
      %parallel_loop3A_331 = arith.constant 0 : i32
      %parallel_loop3A_332 = arith.addi %parallel_loop3A_270, %parallel_loop3A_331 : i32
      %parallel_loop3A_333 = arith.index_cast %parallel_loop3A_332 : i32 to index
      %parallel_loop3A_334 = arith.constant 48 : index
      %parallel_loop3A_335 = tpu.vector_load %arg7[%parallel_loop3A_333, %parallel_loop3A_334] {strides = array<i32>} : memref<128x128xf32, #tpu.memory_space<vmem>>, vector<1x16xf32>,
      %parallel_loop3A_336 = vector.shape_cast %parallel_loop3A_335 : vector<1x16xf32> to vector<16xf32>
      %parallel_loop3A_337 = arith.constant 0 : i32
      %parallel_loop3A_338 = arith.addi %parallel_loop3A_270, %parallel_loop3A_337 : i32
      %parallel_loop3A_339 = arith.index_cast %parallel_loop3A_338 : i32 to index
      %parallel_loop3A_340 = arith.constant 48 : index
      %parallel_loop3A_341 = tpu.vector_load %arg8[%parallel_loop3A_339, %parallel_loop3A_340] {strides = array<i32>} : memref<128x128xf32, #tpu.memory_space<vmem>>, vector<1x16xf32>,
      %parallel_loop3A_342 = vector.shape_cast %parallel_loop3A_341 : vector<1x16xf32> to vector<16xf32>
      %parallel_loop3A_343 = vector.shape_cast %parallel_loop3A_336 : vector<16xf32> to vector<1x16xf32>
      tpu.vector_store %arg8[%parallel_loop3A_339, %parallel_loop3A_340], %parallel_loop3A_343 {add = true, strides = array<i32>} : memref<128x128xf32, #tpu.memory_space<vmem>>, vector<1x16xf32>,
      %parallel_loop3A_344 = arith.constant 0 : i32
      %parallel_loop3A_345 = arith.addi %parallel_loop3A_270, %parallel_loop3A_344 : i32
      %parallel_loop3A_346 = arith.index_cast %parallel_loop3A_345 : i32 to index
      %parallel_loop3A_347 = arith.constant 48 : index
      %parallel_loop3A_348 = tpu.vector_load %arg9[%parallel_loop3A_346, %parallel_loop3A_347] {strides = array<i32>} : memref<128x128xf32, #tpu.memory_space<vmem>>, vector<1x16xf32>,
      %parallel_loop3A_349 = vector.shape_cast %parallel_loop3A_348 : vector<1x16xf32> to vector<16xf32>
      %parallel_loop3A_350 = vector.shape_cast %parallel_loop3A_336 : vector<16xf32> to vector<1x16xf32>
      tpu.vector_store %arg9[%parallel_loop3A_346, %parallel_loop3A_347], %parallel_loop3A_350 {add = true, strides = array<i32>} : memref<128x128xf32, #tpu.memory_space<vmem>>, vector<1x16xf32>,
      %parallel_loop3A_351 = arith.constant 0 : i32
      %parallel_loop3A_352 = arith.addi %parallel_loop3A_270, %parallel_loop3A_351 : i32
      %parallel_loop3A_353 = arith.index_cast %parallel_loop3A_352 : i32 to index
      %parallel_loop3A_354 = arith.constant 64 : index
      %parallel_loop3A_355 = tpu.vector_load %arg7[%parallel_loop3A_353, %parallel_loop3A_354] {strides = array<i32>} : memref<128x128xf32, #tpu.memory_space<vmem>>, vector<1x16xf32>,
      %parallel_loop3A_356 = vector.shape_cast %parallel_loop3A_355 : vector<1x16xf32> to vector<16xf32>
      %parallel_loop3A_357 = arith.constant 0 : i32
      %parallel_loop3A_358 = arith.addi %parallel_loop3A_270, %parallel_loop3A_357 : i32
      %parallel_loop3A_359 = arith.index_cast %parallel_loop3A_358 : i32 to index
      %parallel_loop3A_360 = arith.constant 64 : index
      %parallel_loop3A_361 = tpu.vector_load %arg8[%parallel_loop3A_359, %parallel_loop3A_360] {strides = array<i32>} : memref<128x128xf32, #tpu.memory_space<vmem>>, vector<1x16xf32>,
      %parallel_loop3A_362 = vector.shape_cast %parallel_loop3A_361 : vector<1x16xf32> to vector<16xf32>
      %parallel_loop3A_363 = vector.shape_cast %parallel_loop3A_356 : vector<16xf32> to vector<1x16xf32>
      tpu.vector_store %arg8[%parallel_loop3A_359, %parallel_loop3A_360], %parallel_loop3A_363 {add = true, strides = array<i32>} : memref<128x128xf32, #tpu.memory_space<vmem>>, vector<1x16xf32>,
      %parallel_loop3A_364 = arith.constant 0 : i32
      %parallel_loop3A_365 = arith.addi %parallel_loop3A_270, %parallel_loop3A_364 : i32
      %parallel_loop3A_366 = arith.index_cast %parallel_loop3A_365 : i32 to index
      %parallel_loop3A_367 = arith.constant 64 : index
      %parallel_loop3A_368 = tpu.vector_load %arg9[%parallel_loop3A_366, %parallel_loop3A_367] {strides = array<i32>} : memref<128x128xf32, #tpu.memory_space<vmem>>, vector<1x16xf32>,
      %parallel_loop3A_369 = vector.shape_cast %parallel_loop3A_368 : vector<1x16xf32> to vector<16xf32>
      %parallel_loop3A_370 = vector.shape_cast %parallel_loop3A_356 : vector<16xf32> to vector<1x16xf32>
      tpu.vector_store %arg9[%parallel_loop3A_366, %parallel_loop3A_367], %parallel_loop3A_370 {add = true, strides = array<i32>} : memref<128x128xf32, #tpu.memory_space<vmem>>, vector<1x16xf32>,
      %parallel_loop3A_371 = arith.constant 0 : i32
      %parallel_loop3A_372 = arith.addi %parallel_loop3A_270, %parallel_loop3A_371 : i32
      %parallel_loop3A_373 = arith.index_cast %parallel_loop3A_372 : i32 to index
      %parallel_loop3A_374 = arith.constant 80 : index
      %parallel_loop3A_375 = tpu.vector_load %arg7[%parallel_loop3A_373, %parallel_loop3A_374] {strides = array<i32>} : memref<128x128xf32, #tpu.memory_space<vmem>>, vector<1x16xf32>,
      %parallel_loop3A_376 = vector.shape_cast %parallel_loop3A_375 : vector<1x16xf32> to vector<16xf32>
      %parallel_loop3A_377 = arith.constant 0 : i32
      %parallel_loop3A_378 = arith.addi %parallel_loop3A_270, %parallel_loop3A_377 : i32
      %parallel_loop3A_379 = arith.index_cast %parallel_loop3A_378 : i32 to index
      %parallel_loop3A_380 = arith.constant 80 : index
      %parallel_loop3A_381 = tpu.vector_load %arg8[%parallel_loop3A_379, %parallel_loop3A_380] {strides = array<i32>} : memref<128x128xf32, #tpu.memory_space<vmem>>, vector<1x16xf32>,
      %parallel_loop3A_382 = vector.shape_cast %parallel_loop3A_381 : vector<1x16xf32> to vector<16xf32>
      %parallel_loop3A_383 = vector.shape_cast %parallel_loop3A_376 : vector<16xf32> to vector<1x16xf32>
      tpu.vector_store %arg8[%parallel_loop3A_379, %parallel_loop3A_380], %parallel_loop3A_383 {add = true, strides = array<i32>} : memref<128x128xf32, #tpu.memory_space<vmem>>, vector<1x16xf32>,
      %parallel_loop3A_384 = arith.constant 0 : i32
      %parallel_loop3A_385 = arith.addi %parallel_loop3A_270, %parallel_loop3A_384 : i32
      %parallel_loop3A_386 = arith.index_cast %parallel_loop3A_385 : i32 to index
      %parallel_loop3A_387 = arith.constant 80 : index
      %parallel_loop3A_388 = tpu.vector_load %arg9[%parallel_loop3A_386, %parallel_loop3A_387] {strides = array<i32>} : memref<128x128xf32, #tpu.memory_space<vmem>>, vector<1x16xf32>,
      %parallel_loop3A_389 = vector.shape_cast %parallel_loop3A_388 : vector<1x16xf32> to vector<16xf32>
      %parallel_loop3A_390 = vector.shape_cast %parallel_loop3A_376 : vector<16xf32> to vector<1x16xf32>
      tpu.vector_store %arg9[%parallel_loop3A_386, %parallel_loop3A_387], %parallel_loop3A_390 {add = true, strides = array<i32>} : memref<128x128xf32, #tpu.memory_space<vmem>>, vector<1x16xf32>,
      %parallel_loop3A_391 = arith.constant 0 : i32
      %parallel_loop3A_392 = arith.addi %parallel_loop3A_270, %parallel_loop3A_391 : i32
      %parallel_loop3A_393 = arith.index_cast %parallel_loop3A_392 : i32 to index
      %parallel_loop3A_394 = arith.constant 96 : index
      %parallel_loop3A_395 = tpu.vector_load %arg7[%parallel_loop3A_393, %parallel_loop3A_394] {strides = array<i32>} : memref<128x128xf32, #tpu.memory_space<vmem>>, vector<1x16xf32>,
      %parallel_loop3A_396 = vector.shape_cast %parallel_loop3A_395 : vector<1x16xf32> to vector<16xf32>
      %parallel_loop3A_397 = arith.constant 0 : i32
      %parallel_loop3A_398 = arith.addi %parallel_loop3A_270, %parallel_loop3A_397 : i32
      %parallel_loop3A_399 = arith.index_cast %parallel_loop3A_398 : i32 to index
      %parallel_loop3A_400 = arith.constant 96 : index
      %parallel_loop3A_401 = tpu.vector_load %arg8[%parallel_loop3A_399, %parallel_loop3A_400] {strides = array<i32>} : memref<128x128xf32, #tpu.memory_space<vmem>>, vector<1x16xf32>,
      %parallel_loop3A_402 = vector.shape_cast %parallel_loop3A_401 : vector<1x16xf32> to vector<16xf32>
      %parallel_loop3A_403 = vector.shape_cast %parallel_loop3A_396 : vector<16xf32> to vector<1x16xf32>
      tpu.vector_store %arg8[%parallel_loop3A_399, %parallel_loop3A_400], %parallel_loop3A_403 {add = true, strides = array<i32>} : memref<128x128xf32, #tpu.memory_space<vmem>>, vector<1x16xf32>,
      %parallel_loop3A_404 = arith.constant 0 : i32
      %parallel_loop3A_405 = arith.addi %parallel_loop3A_270, %parallel_loop3A_404 : i32
      %parallel_loop3A_406 = arith.index_cast %parallel_loop3A_405 : i32 to index
      %parallel_loop3A_407 = arith.constant 96 : index
      %parallel_loop3A_408 = tpu.vector_load %arg9[%parallel_loop3A_406, %parallel_loop3A_407] {strides = array<i32>} : memref<128x128xf32, #tpu.memory_space<vmem>>, vector<1x16xf32>,
      %parallel_loop3A_409 = vector.shape_cast %parallel_loop3A_408 : vector<1x16xf32> to vector<16xf32>
      %parallel_loop3A_410 = vector.shape_cast %parallel_loop3A_396 : vector<16xf32> to vector<1x16xf32>
      tpu.vector_store %arg9[%parallel_loop3A_406, %parallel_loop3A_407], %parallel_loop3A_410 {add = true, strides = array<i32>} : memref<128x128xf32, #tpu.memory_space<vmem>>, vector<1x16xf32>,
      %parallel_loop3A_411 = arith.constant 0 : i32
      %parallel_loop3A_412 = arith.addi %parallel_loop3A_270, %parallel_loop3A_411 : i32
      %parallel_loop3A_413 = arith.index_cast %parallel_loop3A_412 : i32 to index
      %parallel_loop3A_414 = arith.constant 112 : index
      %parallel_loop3A_415 = tpu.vector_load %arg7[%parallel_loop3A_413, %parallel_loop3A_414] {strides = array<i32>} : memref<128x128xf32, #tpu.memory_space<vmem>>, vector<1x16xf32>,
      %parallel_loop3A_416 = vector.shape_cast %parallel_loop3A_415 : vector<1x16xf32> to vector<16xf32>
      %parallel_loop3A_417 = arith.constant 0 : i32
      %parallel_loop3A_418 = arith.addi %parallel_loop3A_270, %parallel_loop3A_417 : i32
      %parallel_loop3A_419 = arith.index_cast %parallel_loop3A_418 : i32 to index
      %parallel_loop3A_420 = arith.constant 112 : index
      %parallel_loop3A_421 = tpu.vector_load %arg8[%parallel_loop3A_419, %parallel_loop3A_420] {strides = array<i32>} : memref<128x128xf32, #tpu.memory_space<vmem>>, vector<1x16xf32>,
      %parallel_loop3A_422 = vector.shape_cast %parallel_loop3A_421 : vector<1x16xf32> to vector<16xf32>
      %parallel_loop3A_423 = vector.shape_cast %parallel_loop3A_416 : vector<16xf32> to vector<1x16xf32>
      tpu.vector_store %arg8[%parallel_loop3A_419, %parallel_loop3A_420], %parallel_loop3A_423 {add = true, strides = array<i32>} : memref<128x128xf32, #tpu.memory_space<vmem>>, vector<1x16xf32>,
      %parallel_loop3A_424 = arith.constant 0 : i32
      %parallel_loop3A_425 = arith.addi %parallel_loop3A_270, %parallel_loop3A_424 : i32
      %parallel_loop3A_426 = arith.index_cast %parallel_loop3A_425 : i32 to index
      %parallel_loop3A_427 = arith.constant 112 : index
      %parallel_loop3A_428 = tpu.vector_load %arg9[%parallel_loop3A_426, %parallel_loop3A_427] {strides = array<i32>} : memref<128x128xf32, #tpu.memory_space<vmem>>, vector<1x16xf32>,
      %parallel_loop3A_429 = vector.shape_cast %parallel_loop3A_428 : vector<1x16xf32> to vector<16xf32>
      %parallel_loop3A_430 = vector.shape_cast %parallel_loop3A_416 : vector<16xf32> to vector<1x16xf32>
      tpu.vector_store %arg9[%parallel_loop3A_426, %parallel_loop3A_427], %parallel_loop3A_430 {add = true, strides = array<i32>} : memref<128x128xf32, #tpu.memory_space<vmem>>, vector<1x16xf32>,
      %parallel_loop3A_431 = arith.constant 1 : i32
      %parallel_loop3A_432 = arith.addi %parallel_loop3A_270, %parallel_loop3A_431 : i32
      %parallel_loop3A_433 = arith.index_cast %parallel_loop3A_432 : i32 to index
      %parallel_loop3A_434 = arith.constant 0 : index
      %parallel_loop3A_435 = tpu.vector_load %arg7[%parallel_loop3A_433, %parallel_loop3A_434] {strides = array<i32>} : memref<128x128xf32, #tpu.memory_space<vmem>>, vector<1x16xf32>,
      %parallel_loop3A_436 = vector.shape_cast %parallel_loop3A_435 : vector<1x16xf32> to vector<16xf32>
      %parallel_loop3A_437 = arith.constant 1 : i32
      %parallel_loop3A_438 = arith.addi %parallel_loop3A_270, %parallel_loop3A_437 : i32
      %parallel_loop3A_439 = arith.index_cast %parallel_loop3A_438 : i32 to index
      %parallel_loop3A_440 = arith.constant 0 : index
      %parallel_loop3A_441 = tpu.vector_load %arg8[%parallel_loop3A_439, %parallel_loop3A_440] {strides = array<i32>} : memref<128x128xf32, #tpu.memory_space<vmem>>, vector<1x16xf32>,
      %parallel_loop3A_442 = vector.shape_cast %parallel_loop3A_441 : vector<1x16xf32> to vector<16xf32>
      %parallel_loop3A_443 = vector.shape_cast %parallel_loop3A_436 : vector<16xf32> to vector<1x16xf32>
      tpu.vector_store %arg8[%parallel_loop3A_439, %parallel_loop3A_440], %parallel_loop3A_443 {add = true, strides = array<i32>} : memref<128x128xf32, #tpu.memory_space<vmem>>, vector<1x16xf32>,
      %parallel_loop3A_444 = arith.constant 1 : i32
      %parallel_loop3A_445 = arith.addi %parallel_loop3A_270, %parallel_loop3A_444 : i32
      %parallel_loop3A_446 = arith.index_cast %parallel_loop3A_445 : i32 to index
      %parallel_loop3A_447 = arith.constant 0 : index
      %parallel_loop3A_448 = tpu.vector_load %arg9[%parallel_loop3A_446, %parallel_loop3A_447] {strides = array<i32>} : memref<128x128xf32, #tpu.memory_space<vmem>>, vector<1x16xf32>,
      %parallel_loop3A_449 = vector.shape_cast %parallel_loop3A_448 : vector<1x16xf32> to vector<16xf32>
      %parallel_loop3A_450 = vector.shape_cast %parallel_loop3A_436 : vector<16xf32> to vector<1x16xf32>
      tpu.vector_store %arg9[%parallel_loop3A_446, %parallel_loop3A_447], %parallel_loop3A_450 {add = true, strides = array<i32>} : memref<128x128xf32, #tpu.memory_space<vmem>>, vector<1x16xf32>,
      %parallel_loop3A_451 = arith.constant 1 : i32
      %parallel_loop3A_452 = arith.addi %parallel_loop3A_270, %parallel_loop3A_451 : i32
      %parallel_loop3A_453 = arith.index_cast %parallel_loop3A_452 : i32 to index
      %parallel_loop3A_454 = arith.constant 16 : index
      %parallel_loop3A_455 = tpu.vector_load %arg7[%parallel_loop3A_453, %parallel_loop3A_454] {strides = array<i32>} : memref<128x128xf32, #tpu.memory_space<vmem>>, vector<1x16xf32>,
      %parallel_loop3A_456 = vector.shape_cast %parallel_loop3A_455 : vector<1x16xf32> to vector<16xf32>
      %parallel_loop3A_457 = arith.constant 1 : i32
      %parallel_loop3A_458 = arith.addi %parallel_loop3A_270, %parallel_loop3A_457 : i32
      %parallel_loop3A_459 = arith.index_cast %parallel_loop3A_458 : i32 to index
      %parallel_loop3A_460 = arith.constant 16 : index
      %parallel_loop3A_461 = tpu.vector_load %arg8[%parallel_loop3A_459, %parallel_loop3A_460] {strides = array<i32>} : memref<128x128xf32, #tpu.memory_space<vmem>>, vector<1x16xf32>,
      %parallel_loop3A_462 = vector.shape_cast %parallel_loop3A_461 : vector<1x16xf32> to vector<16xf32>
      %parallel_loop3A_463 = vector.shape_cast %parallel_loop3A_456 : vector<16xf32> to vector<1x16xf32>
      tpu.vector_store %arg8[%parallel_loop3A_459, %parallel_loop3A_460], %parallel_loop3A_463 {add = true, strides = array<i32>} : memref<128x128xf32, #tpu.memory_space<vmem>>, vector<1x16xf32>,
      %parallel_loop3A_464 = arith.constant 1 : i32
      %parallel_loop3A_465 = arith.addi %parallel_loop3A_270, %parallel_loop3A_464 : i32
      %parallel_loop3A_466 = arith.index_cast %parallel_loop3A_465 : i32 to index
      %parallel_loop3A_467 = arith.constant 16 : index
      %parallel_loop3A_468 = tpu.vector_load %arg9[%parallel_loop3A_466, %parallel_loop3A_467] {strides = array<i32>} : memref<128x128xf32, #tpu.memory_space<vmem>>, vector<1x16xf32>,
      %parallel_loop3A_469 = vector.shape_cast %parallel_loop3A_468 : vector<1x16xf32> to vector<16xf32>
      %parallel_loop3A_470 = vector.shape_cast %parallel_loop3A_456 : vector<16xf32> to vector<1x16xf32>
      tpu.vector_store %arg9[%parallel_loop3A_466, %parallel_loop3A_467], %parallel_loop3A_470 {add = true, strides = array<i32>} : memref<128x128xf32, #tpu.memory_space<vmem>>, vector<1x16xf32>,
      %parallel_loop3A_471 = arith.constant 1 : i32
      %parallel_loop3A_472 = arith.addi %parallel_loop3A_270, %parallel_loop3A_471 : i32
      %parallel_loop3A_473 = arith.index_cast %parallel_loop3A_472 : i32 to index
      %parallel_loop3A_474 = arith.constant 32 : index
      %parallel_loop3A_475 = tpu.vector_load %arg7[%parallel_loop3A_473, %parallel_loop3A_474] {strides = array<i32>} : memref<128x128xf32, #tpu.memory_space<vmem>>, vector<1x16xf32>,
      %parallel_loop3A_476 = vector.shape_cast %parallel_loop3A_475 : vector<1x16xf32> to vector<16xf32>
      %parallel_loop3A_477 = arith.constant 1 : i32
      %parallel_loop3A_478 = arith.addi %parallel_loop3A_270, %parallel_loop3A_477 : i32
      %parallel_loop3A_479 = arith.index_cast %parallel_loop3A_478 : i32 to index
      %parallel_loop3A_480 = arith.constant 32 : index
      %parallel_loop3A_481 = tpu.vector_load %arg8[%parallel_loop3A_479, %parallel_loop3A_480] {strides = array<i32>} : memref<128x128xf32, #tpu.memory_space<vmem>>, vector<1x16xf32>,
      %parallel_loop3A_482 = vector.shape_cast %parallel_loop3A_481 : vector<1x16xf32> to vector<16xf32>
      %parallel_loop3A_483 = vector.shape_cast %parallel_loop3A_476 : vector<16xf32> to vector<1x16xf32>
      tpu.vector_store %arg8[%parallel_loop3A_479, %parallel_loop3A_480], %parallel_loop3A_483 {add = true, strides = array<i32>} : memref<128x128xf32, #tpu.memory_space<vmem>>, vector<1x16xf32>,
      %parallel_loop3A_484 = arith.constant 1 : i32
      %parallel_loop3A_485 = arith.addi %parallel_loop3A_270, %parallel_loop3A_484 : i32
      %parallel_loop3A_486 = arith.index_cast %parallel_loop3A_485 : i32 to index
      %parallel_loop3A_487 = arith.constant 32 : index
      %parallel_loop3A_488 = tpu.vector_load %arg9[%parallel_loop3A_486, %parallel_loop3A_487] {strides = array<i32>} : memref<128x128xf32, #tpu.memory_space<vmem>>, vector<1x16xf32>,
      %parallel_loop3A_489 = vector.shape_cast %parallel_loop3A_488 : vector<1x16xf32> to vector<16xf32>
      %parallel_loop3A_490 = vector.shape_cast %parallel_loop3A_476 : vector<16xf32> to vector<1x16xf32>
      tpu.vector_store %arg9[%parallel_loop3A_486, %parallel_loop3A_487], %parallel_loop3A_490 {add = true, strides = array<i32>} : memref<128x128xf32, #tpu.memory_space<vmem>>, vector<1x16xf32>,
      %parallel_loop3A_491 = arith.constant 1 : i32
      %parallel_loop3A_492 = arith.addi %parallel_loop3A_270, %parallel_loop3A_491 : i32
      %parallel_loop3A_493 = arith.index_cast %parallel_loop3A_492 : i32 to index
      %parallel_loop3A_494 = arith.constant 48 : index
      %parallel_loop3A_495 = tpu.vector_load %arg7[%parallel_loop3A_493, %parallel_loop3A_494] {strides = array<i32>} : memref<128x128xf32, #tpu.memory_space<vmem>>, vector<1x16xf32>,
      %parallel_loop3A_496 = vector.shape_cast %parallel_loop3A_495 : vector<1x16xf32> to vector<16xf32>
      %parallel_loop3A_497 = arith.constant 1 : i32
      %parallel_loop3A_498 = arith.addi %parallel_loop3A_270, %parallel_loop3A_497 : i32
      %parallel_loop3A_499 = arith.index_cast %parallel_loop3A_498 : i32 to index
      %parallel_loop3A_500 = arith.constant 48 : index
      %parallel_loop3A_501 = tpu.vector_load %arg8[%parallel_loop3A_499, %parallel_loop3A_500] {strides = array<i32>} : memref<128x128xf32, #tpu.memory_space<vmem>>, vector<1x16xf32>,
      %parallel_loop3A_502 = vector.shape_cast %parallel_loop3A_501 : vector<1x16xf32> to vector<16xf32>
      %parallel_loop3A_503 = vector.shape_cast %parallel_loop3A_496 : vector<16xf32> to vector<1x16xf32>
      tpu.vector_store %arg8[%parallel_loop3A_499, %parallel_loop3A_500], %parallel_loop3A_503 {add = true, strides = array<i32>} : memref<128x128xf32, #tpu.memory_space<vmem>>, vector<1x16xf32>,
      %parallel_loop3A_504 = arith.constant 1 : i32
      %parallel_loop3A_505 = arith.addi %parallel_loop3A_270, %parallel_loop3A_504 : i32
      %parallel_loop3A_506 = arith.index_cast %parallel_loop3A_505 : i32 to index
      %parallel_loop3A_507 = arith.constant 48 : index
      %parallel_loop3A_508 = tpu.vector_load %arg9[%parallel_loop3A_506, %parallel_loop3A_507] {strides = array<i32>} : memref<128x128xf32, #tpu.memory_space<vmem>>, vector<1x16xf32>,
      %parallel_loop3A_509 = vector.shape_cast %parallel_loop3A_508 : vector<1x16xf32> to vector<16xf32>
      %parallel_loop3A_510 = vector.shape_cast %parallel_loop3A_496 : vector<16xf32> to vector<1x16xf32>
      tpu.vector_store %arg9[%parallel_loop3A_506, %parallel_loop3A_507], %parallel_loop3A_510 {add = true, strides = array<i32>} : memref<128x128xf32, #tpu.memory_space<vmem>>, vector<1x16xf32>,
      %parallel_loop3A_511 = arith.constant 1 : i32
      %parallel_loop3A_512 = arith.addi %parallel_loop3A_270, %parallel_loop3A_511 : i32
      %parallel_loop3A_513 = arith.index_cast %parallel_loop3A_512 : i32 to index
      %parallel_loop3A_514 = arith.constant 64 : index
      %parallel_loop3A_515 = tpu.vector_load %arg7[%parallel_loop3A_513, %parallel_loop3A_514] {strides = array<i32>} : memref<128x128xf32, #tpu.memory_space<vmem>>, vector<1x16xf32>,
      %parallel_loop3A_516 = vector.shape_cast %parallel_loop3A_515 : vector<1x16xf32> to vector<16xf32>
      %parallel_loop3A_517 = arith.constant 1 : i32
      %parallel_loop3A_518 = arith.addi %parallel_loop3A_270, %parallel_loop3A_517 : i32
      %parallel_loop3A_519 = arith.index_cast %parallel_loop3A_518 : i32 to index
      %parallel_loop3A_520 = arith.constant 64 : index
      %parallel_loop3A_521 = tpu.vector_load %arg8[%parallel_loop3A_519, %parallel_loop3A_520] {strides = array<i32>} : memref<128x128xf32, #tpu.memory_space<vmem>>, vector<1x16xf32>,
      %parallel_loop3A_522 = vector.shape_cast %parallel_loop3A_521 : vector<1x16xf32> to vector<16xf32>
      %parallel_loop3A_523 = vector.shape_cast %parallel_loop3A_516 : vector<16xf32> to vector<1x16xf32>
      tpu.vector_store %arg8[%parallel_loop3A_519, %parallel_loop3A_520], %parallel_loop3A_523 {add = true, strides = array<i32>} : memref<128x128xf32, #tpu.memory_space<vmem>>, vector<1x16xf32>,
      %parallel_loop3A_524 = arith.constant 1 : i32
      %parallel_loop3A_525 = arith.addi %parallel_loop3A_270, %parallel_loop3A_524 : i32
      %parallel_loop3A_526 = arith.index_cast %parallel_loop3A_525 : i32 to index
      %parallel_loop3A_527 = arith.constant 64 : index
      %parallel_loop3A_528 = tpu.vector_load %arg9[%parallel_loop3A_526, %parallel_loop3A_527] {strides = array<i32>} : memref<128x128xf32, #tpu.memory_space<vmem>>, vector<1x16xf32>,
      %parallel_loop3A_529 = vector.shape_cast %parallel_loop3A_528 : vector<1x16xf32> to vector<16xf32>
      %parallel_loop3A_530 = vector.shape_cast %parallel_loop3A_516 : vector<16xf32> to vector<1x16xf32>
      tpu.vector_store %arg9[%parallel_loop3A_526, %parallel_loop3A_527], %parallel_loop3A_530 {add = true, strides = array<i32>} : memref<128x128xf32, #tpu.memory_space<vmem>>, vector<1x16xf32>,
      %parallel_loop3A_531 = arith.constant 1 : i32
      %parallel_loop3A_532 = arith.addi %parallel_loop3A_270, %parallel_loop3A_531 : i32
      %parallel_loop3A_533 = arith.index_cast %parallel_loop3A_532 : i32 to index
      %parallel_loop3A_534 = arith.constant 80 : index
      %parallel_loop3A_535 = tpu.vector_load %arg7[%parallel_loop3A_533, %parallel_loop3A_534] {strides = array<i32>} : memref<128x128xf32, #tpu.memory_space<vmem>>, vector<1x16xf32>,
      %parallel_loop3A_536 = vector.shape_cast %parallel_loop3A_535 : vector<1x16xf32> to vector<16xf32>
      %parallel_loop3A_537 = arith.constant 1 : i32
      %parallel_loop3A_538 = arith.addi %parallel_loop3A_270, %parallel_loop3A_537 : i32
      %parallel_loop3A_539 = arith.index_cast %parallel_loop3A_538 : i32 to index
      %parallel_loop3A_540 = arith.constant 80 : index
      %parallel_loop3A_541 = tpu.vector_load %arg8[%parallel_loop3A_539, %parallel_loop3A_540] {strides = array<i32>} : memref<128x128xf32, #tpu.memory_space<vmem>>, vector<1x16xf32>,
      %parallel_loop3A_542 = vector.shape_cast %parallel_loop3A_541 : vector<1x16xf32> to vector<16xf32>
      %parallel_loop3A_543 = vector.shape_cast %parallel_loop3A_536 : vector<16xf32> to vector<1x16xf32>
      tpu.vector_store %arg8[%parallel_loop3A_539, %parallel_loop3A_540], %parallel_loop3A_543 {add = true, strides = array<i32>} : memref<128x128xf32, #tpu.memory_space<vmem>>, vector<1x16xf32>,
      %parallel_loop3A_544 = arith.constant 1 : i32
      %parallel_loop3A_545 = arith.addi %parallel_loop3A_270, %parallel_loop3A_544 : i32
      %parallel_loop3A_546 = arith.index_cast %parallel_loop3A_545 : i32 to index
      %parallel_loop3A_547 = arith.constant 80 : index
      %parallel_loop3A_548 = tpu.vector_load %arg9[%parallel_loop3A_546, %parallel_loop3A_547] {strides = array<i32>} : memref<128x128xf32, #tpu.memory_space<vmem>>, vector<1x16xf32>,
      %parallel_loop3A_549 = vector.shape_cast %parallel_loop3A_548 : vector<1x16xf32> to vector<16xf32>
      %parallel_loop3A_550 = vector.shape_cast %parallel_loop3A_536 : vector<16xf32> to vector<1x16xf32>
      tpu.vector_store %arg9[%parallel_loop3A_546, %parallel_loop3A_547], %parallel_loop3A_550 {add = true, strides = array<i32>} : memref<128x128xf32, #tpu.memory_space<vmem>>, vector<1x16xf32>,
      %parallel_loop3A_551 = arith.constant 1 : i32
      %parallel_loop3A_552 = arith.addi %parallel_loop3A_270, %parallel_loop3A_551 : i32
      %parallel_loop3A_553 = arith.index_cast %parallel_loop3A_552 : i32 to index
      %parallel_loop3A_554 = arith.constant 96 : index
      %parallel_loop3A_555 = tpu.vector_load %arg7[%parallel_loop3A_553, %parallel_loop3A_554] {strides = array<i32>} : memref<128x128xf32, #tpu.memory_space<vmem>>, vector<1x16xf32>,
      %parallel_loop3A_556 = vector.shape_cast %parallel_loop3A_555 : vector<1x16xf32> to vector<16xf32>
      %parallel_loop3A_557 = arith.constant 1 : i32
      %parallel_loop3A_558 = arith.addi %parallel_loop3A_270, %parallel_loop3A_557 : i32
      %parallel_loop3A_559 = arith.index_cast %parallel_loop3A_558 : i32 to index
      %parallel_loop3A_560 = arith.constant 96 : index
      %parallel_loop3A_561 = tpu.vector_load %arg8[%parallel_loop3A_559, %parallel_loop3A_560] {strides = array<i32>} : memref<128x128xf32, #tpu.memory_space<vmem>>, vector<1x16xf32>,
      %parallel_loop3A_562 = vector.shape_cast %parallel_loop3A_561 : vector<1x16xf32> to vector<16xf32>
      %parallel_loop3A_563 = vector.shape_cast %parallel_loop3A_556 : vector<16xf32> to vector<1x16xf32>
      tpu.vector_store %arg8[%parallel_loop3A_559, %parallel_loop3A_560], %parallel_loop3A_563 {add = true, strides = array<i32>} : memref<128x128xf32, #tpu.memory_space<vmem>>, vector<1x16xf32>,
      %parallel_loop3A_564 = arith.constant 1 : i32
      %parallel_loop3A_565 = arith.addi %parallel_loop3A_270, %parallel_loop3A_564 : i32
      %parallel_loop3A_566 = arith.index_cast %parallel_loop3A_565 : i32 to index
      %parallel_loop3A_567 = arith.constant 96 : index
      %parallel_loop3A_568 = tpu.vector_load %arg9[%parallel_loop3A_566, %parallel_loop3A_567] {strides = array<i32>} : memref<128x128xf32, #tpu.memory_space<vmem>>, vector<1x16xf32>,
      %parallel_loop3A_569 = vector.shape_cast %parallel_loop3A_568 : vector<1x16xf32> to vector<16xf32>
      %parallel_loop3A_570 = vector.shape_cast %parallel_loop3A_556 : vector<16xf32> to vector<1x16xf32>
      tpu.vector_store %arg9[%parallel_loop3A_566, %parallel_loop3A_567], %parallel_loop3A_570 {add = true, strides = array<i32>} : memref<128x128xf32, #tpu.memory_space<vmem>>, vector<1x16xf32>,
      %parallel_loop3A_571 = arith.constant 1 : i32
      %parallel_loop3A_572 = arith.addi %parallel_loop3A_270, %parallel_loop3A_571 : i32
      %parallel_loop3A_573 = arith.index_cast %parallel_loop3A_572 : i32 to index
      %parallel_loop3A_574 = arith.constant 112 : index
      %parallel_loop3A_575 = tpu.vector_load %arg7[%parallel_loop3A_573, %parallel_loop3A_574] {strides = array<i32>} : memref<128x128xf32, #tpu.memory_space<vmem>>, vector<1x16xf32>,
      %parallel_loop3A_576 = vector.shape_cast %parallel_loop3A_575 : vector<1x16xf32> to vector<16xf32>
      %parallel_loop3A_577 = arith.constant 1 : i32
      %parallel_loop3A_578 = arith.addi %parallel_loop3A_270, %parallel_loop3A_577 : i32
      %parallel_loop3A_579 = arith.index_cast %parallel_loop3A_578 : i32 to index
      %parallel_loop3A_580 = arith.constant 112 : index
      %parallel_loop3A_581 = tpu.vector_load %arg8[%parallel_loop3A_579, %parallel_loop3A_580] {strides = array<i32>} : memref<128x128xf32, #tpu.memory_space<vmem>>, vector<1x16xf32>,
      %parallel_loop3A_582 = vector.shape_cast %parallel_loop3A_581 : vector<1x16xf32> to vector<16xf32>
      %parallel_loop3A_583 = vector.shape_cast %parallel_loop3A_576 : vector<16xf32> to vector<1x16xf32>
      tpu.vector_store %arg8[%parallel_loop3A_579, %parallel_loop3A_580], %parallel_loop3A_583 {add = true, strides = array<i32>} : memref<128x128xf32, #tpu.memory_space<vmem>>, vector<1x16xf32>,
      %parallel_loop3A_584 = arith.constant 1 : i32
      %parallel_loop3A_585 = arith.addi %parallel_loop3A_270, %parallel_loop3A_584 : i32
      %parallel_loop3A_586 = arith.index_cast %parallel_loop3A_585 : i32 to index
      %parallel_loop3A_587 = arith.constant 112 : index
      %parallel_loop3A_588 = tpu.vector_load %arg9[%parallel_loop3A_586, %parallel_loop3A_587] {strides = array<i32>} : memref<128x128xf32, #tpu.memory_space<vmem>>, vector<1x16xf32>,
      %parallel_loop3A_589 = vector.shape_cast %parallel_loop3A_588 : vector<1x16xf32> to vector<16xf32>
      %parallel_loop3A_590 = vector.shape_cast %parallel_loop3A_576 : vector<16xf32> to vector<1x16xf32>
      tpu.vector_store %arg9[%parallel_loop3A_586, %parallel_loop3A_587], %parallel_loop3A_590 {add = true, strides = array<i32>} : memref<128x128xf32, #tpu.memory_space<vmem>>, vector<1x16xf32>,
    } {sc.loop_unroll_factor = 1 : i64, sc.parallel_access}
    %mul3A_71 = arith.constant 8 : i32
    %mul3A_72 = arith.muli %select_n3A, %mul3A_71 : i32
    %add3A_73 = arith.constant 0 : i32
    %add3A_74 = arith.addi %mul3A_72, %add3A_73 : i32
    %mul3A_75 = arith.constant 2048 : i32
    %mul3A_76 = arith.muli %add3A_74, %mul3A_75 : i32
    %add3A_77 = arith.addi %mul3A_76, %mul3A_20 : i32
    %dma_start3A_78 = arith.constant 0 : i32
    %dma_start3A_79 = tpu.memref_slice %arg5[%add3A_77, %dma_start3A_78] : memref<32768x128xf32, #tpu.memory_space<hbm>> -> memref<128x128xf32, #tpu.memory_space<hbm>>
    %dma_start3A_80 = arith.constant 0 : i32
    %dma_start3A_81 = tpu.memref_slice %arg5[%add3A_77, %dma_start3A_80] : memref<32768x128xf32, #tpu.memory_space<hbm>> -> memref<128x128xf32, #tpu.memory_space<hbm>>
    tpu.enqueue_dma source(%arg8 : memref<128x128xf32, #tpu.memory_space<vmem>>) target(%dma_start3A_81 : memref<128x128xf32, #tpu.memory_space<hbm>>) target_semaphore(%arg16 : memref<!tpu.dma_semaphore, #tpu.memory_space<semaphore_mem>>)
    %mul3A_82 = arith.constant 8 : i32
    %mul3A_83 = arith.muli %select_n3A, %mul3A_82 : i32
    %add3A_84 = arith.constant 1 : i32
    %add3A_85 = arith.addi %mul3A_83, %add3A_84 : i32
    %mul3A_86 = arith.constant 2048 : i32
    %mul3A_87 = arith.muli %add3A_85, %mul3A_86 : i32
    %add3A_88 = arith.addi %mul3A_87, %mul3A_20 : i32
    %dma_start3A_89 = arith.constant 0 : i32
    %dma_start3A_90 = tpu.memref_slice %arg5[%add3A_88, %dma_start3A_89] : memref<32768x128xf32, #tpu.memory_space<hbm>> -> memref<128x128xf32, #tpu.memory_space<hbm>>
    %dma_start3A_91 = arith.constant 0 : i32
    %dma_start3A_92 = tpu.memref_slice %arg5[%add3A_88, %dma_start3A_91] : memref<32768x128xf32, #tpu.memory_space<hbm>> -> memref<128x128xf32, #tpu.memory_space<hbm>>
    tpu.enqueue_dma source(%arg9 : memref<128x128xf32, #tpu.memory_space<vmem>>) target(%dma_start3A_92 : memref<128x128xf32, #tpu.memory_space<hbm>>) target_semaphore(%arg17 : memref<!tpu.dma_semaphore, #tpu.memory_space<semaphore_mem>>)
    %dma_wait3A_93 = arith.constant 2 : i32
    %dma_wait3A_94 = arith.constant 0 : i32
    %dma_wait3A_95 = tpu.memref_slice %arg6[%dma_wait3A_93, %dma_wait3A_94] : memref<8x128xi32, #tpu.memory_space<vmem>> -> memref<1x128xi32, #tpu.memory_space<vmem>>
    %dma_wait3A_96 = tpu.memref_squeeze %dma_wait3A_95 : memref<1x128xi32, #tpu.memory_space<vmem>> -> memref<128xi32, #tpu.memory_space<vmem>>
    %dma_wait3A_97 = arith.constant 0 : i32
    %dma_wait3A_98 = arith.constant 0 : i32
    %dma_wait3A_99 = tpu.memref_slice %arg3[%dma_wait3A_97, %dma_wait3A_98] : memref<100000x128xf32, #tpu.memory_space<hbm>> -> memref<100000x128xf32, #tpu.memory_space<hbm>>
    tpu.wait_indirect_dma semaphore(%arg14 : memref<!tpu.dma_semaphore, #tpu.memory_space<semaphore_mem>>) src(%dma_wait3A_99 : memref<100000x128xf32, #tpu.memory_space<hbm>>) dst(%arg10 : memref<128x128xf32, #tpu.memory_space<vmem>>)
    %dma_wait3A_100 = arith.constant 3 : i32
    %dma_wait3A_101 = arith.constant 0 : i32
    %dma_wait3A_102 = tpu.memref_slice %arg6[%dma_wait3A_100, %dma_wait3A_101] : memref<8x128xi32, #tpu.memory_space<vmem>> -> memref<1x128xi32, #tpu.memory_space<vmem>>
    %dma_wait3A_103 = tpu.memref_squeeze %dma_wait3A_102 : memref<1x128xi32, #tpu.memory_space<vmem>> -> memref<128xi32, #tpu.memory_space<vmem>>
    %dma_wait3A_104 = arith.constant 0 : i32
    %dma_wait3A_105 = arith.constant 0 : i32
    %dma_wait3A_106 = tpu.memref_slice %arg3[%dma_wait3A_104, %dma_wait3A_105] : memref<100000x128xf32, #tpu.memory_space<hbm>> -> memref<100000x128xf32, #tpu.memory_space<hbm>>
    tpu.wait_indirect_dma semaphore(%arg15 : memref<!tpu.dma_semaphore, #tpu.memory_space<semaphore_mem>>) src(%dma_wait3A_106 : memref<100000x128xf32, #tpu.memory_space<hbm>>) dst(%arg11 : memref<128x128xf32, #tpu.memory_space<vmem>>)
    %dma_wait3A_107 = arith.constant 0 : i32
    %dma_wait3A_108 = tpu.memref_slice %arg5[%add3A_77, %dma_wait3A_107] : memref<32768x128xf32, #tpu.memory_space<hbm>> -> memref<128x128xf32, #tpu.memory_space<hbm>>
    %dma_wait3A_109 = arith.constant 0 : i32
    %dma_wait3A_110 = tpu.memref_slice %arg5[%add3A_77, %dma_wait3A_109] : memref<32768x128xf32, #tpu.memory_space<hbm>> -> memref<128x128xf32, #tpu.memory_space<hbm>>
    tpu.wait_dma2 semaphore(%arg16 : memref<!tpu.dma_semaphore, #tpu.memory_space<semaphore_mem>>) src(%arg8 : memref<128x128xf32, #tpu.memory_space<vmem>>) dst(%dma_wait3A_110 : memref<128x128xf32, #tpu.memory_space<hbm>>)
    %dma_wait3A_111 = arith.constant 0 : i32
    %dma_wait3A_112 = tpu.memref_slice %arg5[%add3A_88, %dma_wait3A_111] : memref<32768x128xf32, #tpu.memory_space<hbm>> -> memref<128x128xf32, #tpu.memory_space<hbm>>
    %dma_wait3A_113 = arith.constant 0 : i32
    %dma_wait3A_114 = tpu.memref_slice %arg5[%add3A_88, %dma_wait3A_113] : memref<32768x128xf32, #tpu.memory_space<hbm>> -> memref<128x128xf32, #tpu.memory_space<hbm>>
    tpu.wait_dma2 semaphore(%arg17 : memref<!tpu.dma_semaphore, #tpu.memory_space<semaphore_mem>>) src(%arg9 : memref<128x128xf32, #tpu.memory_space<vmem>>) dst(%dma_wait3A_114 : memref<128x128xf32, #tpu.memory_space<hbm>>)
    %dma_start3A_115 = arith.constant 4 : i32
    %dma_start3A_116 = arith.constant 0 : i32
    %dma_start3A_117 = tpu.memref_slice %arg6[%dma_start3A_115, %dma_start3A_116] : memref<8x128xi32, #tpu.memory_space<vmem>> -> memref<1x128xi32, #tpu.memory_space<vmem>>
    %dma_start3A_118 = tpu.memref_squeeze %dma_start3A_117 : memref<1x128xi32, #tpu.memory_space<vmem>> -> memref<128xi32, #tpu.memory_space<vmem>>
    %dma_start3A_119 = arith.constant 0 : i32
    %dma_start3A_120 = arith.constant 0 : i32
    %dma_start3A_121 = tpu.memref_slice %arg3[%dma_start3A_119, %dma_start3A_120] : memref<100000x128xf32, #tpu.memory_space<hbm>> -> memref<100000x128xf32, #tpu.memory_space<hbm>>
    tpu.enqueue_indirect_dma source(%dma_start3A_121 : memref<100000x128xf32, #tpu.memory_space<hbm>>) target(%arg8 : memref<128x128xf32, #tpu.memory_space<vmem>>) offsets(%dma_start3A_118 : memref<128xi32, #tpu.memory_space<vmem>>) semaphore(%arg12 : memref<!tpu.dma_semaphore, #tpu.memory_space<semaphore_mem>>)
    %dma_start3A_122 = arith.constant 5 : i32
    %dma_start3A_123 = arith.constant 0 : i32
    %dma_start3A_124 = tpu.memref_slice %arg6[%dma_start3A_122, %dma_start3A_123] : memref<8x128xi32, #tpu.memory_space<vmem>> -> memref<1x128xi32, #tpu.memory_space<vmem>>
    %dma_start3A_125 = tpu.memref_squeeze %dma_start3A_124 : memref<1x128xi32, #tpu.memory_space<vmem>> -> memref<128xi32, #tpu.memory_space<vmem>>
    %dma_start3A_126 = arith.constant 0 : i32
    %dma_start3A_127 = arith.constant 0 : i32
    %dma_start3A_128 = tpu.memref_slice %arg3[%dma_start3A_126, %dma_start3A_127] : memref<100000x128xf32, #tpu.memory_space<hbm>> -> memref<100000x128xf32, #tpu.memory_space<hbm>>
    tpu.enqueue_indirect_dma source(%dma_start3A_128 : memref<100000x128xf32, #tpu.memory_space<hbm>>) target(%arg9 : memref<128x128xf32, #tpu.memory_space<vmem>>) offsets(%dma_start3A_125 : memref<128xi32, #tpu.memory_space<vmem>>) semaphore(%arg13 : memref<!tpu.dma_semaphore, #tpu.memory_space<semaphore_mem>>)
    %parallel_loop3A_129 = arith.constant 0 : i32
    %parallel_loop3A_130 = arith.constant 128 : i32
    %parallel_loop3A_131 = arith.constant 2 : i32
    scf.for %parallel_loop3A_270 = %parallel_loop3A_129 to %parallel_loop3A_130 step %parallel_loop3A_131  : i32 {
      %parallel_loop3A_271 = arith.constant 0 : i32
      %parallel_loop3A_272 = arith.addi %parallel_loop3A_270, %parallel_loop3A_271 : i32
      %parallel_loop3A_273 = arith.index_cast %parallel_loop3A_272 : i32 to index
      %parallel_loop3A_274 = arith.constant 0 : index
      %parallel_loop3A_275 = tpu.vector_load %arg7[%parallel_loop3A_273, %parallel_loop3A_274] {strides = array<i32>} : memref<128x128xf32, #tpu.memory_space<vmem>>, vector<1x16xf32>,
      %parallel_loop3A_276 = vector.shape_cast %parallel_loop3A_275 : vector<1x16xf32> to vector<16xf32>
      %parallel_loop3A_277 = arith.constant 0 : i32
      %parallel_loop3A_278 = arith.addi %parallel_loop3A_270, %parallel_loop3A_277 : i32
      %parallel_loop3A_279 = arith.index_cast %parallel_loop3A_278 : i32 to index
      %parallel_loop3A_280 = arith.constant 0 : index
      %parallel_loop3A_281 = tpu.vector_load %arg10[%parallel_loop3A_279, %parallel_loop3A_280] {strides = array<i32>} : memref<128x128xf32, #tpu.memory_space<vmem>>, vector<1x16xf32>,
      %parallel_loop3A_282 = vector.shape_cast %parallel_loop3A_281 : vector<1x16xf32> to vector<16xf32>
      %parallel_loop3A_283 = vector.shape_cast %parallel_loop3A_276 : vector<16xf32> to vector<1x16xf32>
      tpu.vector_store %arg10[%parallel_loop3A_279, %parallel_loop3A_280], %parallel_loop3A_283 {add = true, strides = array<i32>} : memref<128x128xf32, #tpu.memory_space<vmem>>, vector<1x16xf32>,
      %parallel_loop3A_284 = arith.constant 0 : i32
      %parallel_loop3A_285 = arith.addi %parallel_loop3A_270, %parallel_loop3A_284 : i32
      %parallel_loop3A_286 = arith.index_cast %parallel_loop3A_285 : i32 to index
      %parallel_loop3A_287 = arith.constant 0 : index
      %parallel_loop3A_288 = tpu.vector_load %arg11[%parallel_loop3A_286, %parallel_loop3A_287] {strides = array<i32>} : memref<128x128xf32, #tpu.memory_space<vmem>>, vector<1x16xf32>,
      %parallel_loop3A_289 = vector.shape_cast %parallel_loop3A_288 : vector<1x16xf32> to vector<16xf32>
      %parallel_loop3A_290 = vector.shape_cast %parallel_loop3A_276 : vector<16xf32> to vector<1x16xf32>
      tpu.vector_store %arg11[%parallel_loop3A_286, %parallel_loop3A_287], %parallel_loop3A_290 {add = true, strides = array<i32>} : memref<128x128xf32, #tpu.memory_space<vmem>>, vector<1x16xf32>,
      %parallel_loop3A_291 = arith.constant 0 : i32
      %parallel_loop3A_292 = arith.addi %parallel_loop3A_270, %parallel_loop3A_291 : i32
      %parallel_loop3A_293 = arith.index_cast %parallel_loop3A_292 : i32 to index
      %parallel_loop3A_294 = arith.constant 16 : index
      %parallel_loop3A_295 = tpu.vector_load %arg7[%parallel_loop3A_293, %parallel_loop3A_294] {strides = array<i32>} : memref<128x128xf32, #tpu.memory_space<vmem>>, vector<1x16xf32>,
      %parallel_loop3A_296 = vector.shape_cast %parallel_loop3A_295 : vector<1x16xf32> to vector<16xf32>
      %parallel_loop3A_297 = arith.constant 0 : i32
      %parallel_loop3A_298 = arith.addi %parallel_loop3A_270, %parallel_loop3A_297 : i32
      %parallel_loop3A_299 = arith.index_cast %parallel_loop3A_298 : i32 to index
      %parallel_loop3A_300 = arith.constant 16 : index
      %parallel_loop3A_301 = tpu.vector_load %arg10[%parallel_loop3A_299, %parallel_loop3A_300] {strides = array<i32>} : memref<128x128xf32, #tpu.memory_space<vmem>>, vector<1x16xf32>,
      %parallel_loop3A_302 = vector.shape_cast %parallel_loop3A_301 : vector<1x16xf32> to vector<16xf32>
      %parallel_loop3A_303 = vector.shape_cast %parallel_loop3A_296 : vector<16xf32> to vector<1x16xf32>
      tpu.vector_store %arg10[%parallel_loop3A_299, %parallel_loop3A_300], %parallel_loop3A_303 {add = true, strides = array<i32>} : memref<128x128xf32, #tpu.memory_space<vmem>>, vector<1x16xf32>,
      %parallel_loop3A_304 = arith.constant 0 : i32
      %parallel_loop3A_305 = arith.addi %parallel_loop3A_270, %parallel_loop3A_304 : i32
      %parallel_loop3A_306 = arith.index_cast %parallel_loop3A_305 : i32 to index
      %parallel_loop3A_307 = arith.constant 16 : index
      %parallel_loop3A_308 = tpu.vector_load %arg11[%parallel_loop3A_306, %parallel_loop3A_307] {strides = array<i32>} : memref<128x128xf32, #tpu.memory_space<vmem>>, vector<1x16xf32>,
      %parallel_loop3A_309 = vector.shape_cast %parallel_loop3A_308 : vector<1x16xf32> to vector<16xf32>
      %parallel_loop3A_310 = vector.shape_cast %parallel_loop3A_296 : vector<16xf32> to vector<1x16xf32>
      tpu.vector_store %arg11[%parallel_loop3A_306, %parallel_loop3A_307], %parallel_loop3A_310 {add = true, strides = array<i32>} : memref<128x128xf32, #tpu.memory_space<vmem>>, vector<1x16xf32>,
      %parallel_loop3A_311 = arith.constant 0 : i32
      %parallel_loop3A_312 = arith.addi %parallel_loop3A_270, %parallel_loop3A_311 : i32
      %parallel_loop3A_313 = arith.index_cast %parallel_loop3A_312 : i32 to index
      %parallel_loop3A_314 = arith.constant 32 : index
      %parallel_loop3A_315 = tpu.vector_load %arg7[%parallel_loop3A_313, %parallel_loop3A_314] {strides = array<i32>} : memref<128x128xf32, #tpu.memory_space<vmem>>, vector<1x16xf32>,
      %parallel_loop3A_316 = vector.shape_cast %parallel_loop3A_315 : vector<1x16xf32> to vector<16xf32>
      %parallel_loop3A_317 = arith.constant 0 : i32
      %parallel_loop3A_318 = arith.addi %parallel_loop3A_270, %parallel_loop3A_317 : i32
      %parallel_loop3A_319 = arith.index_cast %parallel_loop3A_318 : i32 to index
      %parallel_loop3A_320 = arith.constant 32 : index
      %parallel_loop3A_321 = tpu.vector_load %arg10[%parallel_loop3A_319, %parallel_loop3A_320] {strides = array<i32>} : memref<128x128xf32, #tpu.memory_space<vmem>>, vector<1x16xf32>,
      %parallel_loop3A_322 = vector.shape_cast %parallel_loop3A_321 : vector<1x16xf32> to vector<16xf32>
      %parallel_loop3A_323 = vector.shape_cast %parallel_loop3A_316 : vector<16xf32> to vector<1x16xf32>
      tpu.vector_store %arg10[%parallel_loop3A_319, %parallel_loop3A_320], %parallel_loop3A_323 {add = true, strides = array<i32>} : memref<128x128xf32, #tpu.memory_space<vmem>>, vector<1x16xf32>,
      %parallel_loop3A_324 = arith.constant 0 : i32
      %parallel_loop3A_325 = arith.addi %parallel_loop3A_270, %parallel_loop3A_324 : i32
      %parallel_loop3A_326 = arith.index_cast %parallel_loop3A_325 : i32 to index
      %parallel_loop3A_327 = arith.constant 32 : index
      %parallel_loop3A_328 = tpu.vector_load %arg11[%parallel_loop3A_326, %parallel_loop3A_327] {strides = array<i32>} : memref<128x128xf32, #tpu.memory_space<vmem>>, vector<1x16xf32>,
      %parallel_loop3A_329 = vector.shape_cast %parallel_loop3A_328 : vector<1x16xf32> to vector<16xf32>
      %parallel_loop3A_330 = vector.shape_cast %parallel_loop3A_316 : vector<16xf32> to vector<1x16xf32>
      tpu.vector_store %arg11[%parallel_loop3A_326, %parallel_loop3A_327], %parallel_loop3A_330 {add = true, strides = array<i32>} : memref<128x128xf32, #tpu.memory_space<vmem>>, vector<1x16xf32>,
      %parallel_loop3A_331 = arith.constant 0 : i32
      %parallel_loop3A_332 = arith.addi %parallel_loop3A_270, %parallel_loop3A_331 : i32
      %parallel_loop3A_333 = arith.index_cast %parallel_loop3A_332 : i32 to index
      %parallel_loop3A_334 = arith.constant 48 : index
      %parallel_loop3A_335 = tpu.vector_load %arg7[%parallel_loop3A_333, %parallel_loop3A_334] {strides = array<i32>} : memref<128x128xf32, #tpu.memory_space<vmem>>, vector<1x16xf32>,
      %parallel_loop3A_336 = vector.shape_cast %parallel_loop3A_335 : vector<1x16xf32> to vector<16xf32>
      %parallel_loop3A_337 = arith.constant 0 : i32
      %parallel_loop3A_338 = arith.addi %parallel_loop3A_270, %parallel_loop3A_337 : i32
      %parallel_loop3A_339 = arith.index_cast %parallel_loop3A_338 : i32 to index
      %parallel_loop3A_340 = arith.constant 48 : index
      %parallel_loop3A_341 = tpu.vector_load %arg10[%parallel_loop3A_339, %parallel_loop3A_340] {strides = array<i32>} : memref<128x128xf32, #tpu.memory_space<vmem>>, vector<1x16xf32>,
      %parallel_loop3A_342 = vector.shape_cast %parallel_loop3A_341 : vector<1x16xf32> to vector<16xf32>
      %parallel_loop3A_343 = vector.shape_cast %parallel_loop3A_336 : vector<16xf32> to vector<1x16xf32>
      tpu.vector_store %arg10[%parallel_loop3A_339, %parallel_loop3A_340], %parallel_loop3A_343 {add = true, strides = array<i32>} : memref<128x128xf32, #tpu.memory_space<vmem>>, vector<1x16xf32>,
      %parallel_loop3A_344 = arith.constant 0 : i32
      %parallel_loop3A_345 = arith.addi %parallel_loop3A_270, %parallel_loop3A_344 : i32
      %parallel_loop3A_346 = arith.index_cast %parallel_loop3A_345 : i32 to index
      %parallel_loop3A_347 = arith.constant 48 : index
      %parallel_loop3A_348 = tpu.vector_load %arg11[%parallel_loop3A_346, %parallel_loop3A_347] {strides = array<i32>} : memref<128x128xf32, #tpu.memory_space<vmem>>, vector<1x16xf32>,
      %parallel_loop3A_349 = vector.shape_cast %parallel_loop3A_348 : vector<1x16xf32> to vector<16xf32>
      %parallel_loop3A_350 = vector.shape_cast %parallel_loop3A_336 : vector<16xf32> to vector<1x16xf32>
      tpu.vector_store %arg11[%parallel_loop3A_346, %parallel_loop3A_347], %parallel_loop3A_350 {add = true, strides = array<i32>} : memref<128x128xf32, #tpu.memory_space<vmem>>, vector<1x16xf32>,
      %parallel_loop3A_351 = arith.constant 0 : i32
      %parallel_loop3A_352 = arith.addi %parallel_loop3A_270, %parallel_loop3A_351 : i32
      %parallel_loop3A_353 = arith.index_cast %parallel_loop3A_352 : i32 to index
      %parallel_loop3A_354 = arith.constant 64 : index
      %parallel_loop3A_355 = tpu.vector_load %arg7[%parallel_loop3A_353, %parallel_loop3A_354] {strides = array<i32>} : memref<128x128xf32, #tpu.memory_space<vmem>>, vector<1x16xf32>,
      %parallel_loop3A_356 = vector.shape_cast %parallel_loop3A_355 : vector<1x16xf32> to vector<16xf32>
      %parallel_loop3A_357 = arith.constant 0 : i32
      %parallel_loop3A_358 = arith.addi %parallel_loop3A_270, %parallel_loop3A_357 : i32
      %parallel_loop3A_359 = arith.index_cast %parallel_loop3A_358 : i32 to index
      %parallel_loop3A_360 = arith.constant 64 : index
      %parallel_loop3A_361 = tpu.vector_load %arg10[%parallel_loop3A_359, %parallel_loop3A_360] {strides = array<i32>} : memref<128x128xf32, #tpu.memory_space<vmem>>, vector<1x16xf32>,
      %parallel_loop3A_362 = vector.shape_cast %parallel_loop3A_361 : vector<1x16xf32> to vector<16xf32>
      %parallel_loop3A_363 = vector.shape_cast %parallel_loop3A_356 : vector<16xf32> to vector<1x16xf32>
      tpu.vector_store %arg10[%parallel_loop3A_359, %parallel_loop3A_360], %parallel_loop3A_363 {add = true, strides = array<i32>} : memref<128x128xf32, #tpu.memory_space<vmem>>, vector<1x16xf32>,
      %parallel_loop3A_364 = arith.constant 0 : i32
      %parallel_loop3A_365 = arith.addi %parallel_loop3A_270, %parallel_loop3A_364 : i32
      %parallel_loop3A_366 = arith.index_cast %parallel_loop3A_365 : i32 to index
      %parallel_loop3A_367 = arith.constant 64 : index
      %parallel_loop3A_368 = tpu.vector_load %arg11[%parallel_loop3A_366, %parallel_loop3A_367] {strides = array<i32>} : memref<128x128xf32, #tpu.memory_space<vmem>>, vector<1x16xf32>,
      %parallel_loop3A_369 = vector.shape_cast %parallel_loop3A_368 : vector<1x16xf32> to vector<16xf32>
      %parallel_loop3A_370 = vector.shape_cast %parallel_loop3A_356 : vector<16xf32> to vector<1x16xf32>
      tpu.vector_store %arg11[%parallel_loop3A_366, %parallel_loop3A_367], %parallel_loop3A_370 {add = true, strides = array<i32>} : memref<128x128xf32, #tpu.memory_space<vmem>>, vector<1x16xf32>,
      %parallel_loop3A_371 = arith.constant 0 : i32
      %parallel_loop3A_372 = arith.addi %parallel_loop3A_270, %parallel_loop3A_371 : i32
      %parallel_loop3A_373 = arith.index_cast %parallel_loop3A_372 : i32 to index
      %parallel_loop3A_374 = arith.constant 80 : index
      %parallel_loop3A_375 = tpu.vector_load %arg7[%parallel_loop3A_373, %parallel_loop3A_374] {strides = array<i32>} : memref<128x128xf32, #tpu.memory_space<vmem>>, vector<1x16xf32>,
      %parallel_loop3A_376 = vector.shape_cast %parallel_loop3A_375 : vector<1x16xf32> to vector<16xf32>
      %parallel_loop3A_377 = arith.constant 0 : i32
      %parallel_loop3A_378 = arith.addi %parallel_loop3A_270, %parallel_loop3A_377 : i32
      %parallel_loop3A_379 = arith.index_cast %parallel_loop3A_378 : i32 to index
      %parallel_loop3A_380 = arith.constant 80 : index
      %parallel_loop3A_381 = tpu.vector_load %arg10[%parallel_loop3A_379, %parallel_loop3A_380] {strides = array<i32>} : memref<128x128xf32, #tpu.memory_space<vmem>>, vector<1x16xf32>,
      %parallel_loop3A_382 = vector.shape_cast %parallel_loop3A_381 : vector<1x16xf32> to vector<16xf32>
      %parallel_loop3A_383 = vector.shape_cast %parallel_loop3A_376 : vector<16xf32> to vector<1x16xf32>
      tpu.vector_store %arg10[%parallel_loop3A_379, %parallel_loop3A_380], %parallel_loop3A_383 {add = true, strides = array<i32>} : memref<128x128xf32, #tpu.memory_space<vmem>>, vector<1x16xf32>,
      %parallel_loop3A_384 = arith.constant 0 : i32
      %parallel_loop3A_385 = arith.addi %parallel_loop3A_270, %parallel_loop3A_384 : i32
      %parallel_loop3A_386 = arith.index_cast %parallel_loop3A_385 : i32 to index
      %parallel_loop3A_387 = arith.constant 80 : index
      %parallel_loop3A_388 = tpu.vector_load %arg11[%parallel_loop3A_386, %parallel_loop3A_387] {strides = array<i32>} : memref<128x128xf32, #tpu.memory_space<vmem>>, vector<1x16xf32>,
      %parallel_loop3A_389 = vector.shape_cast %parallel_loop3A_388 : vector<1x16xf32> to vector<16xf32>
      %parallel_loop3A_390 = vector.shape_cast %parallel_loop3A_376 : vector<16xf32> to vector<1x16xf32>
      tpu.vector_store %arg11[%parallel_loop3A_386, %parallel_loop3A_387], %parallel_loop3A_390 {add = true, strides = array<i32>} : memref<128x128xf32, #tpu.memory_space<vmem>>, vector<1x16xf32>,
      %parallel_loop3A_391 = arith.constant 0 : i32
      %parallel_loop3A_392 = arith.addi %parallel_loop3A_270, %parallel_loop3A_391 : i32
      %parallel_loop3A_393 = arith.index_cast %parallel_loop3A_392 : i32 to index
      %parallel_loop3A_394 = arith.constant 96 : index
      %parallel_loop3A_395 = tpu.vector_load %arg7[%parallel_loop3A_393, %parallel_loop3A_394] {strides = array<i32>} : memref<128x128xf32, #tpu.memory_space<vmem>>, vector<1x16xf32>,
      %parallel_loop3A_396 = vector.shape_cast %parallel_loop3A_395 : vector<1x16xf32> to vector<16xf32>
      %parallel_loop3A_397 = arith.constant 0 : i32
      %parallel_loop3A_398 = arith.addi %parallel_loop3A_270, %parallel_loop3A_397 : i32
      %parallel_loop3A_399 = arith.index_cast %parallel_loop3A_398 : i32 to index
      %parallel_loop3A_400 = arith.constant 96 : index
      %parallel_loop3A_401 = tpu.vector_load %arg10[%parallel_loop3A_399, %parallel_loop3A_400] {strides = array<i32>} : memref<128x128xf32, #tpu.memory_space<vmem>>, vector<1x16xf32>,
      %parallel_loop3A_402 = vector.shape_cast %parallel_loop3A_401 : vector<1x16xf32> to vector<16xf32>
      %parallel_loop3A_403 = vector.shape_cast %parallel_loop3A_396 : vector<16xf32> to vector<1x16xf32>
      tpu.vector_store %arg10[%parallel_loop3A_399, %parallel_loop3A_400], %parallel_loop3A_403 {add = true, strides = array<i32>} : memref<128x128xf32, #tpu.memory_space<vmem>>, vector<1x16xf32>,
      %parallel_loop3A_404 = arith.constant 0 : i32
      %parallel_loop3A_405 = arith.addi %parallel_loop3A_270, %parallel_loop3A_404 : i32
      %parallel_loop3A_406 = arith.index_cast %parallel_loop3A_405 : i32 to index
      %parallel_loop3A_407 = arith.constant 96 : index
      %parallel_loop3A_408 = tpu.vector_load %arg11[%parallel_loop3A_406, %parallel_loop3A_407] {strides = array<i32>} : memref<128x128xf32, #tpu.memory_space<vmem>>, vector<1x16xf32>,
      %parallel_loop3A_409 = vector.shape_cast %parallel_loop3A_408 : vector<1x16xf32> to vector<16xf32>
      %parallel_loop3A_410 = vector.shape_cast %parallel_loop3A_396 : vector<16xf32> to vector<1x16xf32>
      tpu.vector_store %arg11[%parallel_loop3A_406, %parallel_loop3A_407], %parallel_loop3A_410 {add = true, strides = array<i32>} : memref<128x128xf32, #tpu.memory_space<vmem>>, vector<1x16xf32>,
      %parallel_loop3A_411 = arith.constant 0 : i32
      %parallel_loop3A_412 = arith.addi %parallel_loop3A_270, %parallel_loop3A_411 : i32
      %parallel_loop3A_413 = arith.index_cast %parallel_loop3A_412 : i32 to index
      %parallel_loop3A_414 = arith.constant 112 : index
      %parallel_loop3A_415 = tpu.vector_load %arg7[%parallel_loop3A_413, %parallel_loop3A_414] {strides = array<i32>} : memref<128x128xf32, #tpu.memory_space<vmem>>, vector<1x16xf32>,
      %parallel_loop3A_416 = vector.shape_cast %parallel_loop3A_415 : vector<1x16xf32> to vector<16xf32>
      %parallel_loop3A_417 = arith.constant 0 : i32
      %parallel_loop3A_418 = arith.addi %parallel_loop3A_270, %parallel_loop3A_417 : i32
      %parallel_loop3A_419 = arith.index_cast %parallel_loop3A_418 : i32 to index
      %parallel_loop3A_420 = arith.constant 112 : index
      %parallel_loop3A_421 = tpu.vector_load %arg10[%parallel_loop3A_419, %parallel_loop3A_420] {strides = array<i32>} : memref<128x128xf32, #tpu.memory_space<vmem>>, vector<1x16xf32>,
      %parallel_loop3A_422 = vector.shape_cast %parallel_loop3A_421 : vector<1x16xf32> to vector<16xf32>
      %parallel_loop3A_423 = vector.shape_cast %parallel_loop3A_416 : vector<16xf32> to vector<1x16xf32>
      tpu.vector_store %arg10[%parallel_loop3A_419, %parallel_loop3A_420], %parallel_loop3A_423 {add = true, strides = array<i32>} : memref<128x128xf32, #tpu.memory_space<vmem>>, vector<1x16xf32>,
      %parallel_loop3A_424 = arith.constant 0 : i32
      %parallel_loop3A_425 = arith.addi %parallel_loop3A_270, %parallel_loop3A_424 : i32
      %parallel_loop3A_426 = arith.index_cast %parallel_loop3A_425 : i32 to index
      %parallel_loop3A_427 = arith.constant 112 : index
      %parallel_loop3A_428 = tpu.vector_load %arg11[%parallel_loop3A_426, %parallel_loop3A_427] {strides = array<i32>} : memref<128x128xf32, #tpu.memory_space<vmem>>, vector<1x16xf32>,
      %parallel_loop3A_429 = vector.shape_cast %parallel_loop3A_428 : vector<1x16xf32> to vector<16xf32>
      %parallel_loop3A_430 = vector.shape_cast %parallel_loop3A_416 : vector<16xf32> to vector<1x16xf32>
      tpu.vector_store %arg11[%parallel_loop3A_426, %parallel_loop3A_427], %parallel_loop3A_430 {add = true, strides = array<i32>} : memref<128x128xf32, #tpu.memory_space<vmem>>, vector<1x16xf32>,
      %parallel_loop3A_431 = arith.constant 1 : i32
      %parallel_loop3A_432 = arith.addi %parallel_loop3A_270, %parallel_loop3A_431 : i32
      %parallel_loop3A_433 = arith.index_cast %parallel_loop3A_432 : i32 to index
      %parallel_loop3A_434 = arith.constant 0 : index
      %parallel_loop3A_435 = tpu.vector_load %arg7[%parallel_loop3A_433, %parallel_loop3A_434] {strides = array<i32>} : memref<128x128xf32, #tpu.memory_space<vmem>>, vector<1x16xf32>,
      %parallel_loop3A_436 = vector.shape_cast %parallel_loop3A_435 : vector<1x16xf32> to vector<16xf32>
      %parallel_loop3A_437 = arith.constant 1 : i32
      %parallel_loop3A_438 = arith.addi %parallel_loop3A_270, %parallel_loop3A_437 : i32
      %parallel_loop3A_439 = arith.index_cast %parallel_loop3A_438 : i32 to index
      %parallel_loop3A_440 = arith.constant 0 : index
      %parallel_loop3A_441 = tpu.vector_load %arg10[%parallel_loop3A_439, %parallel_loop3A_440] {strides = array<i32>} : memref<128x128xf32, #tpu.memory_space<vmem>>, vector<1x16xf32>,
      %parallel_loop3A_442 = vector.shape_cast %parallel_loop3A_441 : vector<1x16xf32> to vector<16xf32>
      %parallel_loop3A_443 = vector.shape_cast %parallel_loop3A_436 : vector<16xf32> to vector<1x16xf32>
      tpu.vector_store %arg10[%parallel_loop3A_439, %parallel_loop3A_440], %parallel_loop3A_443 {add = true, strides = array<i32>} : memref<128x128xf32, #tpu.memory_space<vmem>>, vector<1x16xf32>,
      %parallel_loop3A_444 = arith.constant 1 : i32
      %parallel_loop3A_445 = arith.addi %parallel_loop3A_270, %parallel_loop3A_444 : i32
      %parallel_loop3A_446 = arith.index_cast %parallel_loop3A_445 : i32 to index
      %parallel_loop3A_447 = arith.constant 0 : index
      %parallel_loop3A_448 = tpu.vector_load %arg11[%parallel_loop3A_446, %parallel_loop3A_447] {strides = array<i32>} : memref<128x128xf32, #tpu.memory_space<vmem>>, vector<1x16xf32>,
      %parallel_loop3A_449 = vector.shape_cast %parallel_loop3A_448 : vector<1x16xf32> to vector<16xf32>
      %parallel_loop3A_450 = vector.shape_cast %parallel_loop3A_436 : vector<16xf32> to vector<1x16xf32>
      tpu.vector_store %arg11[%parallel_loop3A_446, %parallel_loop3A_447], %parallel_loop3A_450 {add = true, strides = array<i32>} : memref<128x128xf32, #tpu.memory_space<vmem>>, vector<1x16xf32>,
      %parallel_loop3A_451 = arith.constant 1 : i32
      %parallel_loop3A_452 = arith.addi %parallel_loop3A_270, %parallel_loop3A_451 : i32
      %parallel_loop3A_453 = arith.index_cast %parallel_loop3A_452 : i32 to index
      %parallel_loop3A_454 = arith.constant 16 : index
      %parallel_loop3A_455 = tpu.vector_load %arg7[%parallel_loop3A_453, %parallel_loop3A_454] {strides = array<i32>} : memref<128x128xf32, #tpu.memory_space<vmem>>, vector<1x16xf32>,
      %parallel_loop3A_456 = vector.shape_cast %parallel_loop3A_455 : vector<1x16xf32> to vector<16xf32>
      %parallel_loop3A_457 = arith.constant 1 : i32
      %parallel_loop3A_458 = arith.addi %parallel_loop3A_270, %parallel_loop3A_457 : i32
      %parallel_loop3A_459 = arith.index_cast %parallel_loop3A_458 : i32 to index
      %parallel_loop3A_460 = arith.constant 16 : index
      %parallel_loop3A_461 = tpu.vector_load %arg10[%parallel_loop3A_459, %parallel_loop3A_460] {strides = array<i32>} : memref<128x128xf32, #tpu.memory_space<vmem>>, vector<1x16xf32>,
      %parallel_loop3A_462 = vector.shape_cast %parallel_loop3A_461 : vector<1x16xf32> to vector<16xf32>
      %parallel_loop3A_463 = vector.shape_cast %parallel_loop3A_456 : vector<16xf32> to vector<1x16xf32>
      tpu.vector_store %arg10[%parallel_loop3A_459, %parallel_loop3A_460], %parallel_loop3A_463 {add = true, strides = array<i32>} : memref<128x128xf32, #tpu.memory_space<vmem>>, vector<1x16xf32>,
      %parallel_loop3A_464 = arith.constant 1 : i32
      %parallel_loop3A_465 = arith.addi %parallel_loop3A_270, %parallel_loop3A_464 : i32
      %parallel_loop3A_466 = arith.index_cast %parallel_loop3A_465 : i32 to index
      %parallel_loop3A_467 = arith.constant 16 : index
      %parallel_loop3A_468 = tpu.vector_load %arg11[%parallel_loop3A_466, %parallel_loop3A_467] {strides = array<i32>} : memref<128x128xf32, #tpu.memory_space<vmem>>, vector<1x16xf32>,
      %parallel_loop3A_469 = vector.shape_cast %parallel_loop3A_468 : vector<1x16xf32> to vector<16xf32>
      %parallel_loop3A_470 = vector.shape_cast %parallel_loop3A_456 : vector<16xf32> to vector<1x16xf32>
      tpu.vector_store %arg11[%parallel_loop3A_466, %parallel_loop3A_467], %parallel_loop3A_470 {add = true, strides = array<i32>} : memref<128x128xf32, #tpu.memory_space<vmem>>, vector<1x16xf32>,
      %parallel_loop3A_471 = arith.constant 1 : i32
      %parallel_loop3A_472 = arith.addi %parallel_loop3A_270, %parallel_loop3A_471 : i32
      %parallel_loop3A_473 = arith.index_cast %parallel_loop3A_472 : i32 to index
      %parallel_loop3A_474 = arith.constant 32 : index
      %parallel_loop3A_475 = tpu.vector_load %arg7[%parallel_loop3A_473, %parallel_loop3A_474] {strides = array<i32>} : memref<128x128xf32, #tpu.memory_space<vmem>>, vector<1x16xf32>,
      %parallel_loop3A_476 = vector.shape_cast %parallel_loop3A_475 : vector<1x16xf32> to vector<16xf32>
      %parallel_loop3A_477 = arith.constant 1 : i32
      %parallel_loop3A_478 = arith.addi %parallel_loop3A_270, %parallel_loop3A_477 : i32
      %parallel_loop3A_479 = arith.index_cast %parallel_loop3A_478 : i32 to index
      %parallel_loop3A_480 = arith.constant 32 : index
      %parallel_loop3A_481 = tpu.vector_load %arg10[%parallel_loop3A_479, %parallel_loop3A_480] {strides = array<i32>} : memref<128x128xf32, #tpu.memory_space<vmem>>, vector<1x16xf32>,
      %parallel_loop3A_482 = vector.shape_cast %parallel_loop3A_481 : vector<1x16xf32> to vector<16xf32>
      %parallel_loop3A_483 = vector.shape_cast %parallel_loop3A_476 : vector<16xf32> to vector<1x16xf32>
      tpu.vector_store %arg10[%parallel_loop3A_479, %parallel_loop3A_480], %parallel_loop3A_483 {add = true, strides = array<i32>} : memref<128x128xf32, #tpu.memory_space<vmem>>, vector<1x16xf32>,
      %parallel_loop3A_484 = arith.constant 1 : i32
      %parallel_loop3A_485 = arith.addi %parallel_loop3A_270, %parallel_loop3A_484 : i32
      %parallel_loop3A_486 = arith.index_cast %parallel_loop3A_485 : i32 to index
      %parallel_loop3A_487 = arith.constant 32 : index
      %parallel_loop3A_488 = tpu.vector_load %arg11[%parallel_loop3A_486, %parallel_loop3A_487] {strides = array<i32>} : memref<128x128xf32, #tpu.memory_space<vmem>>, vector<1x16xf32>,
      %parallel_loop3A_489 = vector.shape_cast %parallel_loop3A_488 : vector<1x16xf32> to vector<16xf32>
      %parallel_loop3A_490 = vector.shape_cast %parallel_loop3A_476 : vector<16xf32> to vector<1x16xf32>
      tpu.vector_store %arg11[%parallel_loop3A_486, %parallel_loop3A_487], %parallel_loop3A_490 {add = true, strides = array<i32>} : memref<128x128xf32, #tpu.memory_space<vmem>>, vector<1x16xf32>,
      %parallel_loop3A_491 = arith.constant 1 : i32
      %parallel_loop3A_492 = arith.addi %parallel_loop3A_270, %parallel_loop3A_491 : i32
      %parallel_loop3A_493 = arith.index_cast %parallel_loop3A_492 : i32 to index
      %parallel_loop3A_494 = arith.constant 48 : index
      %parallel_loop3A_495 = tpu.vector_load %arg7[%parallel_loop3A_493, %parallel_loop3A_494] {strides = array<i32>} : memref<128x128xf32, #tpu.memory_space<vmem>>, vector<1x16xf32>,
      %parallel_loop3A_496 = vector.shape_cast %parallel_loop3A_495 : vector<1x16xf32> to vector<16xf32>
      %parallel_loop3A_497 = arith.constant 1 : i32
      %parallel_loop3A_498 = arith.addi %parallel_loop3A_270, %parallel_loop3A_497 : i32
      %parallel_loop3A_499 = arith.index_cast %parallel_loop3A_498 : i32 to index
      %parallel_loop3A_500 = arith.constant 48 : index
      %parallel_loop3A_501 = tpu.vector_load %arg10[%parallel_loop3A_499, %parallel_loop3A_500] {strides = array<i32>} : memref<128x128xf32, #tpu.memory_space<vmem>>, vector<1x16xf32>,
      %parallel_loop3A_502 = vector.shape_cast %parallel_loop3A_501 : vector<1x16xf32> to vector<16xf32>
      %parallel_loop3A_503 = vector.shape_cast %parallel_loop3A_496 : vector<16xf32> to vector<1x16xf32>
      tpu.vector_store %arg10[%parallel_loop3A_499, %parallel_loop3A_500], %parallel_loop3A_503 {add = true, strides = array<i32>} : memref<128x128xf32, #tpu.memory_space<vmem>>, vector<1x16xf32>,
      %parallel_loop3A_504 = arith.constant 1 : i32
      %parallel_loop3A_505 = arith.addi %parallel_loop3A_270, %parallel_loop3A_504 : i32
      %parallel_loop3A_506 = arith.index_cast %parallel_loop3A_505 : i32 to index
      %parallel_loop3A_507 = arith.constant 48 : index
      %parallel_loop3A_508 = tpu.vector_load %arg11[%parallel_loop3A_506, %parallel_loop3A_507] {strides = array<i32>} : memref<128x128xf32, #tpu.memory_space<vmem>>, vector<1x16xf32>,
      %parallel_loop3A_509 = vector.shape_cast %parallel_loop3A_508 : vector<1x16xf32> to vector<16xf32>
      %parallel_loop3A_510 = vector.shape_cast %parallel_loop3A_496 : vector<16xf32> to vector<1x16xf32>
      tpu.vector_store %arg11[%parallel_loop3A_506, %parallel_loop3A_507], %parallel_loop3A_510 {add = true, strides = array<i32>} : memref<128x128xf32, #tpu.memory_space<vmem>>, vector<1x16xf32>,
      %parallel_loop3A_511 = arith.constant 1 : i32
      %parallel_loop3A_512 = arith.addi %parallel_loop3A_270, %parallel_loop3A_511 : i32
      %parallel_loop3A_513 = arith.index_cast %parallel_loop3A_512 : i32 to index
      %parallel_loop3A_514 = arith.constant 64 : index
      %parallel_loop3A_515 = tpu.vector_load %arg7[%parallel_loop3A_513, %parallel_loop3A_514] {strides = array<i32>} : memref<128x128xf32, #tpu.memory_space<vmem>>, vector<1x16xf32>,
      %parallel_loop3A_516 = vector.shape_cast %parallel_loop3A_515 : vector<1x16xf32> to vector<16xf32>
      %parallel_loop3A_517 = arith.constant 1 : i32
      %parallel_loop3A_518 = arith.addi %parallel_loop3A_270, %parallel_loop3A_517 : i32
      %parallel_loop3A_519 = arith.index_cast %parallel_loop3A_518 : i32 to index
      %parallel_loop3A_520 = arith.constant 64 : index
      %parallel_loop3A_521 = tpu.vector_load %arg10[%parallel_loop3A_519, %parallel_loop3A_520] {strides = array<i32>} : memref<128x128xf32, #tpu.memory_space<vmem>>, vector<1x16xf32>,
      %parallel_loop3A_522 = vector.shape_cast %parallel_loop3A_521 : vector<1x16xf32> to vector<16xf32>
      %parallel_loop3A_523 = vector.shape_cast %parallel_loop3A_516 : vector<16xf32> to vector<1x16xf32>
      tpu.vector_store %arg10[%parallel_loop3A_519, %parallel_loop3A_520], %parallel_loop3A_523 {add = true, strides = array<i32>} : memref<128x128xf32, #tpu.memory_space<vmem>>, vector<1x16xf32>,
      %parallel_loop3A_524 = arith.constant 1 : i32
      %parallel_loop3A_525 = arith.addi %parallel_loop3A_270, %parallel_loop3A_524 : i32
      %parallel_loop3A_526 = arith.index_cast %parallel_loop3A_525 : i32 to index
      %parallel_loop3A_527 = arith.constant 64 : index
      %parallel_loop3A_528 = tpu.vector_load %arg11[%parallel_loop3A_526, %parallel_loop3A_527] {strides = array<i32>} : memref<128x128xf32, #tpu.memory_space<vmem>>, vector<1x16xf32>,
      %parallel_loop3A_529 = vector.shape_cast %parallel_loop3A_528 : vector<1x16xf32> to vector<16xf32>
      %parallel_loop3A_530 = vector.shape_cast %parallel_loop3A_516 : vector<16xf32> to vector<1x16xf32>
      tpu.vector_store %arg11[%parallel_loop3A_526, %parallel_loop3A_527], %parallel_loop3A_530 {add = true, strides = array<i32>} : memref<128x128xf32, #tpu.memory_space<vmem>>, vector<1x16xf32>,
      %parallel_loop3A_531 = arith.constant 1 : i32
      %parallel_loop3A_532 = arith.addi %parallel_loop3A_270, %parallel_loop3A_531 : i32
      %parallel_loop3A_533 = arith.index_cast %parallel_loop3A_532 : i32 to index
      %parallel_loop3A_534 = arith.constant 80 : index
      %parallel_loop3A_535 = tpu.vector_load %arg7[%parallel_loop3A_533, %parallel_loop3A_534] {strides = array<i32>} : memref<128x128xf32, #tpu.memory_space<vmem>>, vector<1x16xf32>,
      %parallel_loop3A_536 = vector.shape_cast %parallel_loop3A_535 : vector<1x16xf32> to vector<16xf32>
      %parallel_loop3A_537 = arith.constant 1 : i32
      %parallel_loop3A_538 = arith.addi %parallel_loop3A_270, %parallel_loop3A_537 : i32
      %parallel_loop3A_539 = arith.index_cast %parallel_loop3A_538 : i32 to index
      %parallel_loop3A_540 = arith.constant 80 : index
      %parallel_loop3A_541 = tpu.vector_load %arg10[%parallel_loop3A_539, %parallel_loop3A_540] {strides = array<i32>} : memref<128x128xf32, #tpu.memory_space<vmem>>, vector<1x16xf32>,
      %parallel_loop3A_542 = vector.shape_cast %parallel_loop3A_541 : vector<1x16xf32> to vector<16xf32>
      %parallel_loop3A_543 = vector.shape_cast %parallel_loop3A_536 : vector<16xf32> to vector<1x16xf32>
      tpu.vector_store %arg10[%parallel_loop3A_539, %parallel_loop3A_540], %parallel_loop3A_543 {add = true, strides = array<i32>} : memref<128x128xf32, #tpu.memory_space<vmem>>, vector<1x16xf32>,
      %parallel_loop3A_544 = arith.constant 1 : i32
      %parallel_loop3A_545 = arith.addi %parallel_loop3A_270, %parallel_loop3A_544 : i32
      %parallel_loop3A_546 = arith.index_cast %parallel_loop3A_545 : i32 to index
      %parallel_loop3A_547 = arith.constant 80 : index
      %parallel_loop3A_548 = tpu.vector_load %arg11[%parallel_loop3A_546, %parallel_loop3A_547] {strides = array<i32>} : memref<128x128xf32, #tpu.memory_space<vmem>>, vector<1x16xf32>,
      %parallel_loop3A_549 = vector.shape_cast %parallel_loop3A_548 : vector<1x16xf32> to vector<16xf32>
      %parallel_loop3A_550 = vector.shape_cast %parallel_loop3A_536 : vector<16xf32> to vector<1x16xf32>
      tpu.vector_store %arg11[%parallel_loop3A_546, %parallel_loop3A_547], %parallel_loop3A_550 {add = true, strides = array<i32>} : memref<128x128xf32, #tpu.memory_space<vmem>>, vector<1x16xf32>,
      %parallel_loop3A_551 = arith.constant 1 : i32
      %parallel_loop3A_552 = arith.addi %parallel_loop3A_270, %parallel_loop3A_551 : i32
      %parallel_loop3A_553 = arith.index_cast %parallel_loop3A_552 : i32 to index
      %parallel_loop3A_554 = arith.constant 96 : index
      %parallel_loop3A_555 = tpu.vector_load %arg7[%parallel_loop3A_553, %parallel_loop3A_554] {strides = array<i32>} : memref<128x128xf32, #tpu.memory_space<vmem>>, vector<1x16xf32>,
      %parallel_loop3A_556 = vector.shape_cast %parallel_loop3A_555 : vector<1x16xf32> to vector<16xf32>
      %parallel_loop3A_557 = arith.constant 1 : i32
      %parallel_loop3A_558 = arith.addi %parallel_loop3A_270, %parallel_loop3A_557 : i32
      %parallel_loop3A_559 = arith.index_cast %parallel_loop3A_558 : i32 to index
      %parallel_loop3A_560 = arith.constant 96 : index
      %parallel_loop3A_561 = tpu.vector_load %arg10[%parallel_loop3A_559, %parallel_loop3A_560] {strides = array<i32>} : memref<128x128xf32, #tpu.memory_space<vmem>>, vector<1x16xf32>,
      %parallel_loop3A_562 = vector.shape_cast %parallel_loop3A_561 : vector<1x16xf32> to vector<16xf32>
      %parallel_loop3A_563 = vector.shape_cast %parallel_loop3A_556 : vector<16xf32> to vector<1x16xf32>
      tpu.vector_store %arg10[%parallel_loop3A_559, %parallel_loop3A_560], %parallel_loop3A_563 {add = true, strides = array<i32>} : memref<128x128xf32, #tpu.memory_space<vmem>>, vector<1x16xf32>,
      %parallel_loop3A_564 = arith.constant 1 : i32
      %parallel_loop3A_565 = arith.addi %parallel_loop3A_270, %parallel_loop3A_564 : i32
      %parallel_loop3A_566 = arith.index_cast %parallel_loop3A_565 : i32 to index
      %parallel_loop3A_567 = arith.constant 96 : index
      %parallel_loop3A_568 = tpu.vector_load %arg11[%parallel_loop3A_566, %parallel_loop3A_567] {strides = array<i32>} : memref<128x128xf32, #tpu.memory_space<vmem>>, vector<1x16xf32>,
      %parallel_loop3A_569 = vector.shape_cast %parallel_loop3A_568 : vector<1x16xf32> to vector<16xf32>
      %parallel_loop3A_570 = vector.shape_cast %parallel_loop3A_556 : vector<16xf32> to vector<1x16xf32>
      tpu.vector_store %arg11[%parallel_loop3A_566, %parallel_loop3A_567], %parallel_loop3A_570 {add = true, strides = array<i32>} : memref<128x128xf32, #tpu.memory_space<vmem>>, vector<1x16xf32>,
      %parallel_loop3A_571 = arith.constant 1 : i32
      %parallel_loop3A_572 = arith.addi %parallel_loop3A_270, %parallel_loop3A_571 : i32
      %parallel_loop3A_573 = arith.index_cast %parallel_loop3A_572 : i32 to index
      %parallel_loop3A_574 = arith.constant 112 : index
      %parallel_loop3A_575 = tpu.vector_load %arg7[%parallel_loop3A_573, %parallel_loop3A_574] {strides = array<i32>} : memref<128x128xf32, #tpu.memory_space<vmem>>, vector<1x16xf32>,
      %parallel_loop3A_576 = vector.shape_cast %parallel_loop3A_575 : vector<1x16xf32> to vector<16xf32>
      %parallel_loop3A_577 = arith.constant 1 : i32
      %parallel_loop3A_578 = arith.addi %parallel_loop3A_270, %parallel_loop3A_577 : i32
      %parallel_loop3A_579 = arith.index_cast %parallel_loop3A_578 : i32 to index
      %parallel_loop3A_580 = arith.constant 112 : index
      %parallel_loop3A_581 = tpu.vector_load %arg10[%parallel_loop3A_579, %parallel_loop3A_580] {strides = array<i32>} : memref<128x128xf32, #tpu.memory_space<vmem>>, vector<1x16xf32>,
      %parallel_loop3A_582 = vector.shape_cast %parallel_loop3A_581 : vector<1x16xf32> to vector<16xf32>
      %parallel_loop3A_583 = vector.shape_cast %parallel_loop3A_576 : vector<16xf32> to vector<1x16xf32>
      tpu.vector_store %arg10[%parallel_loop3A_579, %parallel_loop3A_580], %parallel_loop3A_583 {add = true, strides = array<i32>} : memref<128x128xf32, #tpu.memory_space<vmem>>, vector<1x16xf32>,
      %parallel_loop3A_584 = arith.constant 1 : i32
      %parallel_loop3A_585 = arith.addi %parallel_loop3A_270, %parallel_loop3A_584 : i32
      %parallel_loop3A_586 = arith.index_cast %parallel_loop3A_585 : i32 to index
      %parallel_loop3A_587 = arith.constant 112 : index
      %parallel_loop3A_588 = tpu.vector_load %arg11[%parallel_loop3A_586, %parallel_loop3A_587] {strides = array<i32>} : memref<128x128xf32, #tpu.memory_space<vmem>>, vector<1x16xf32>,
      %parallel_loop3A_589 = vector.shape_cast %parallel_loop3A_588 : vector<1x16xf32> to vector<16xf32>
      %parallel_loop3A_590 = vector.shape_cast %parallel_loop3A_576 : vector<16xf32> to vector<1x16xf32>
      tpu.vector_store %arg11[%parallel_loop3A_586, %parallel_loop3A_587], %parallel_loop3A_590 {add = true, strides = array<i32>} : memref<128x128xf32, #tpu.memory_space<vmem>>, vector<1x16xf32>,
    } {sc.loop_unroll_factor = 1 : i64, sc.parallel_access}
    %mul3A_132 = arith.constant 8 : i32
    %mul3A_133 = arith.muli %select_n3A, %mul3A_132 : i32
    %add3A_134 = arith.constant 2 : i32
    %add3A_135 = arith.addi %mul3A_133, %add3A_134 : i32
    %mul3A_136 = arith.constant 2048 : i32
    %mul3A_137 = arith.muli %add3A_135, %mul3A_136 : i32
    %add3A_138 = arith.addi %mul3A_137, %mul3A_20 : i32
    %dma_start3A_139 = arith.constant 0 : i32
    %dma_start3A_140 = tpu.memref_slice %arg5[%add3A_138, %dma_start3A_139] : memref<32768x128xf32, #tpu.memory_space<hbm>> -> memref<128x128xf32, #tpu.memory_space<hbm>>
    %dma_start3A_141 = arith.constant 0 : i32
    %dma_start3A_142 = tpu.memref_slice %arg5[%add3A_138, %dma_start3A_141] : memref<32768x128xf32, #tpu.memory_space<hbm>> -> memref<128x128xf32, #tpu.memory_space<hbm>>
    tpu.enqueue_dma source(%arg10 : memref<128x128xf32, #tpu.memory_space<vmem>>) target(%dma_start3A_142 : memref<128x128xf32, #tpu.memory_space<hbm>>) target_semaphore(%arg18 : memref<!tpu.dma_semaphore, #tpu.memory_space<semaphore_mem>>)
    %mul3A_143 = arith.constant 8 : i32
    %mul3A_144 = arith.muli %select_n3A, %mul3A_143 : i32
    %add3A_145 = arith.constant 3 : i32
    %add3A_146 = arith.addi %mul3A_144, %add3A_145 : i32
    %mul3A_147 = arith.constant 2048 : i32
    %mul3A_148 = arith.muli %add3A_146, %mul3A_147 : i32
    %add3A_149 = arith.addi %mul3A_148, %mul3A_20 : i32
    %dma_start3A_150 = arith.constant 0 : i32
    %dma_start3A_151 = tpu.memref_slice %arg5[%add3A_149, %dma_start3A_150] : memref<32768x128xf32, #tpu.memory_space<hbm>> -> memref<128x128xf32, #tpu.memory_space<hbm>>
    %dma_start3A_152 = arith.constant 0 : i32
    %dma_start3A_153 = tpu.memref_slice %arg5[%add3A_149, %dma_start3A_152] : memref<32768x128xf32, #tpu.memory_space<hbm>> -> memref<128x128xf32, #tpu.memory_space<hbm>>
    tpu.enqueue_dma source(%arg11 : memref<128x128xf32, #tpu.memory_space<vmem>>) target(%dma_start3A_153 : memref<128x128xf32, #tpu.memory_space<hbm>>) target_semaphore(%arg19 : memref<!tpu.dma_semaphore, #tpu.memory_space<semaphore_mem>>)
    %dma_wait3A_154 = arith.constant 4 : i32
    %dma_wait3A_155 = arith.constant 0 : i32
    %dma_wait3A_156 = tpu.memref_slice %arg6[%dma_wait3A_154, %dma_wait3A_155] : memref<8x128xi32, #tpu.memory_space<vmem>> -> memref<1x128xi32, #tpu.memory_space<vmem>>
    %dma_wait3A_157 = tpu.memref_squeeze %dma_wait3A_156 : memref<1x128xi32, #tpu.memory_space<vmem>> -> memref<128xi32, #tpu.memory_space<vmem>>
    %dma_wait3A_158 = arith.constant 0 : i32
    %dma_wait3A_159 = arith.constant 0 : i32
    %dma_wait3A_160 = tpu.memref_slice %arg3[%dma_wait3A_158, %dma_wait3A_159] : memref<100000x128xf32, #tpu.memory_space<hbm>> -> memref<100000x128xf32, #tpu.memory_space<hbm>>
    tpu.wait_indirect_dma semaphore(%arg12 : memref<!tpu.dma_semaphore, #tpu.memory_space<semaphore_mem>>) src(%dma_wait3A_160 : memref<100000x128xf32, #tpu.memory_space<hbm>>) dst(%arg8 : memref<128x128xf32, #tpu.memory_space<vmem>>)
    %dma_wait3A_161 = arith.constant 5 : i32
    %dma_wait3A_162 = arith.constant 0 : i32
    %dma_wait3A_163 = tpu.memref_slice %arg6[%dma_wait3A_161, %dma_wait3A_162] : memref<8x128xi32, #tpu.memory_space<vmem>> -> memref<1x128xi32, #tpu.memory_space<vmem>>
    %dma_wait3A_164 = tpu.memref_squeeze %dma_wait3A_163 : memref<1x128xi32, #tpu.memory_space<vmem>> -> memref<128xi32, #tpu.memory_space<vmem>>
    %dma_wait3A_165 = arith.constant 0 : i32
    %dma_wait3A_166 = arith.constant 0 : i32
    %dma_wait3A_167 = tpu.memref_slice %arg3[%dma_wait3A_165, %dma_wait3A_166] : memref<100000x128xf32, #tpu.memory_space<hbm>> -> memref<100000x128xf32, #tpu.memory_space<hbm>>
    tpu.wait_indirect_dma semaphore(%arg13 : memref<!tpu.dma_semaphore, #tpu.memory_space<semaphore_mem>>) src(%dma_wait3A_167 : memref<100000x128xf32, #tpu.memory_space<hbm>>) dst(%arg9 : memref<128x128xf32, #tpu.memory_space<vmem>>)
    %dma_wait3A_168 = arith.constant 0 : i32
    %dma_wait3A_169 = tpu.memref_slice %arg5[%add3A_138, %dma_wait3A_168] : memref<32768x128xf32, #tpu.memory_space<hbm>> -> memref<128x128xf32, #tpu.memory_space<hbm>>
    %dma_wait3A_170 = arith.constant 0 : i32
    %dma_wait3A_171 = tpu.memref_slice %arg5[%add3A_138, %dma_wait3A_170] : memref<32768x128xf32, #tpu.memory_space<hbm>> -> memref<128x128xf32, #tpu.memory_space<hbm>>
    tpu.wait_dma2 semaphore(%arg18 : memref<!tpu.dma_semaphore, #tpu.memory_space<semaphore_mem>>) src(%arg10 : memref<128x128xf32, #tpu.memory_space<vmem>>) dst(%dma_wait3A_171 : memref<128x128xf32, #tpu.memory_space<hbm>>)
    %dma_wait3A_172 = arith.constant 0 : i32
    %dma_wait3A_173 = tpu.memref_slice %arg5[%add3A_149, %dma_wait3A_172] : memref<32768x128xf32, #tpu.memory_space<hbm>> -> memref<128x128xf32, #tpu.memory_space<hbm>>
    %dma_wait3A_174 = arith.constant 0 : i32
    %dma_wait3A_175 = tpu.memref_slice %arg5[%add3A_149, %dma_wait3A_174] : memref<32768x128xf32, #tpu.memory_space<hbm>> -> memref<128x128xf32, #tpu.memory_space<hbm>>
    tpu.wait_dma2 semaphore(%arg19 : memref<!tpu.dma_semaphore, #tpu.memory_space<semaphore_mem>>) src(%arg11 : memref<128x128xf32, #tpu.memory_space<vmem>>) dst(%dma_wait3A_175 : memref<128x128xf32, #tpu.memory_space<hbm>>)
    %dma_start3A_176 = arith.constant 6 : i32
    %dma_start3A_177 = arith.constant 0 : i32
    %dma_start3A_178 = tpu.memref_slice %arg6[%dma_start3A_176, %dma_start3A_177] : memref<8x128xi32, #tpu.memory_space<vmem>> -> memref<1x128xi32, #tpu.memory_space<vmem>>
    %dma_start3A_179 = tpu.memref_squeeze %dma_start3A_178 : memref<1x128xi32, #tpu.memory_space<vmem>> -> memref<128xi32, #tpu.memory_space<vmem>>
    %dma_start3A_180 = arith.constant 0 : i32
    %dma_start3A_181 = arith.constant 0 : i32
    %dma_start3A_182 = tpu.memref_slice %arg3[%dma_start3A_180, %dma_start3A_181] : memref<100000x128xf32, #tpu.memory_space<hbm>> -> memref<100000x128xf32, #tpu.memory_space<hbm>>
    tpu.enqueue_indirect_dma source(%dma_start3A_182 : memref<100000x128xf32, #tpu.memory_space<hbm>>) target(%arg10 : memref<128x128xf32, #tpu.memory_space<vmem>>) offsets(%dma_start3A_179 : memref<128xi32, #tpu.memory_space<vmem>>) semaphore(%arg14 : memref<!tpu.dma_semaphore, #tpu.memory_space<semaphore_mem>>)
    %dma_start3A_183 = arith.constant 7 : i32
    %dma_start3A_184 = arith.constant 0 : i32
    %dma_start3A_185 = tpu.memref_slice %arg6[%dma_start3A_183, %dma_start3A_184] : memref<8x128xi32, #tpu.memory_space<vmem>> -> memref<1x128xi32, #tpu.memory_space<vmem>>
    %dma_start3A_186 = tpu.memref_squeeze %dma_start3A_185 : memref<1x128xi32, #tpu.memory_space<vmem>> -> memref<128xi32, #tpu.memory_space<vmem>>
    %dma_start3A_187 = arith.constant 0 : i32
    %dma_start3A_188 = arith.constant 0 : i32
    %dma_start3A_189 = tpu.memref_slice %arg3[%dma_start3A_187, %dma_start3A_188] : memref<100000x128xf32, #tpu.memory_space<hbm>> -> memref<100000x128xf32, #tpu.memory_space<hbm>>
    tpu.enqueue_indirect_dma source(%dma_start3A_189 : memref<100000x128xf32, #tpu.memory_space<hbm>>) target(%arg11 : memref<128x128xf32, #tpu.memory_space<vmem>>) offsets(%dma_start3A_186 : memref<128xi32, #tpu.memory_space<vmem>>) semaphore(%arg15 : memref<!tpu.dma_semaphore, #tpu.memory_space<semaphore_mem>>)
    %parallel_loop3A_190 = arith.constant 0 : i32
    %parallel_loop3A_191 = arith.constant 128 : i32
    %parallel_loop3A_192 = arith.constant 2 : i32
    scf.for %parallel_loop3A_270 = %parallel_loop3A_190 to %parallel_loop3A_191 step %parallel_loop3A_192  : i32 {
      %parallel_loop3A_271 = arith.constant 0 : i32
      %parallel_loop3A_272 = arith.addi %parallel_loop3A_270, %parallel_loop3A_271 : i32
      %parallel_loop3A_273 = arith.index_cast %parallel_loop3A_272 : i32 to index
      %parallel_loop3A_274 = arith.constant 0 : index
      %parallel_loop3A_275 = tpu.vector_load %arg7[%parallel_loop3A_273, %parallel_loop3A_274] {strides = array<i32>} : memref<128x128xf32, #tpu.memory_space<vmem>>, vector<1x16xf32>,
      %parallel_loop3A_276 = vector.shape_cast %parallel_loop3A_275 : vector<1x16xf32> to vector<16xf32>
      %parallel_loop3A_277 = arith.constant 0 : i32
      %parallel_loop3A_278 = arith.addi %parallel_loop3A_270, %parallel_loop3A_277 : i32
      %parallel_loop3A_279 = arith.index_cast %parallel_loop3A_278 : i32 to index
      %parallel_loop3A_280 = arith.constant 0 : index
      %parallel_loop3A_281 = tpu.vector_load %arg8[%parallel_loop3A_279, %parallel_loop3A_280] {strides = array<i32>} : memref<128x128xf32, #tpu.memory_space<vmem>>, vector<1x16xf32>,
      %parallel_loop3A_282 = vector.shape_cast %parallel_loop3A_281 : vector<1x16xf32> to vector<16xf32>
      %parallel_loop3A_283 = vector.shape_cast %parallel_loop3A_276 : vector<16xf32> to vector<1x16xf32>
      tpu.vector_store %arg8[%parallel_loop3A_279, %parallel_loop3A_280], %parallel_loop3A_283 {add = true, strides = array<i32>} : memref<128x128xf32, #tpu.memory_space<vmem>>, vector<1x16xf32>,
      %parallel_loop3A_284 = arith.constant 0 : i32
      %parallel_loop3A_285 = arith.addi %parallel_loop3A_270, %parallel_loop3A_284 : i32
      %parallel_loop3A_286 = arith.index_cast %parallel_loop3A_285 : i32 to index
      %parallel_loop3A_287 = arith.constant 0 : index
      %parallel_loop3A_288 = tpu.vector_load %arg9[%parallel_loop3A_286, %parallel_loop3A_287] {strides = array<i32>} : memref<128x128xf32, #tpu.memory_space<vmem>>, vector<1x16xf32>,
      %parallel_loop3A_289 = vector.shape_cast %parallel_loop3A_288 : vector<1x16xf32> to vector<16xf32>
      %parallel_loop3A_290 = vector.shape_cast %parallel_loop3A_276 : vector<16xf32> to vector<1x16xf32>
      tpu.vector_store %arg9[%parallel_loop3A_286, %parallel_loop3A_287], %parallel_loop3A_290 {add = true, strides = array<i32>} : memref<128x128xf32, #tpu.memory_space<vmem>>, vector<1x16xf32>,
      %parallel_loop3A_291 = arith.constant 0 : i32
      %parallel_loop3A_292 = arith.addi %parallel_loop3A_270, %parallel_loop3A_291 : i32
      %parallel_loop3A_293 = arith.index_cast %parallel_loop3A_292 : i32 to index
      %parallel_loop3A_294 = arith.constant 16 : index
      %parallel_loop3A_295 = tpu.vector_load %arg7[%parallel_loop3A_293, %parallel_loop3A_294] {strides = array<i32>} : memref<128x128xf32, #tpu.memory_space<vmem>>, vector<1x16xf32>,
      %parallel_loop3A_296 = vector.shape_cast %parallel_loop3A_295 : vector<1x16xf32> to vector<16xf32>
      %parallel_loop3A_297 = arith.constant 0 : i32
      %parallel_loop3A_298 = arith.addi %parallel_loop3A_270, %parallel_loop3A_297 : i32
      %parallel_loop3A_299 = arith.index_cast %parallel_loop3A_298 : i32 to index
      %parallel_loop3A_300 = arith.constant 16 : index
      %parallel_loop3A_301 = tpu.vector_load %arg8[%parallel_loop3A_299, %parallel_loop3A_300] {strides = array<i32>} : memref<128x128xf32, #tpu.memory_space<vmem>>, vector<1x16xf32>,
      %parallel_loop3A_302 = vector.shape_cast %parallel_loop3A_301 : vector<1x16xf32> to vector<16xf32>
      %parallel_loop3A_303 = vector.shape_cast %parallel_loop3A_296 : vector<16xf32> to vector<1x16xf32>
      tpu.vector_store %arg8[%parallel_loop3A_299, %parallel_loop3A_300], %parallel_loop3A_303 {add = true, strides = array<i32>} : memref<128x128xf32, #tpu.memory_space<vmem>>, vector<1x16xf32>,
      %parallel_loop3A_304 = arith.constant 0 : i32
      %parallel_loop3A_305 = arith.addi %parallel_loop3A_270, %parallel_loop3A_304 : i32
      %parallel_loop3A_306 = arith.index_cast %parallel_loop3A_305 : i32 to index
      %parallel_loop3A_307 = arith.constant 16 : index
      %parallel_loop3A_308 = tpu.vector_load %arg9[%parallel_loop3A_306, %parallel_loop3A_307] {strides = array<i32>} : memref<128x128xf32, #tpu.memory_space<vmem>>, vector<1x16xf32>,
      %parallel_loop3A_309 = vector.shape_cast %parallel_loop3A_308 : vector<1x16xf32> to vector<16xf32>
      %parallel_loop3A_310 = vector.shape_cast %parallel_loop3A_296 : vector<16xf32> to vector<1x16xf32>
      tpu.vector_store %arg9[%parallel_loop3A_306, %parallel_loop3A_307], %parallel_loop3A_310 {add = true, strides = array<i32>} : memref<128x128xf32, #tpu.memory_space<vmem>>, vector<1x16xf32>,
      %parallel_loop3A_311 = arith.constant 0 : i32
      %parallel_loop3A_312 = arith.addi %parallel_loop3A_270, %parallel_loop3A_311 : i32
      %parallel_loop3A_313 = arith.index_cast %parallel_loop3A_312 : i32 to index
      %parallel_loop3A_314 = arith.constant 32 : index
      %parallel_loop3A_315 = tpu.vector_load %arg7[%parallel_loop3A_313, %parallel_loop3A_314] {strides = array<i32>} : memref<128x128xf32, #tpu.memory_space<vmem>>, vector<1x16xf32>,
      %parallel_loop3A_316 = vector.shape_cast %parallel_loop3A_315 : vector<1x16xf32> to vector<16xf32>
      %parallel_loop3A_317 = arith.constant 0 : i32
      %parallel_loop3A_318 = arith.addi %parallel_loop3A_270, %parallel_loop3A_317 : i32
      %parallel_loop3A_319 = arith.index_cast %parallel_loop3A_318 : i32 to index
      %parallel_loop3A_320 = arith.constant 32 : index
      %parallel_loop3A_321 = tpu.vector_load %arg8[%parallel_loop3A_319, %parallel_loop3A_320] {strides = array<i32>} : memref<128x128xf32, #tpu.memory_space<vmem>>, vector<1x16xf32>,
      %parallel_loop3A_322 = vector.shape_cast %parallel_loop3A_321 : vector<1x16xf32> to vector<16xf32>
      %parallel_loop3A_323 = vector.shape_cast %parallel_loop3A_316 : vector<16xf32> to vector<1x16xf32>
      tpu.vector_store %arg8[%parallel_loop3A_319, %parallel_loop3A_320], %parallel_loop3A_323 {add = true, strides = array<i32>} : memref<128x128xf32, #tpu.memory_space<vmem>>, vector<1x16xf32>,
      %parallel_loop3A_324 = arith.constant 0 : i32
      %parallel_loop3A_325 = arith.addi %parallel_loop3A_270, %parallel_loop3A_324 : i32
      %parallel_loop3A_326 = arith.index_cast %parallel_loop3A_325 : i32 to index
      %parallel_loop3A_327 = arith.constant 32 : index
      %parallel_loop3A_328 = tpu.vector_load %arg9[%parallel_loop3A_326, %parallel_loop3A_327] {strides = array<i32>} : memref<128x128xf32, #tpu.memory_space<vmem>>, vector<1x16xf32>,
      %parallel_loop3A_329 = vector.shape_cast %parallel_loop3A_328 : vector<1x16xf32> to vector<16xf32>
      %parallel_loop3A_330 = vector.shape_cast %parallel_loop3A_316 : vector<16xf32> to vector<1x16xf32>
      tpu.vector_store %arg9[%parallel_loop3A_326, %parallel_loop3A_327], %parallel_loop3A_330 {add = true, strides = array<i32>} : memref<128x128xf32, #tpu.memory_space<vmem>>, vector<1x16xf32>,
      %parallel_loop3A_331 = arith.constant 0 : i32
      %parallel_loop3A_332 = arith.addi %parallel_loop3A_270, %parallel_loop3A_331 : i32
      %parallel_loop3A_333 = arith.index_cast %parallel_loop3A_332 : i32 to index
      %parallel_loop3A_334 = arith.constant 48 : index
      %parallel_loop3A_335 = tpu.vector_load %arg7[%parallel_loop3A_333, %parallel_loop3A_334] {strides = array<i32>} : memref<128x128xf32, #tpu.memory_space<vmem>>, vector<1x16xf32>,
      %parallel_loop3A_336 = vector.shape_cast %parallel_loop3A_335 : vector<1x16xf32> to vector<16xf32>
      %parallel_loop3A_337 = arith.constant 0 : i32
      %parallel_loop3A_338 = arith.addi %parallel_loop3A_270, %parallel_loop3A_337 : i32
      %parallel_loop3A_339 = arith.index_cast %parallel_loop3A_338 : i32 to index
      %parallel_loop3A_340 = arith.constant 48 : index
      %parallel_loop3A_341 = tpu.vector_load %arg8[%parallel_loop3A_339, %parallel_loop3A_340] {strides = array<i32>} : memref<128x128xf32, #tpu.memory_space<vmem>>, vector<1x16xf32>,
      %parallel_loop3A_342 = vector.shape_cast %parallel_loop3A_341 : vector<1x16xf32> to vector<16xf32>
      %parallel_loop3A_343 = vector.shape_cast %parallel_loop3A_336 : vector<16xf32> to vector<1x16xf32>
      tpu.vector_store %arg8[%parallel_loop3A_339, %parallel_loop3A_340], %parallel_loop3A_343 {add = true, strides = array<i32>} : memref<128x128xf32, #tpu.memory_space<vmem>>, vector<1x16xf32>,
      %parallel_loop3A_344 = arith.constant 0 : i32
      %parallel_loop3A_345 = arith.addi %parallel_loop3A_270, %parallel_loop3A_344 : i32
      %parallel_loop3A_346 = arith.index_cast %parallel_loop3A_345 : i32 to index
      %parallel_loop3A_347 = arith.constant 48 : index
      %parallel_loop3A_348 = tpu.vector_load %arg9[%parallel_loop3A_346, %parallel_loop3A_347] {strides = array<i32>} : memref<128x128xf32, #tpu.memory_space<vmem>>, vector<1x16xf32>,
      %parallel_loop3A_349 = vector.shape_cast %parallel_loop3A_348 : vector<1x16xf32> to vector<16xf32>
      %parallel_loop3A_350 = vector.shape_cast %parallel_loop3A_336 : vector<16xf32> to vector<1x16xf32>
      tpu.vector_store %arg9[%parallel_loop3A_346, %parallel_loop3A_347], %parallel_loop3A_350 {add = true, strides = array<i32>} : memref<128x128xf32, #tpu.memory_space<vmem>>, vector<1x16xf32>,
      %parallel_loop3A_351 = arith.constant 0 : i32
      %parallel_loop3A_352 = arith.addi %parallel_loop3A_270, %parallel_loop3A_351 : i32
      %parallel_loop3A_353 = arith.index_cast %parallel_loop3A_352 : i32 to index
      %parallel_loop3A_354 = arith.constant 64 : index
      %parallel_loop3A_355 = tpu.vector_load %arg7[%parallel_loop3A_353, %parallel_loop3A_354] {strides = array<i32>} : memref<128x128xf32, #tpu.memory_space<vmem>>, vector<1x16xf32>,
      %parallel_loop3A_356 = vector.shape_cast %parallel_loop3A_355 : vector<1x16xf32> to vector<16xf32>
      %parallel_loop3A_357 = arith.constant 0 : i32
      %parallel_loop3A_358 = arith.addi %parallel_loop3A_270, %parallel_loop3A_357 : i32
      %parallel_loop3A_359 = arith.index_cast %parallel_loop3A_358 : i32 to index
      %parallel_loop3A_360 = arith.constant 64 : index
      %parallel_loop3A_361 = tpu.vector_load %arg8[%parallel_loop3A_359, %parallel_loop3A_360] {strides = array<i32>} : memref<128x128xf32, #tpu.memory_space<vmem>>, vector<1x16xf32>,
      %parallel_loop3A_362 = vector.shape_cast %parallel_loop3A_361 : vector<1x16xf32> to vector<16xf32>
      %parallel_loop3A_363 = vector.shape_cast %parallel_loop3A_356 : vector<16xf32> to vector<1x16xf32>
      tpu.vector_store %arg8[%parallel_loop3A_359, %parallel_loop3A_360], %parallel_loop3A_363 {add = true, strides = array<i32>} : memref<128x128xf32, #tpu.memory_space<vmem>>, vector<1x16xf32>,
      %parallel_loop3A_364 = arith.constant 0 : i32
      %parallel_loop3A_365 = arith.addi %parallel_loop3A_270, %parallel_loop3A_364 : i32
      %parallel_loop3A_366 = arith.index_cast %parallel_loop3A_365 : i32 to index
      %parallel_loop3A_367 = arith.constant 64 : index
      %parallel_loop3A_368 = tpu.vector_load %arg9[%parallel_loop3A_366, %parallel_loop3A_367] {strides = array<i32>} : memref<128x128xf32, #tpu.memory_space<vmem>>, vector<1x16xf32>,
      %parallel_loop3A_369 = vector.shape_cast %parallel_loop3A_368 : vector<1x16xf32> to vector<16xf32>
      %parallel_loop3A_370 = vector.shape_cast %parallel_loop3A_356 : vector<16xf32> to vector<1x16xf32>
      tpu.vector_store %arg9[%parallel_loop3A_366, %parallel_loop3A_367], %parallel_loop3A_370 {add = true, strides = array<i32>} : memref<128x128xf32, #tpu.memory_space<vmem>>, vector<1x16xf32>,
      %parallel_loop3A_371 = arith.constant 0 : i32
      %parallel_loop3A_372 = arith.addi %parallel_loop3A_270, %parallel_loop3A_371 : i32
      %parallel_loop3A_373 = arith.index_cast %parallel_loop3A_372 : i32 to index
      %parallel_loop3A_374 = arith.constant 80 : index
      %parallel_loop3A_375 = tpu.vector_load %arg7[%parallel_loop3A_373, %parallel_loop3A_374] {strides = array<i32>} : memref<128x128xf32, #tpu.memory_space<vmem>>, vector<1x16xf32>,
      %parallel_loop3A_376 = vector.shape_cast %parallel_loop3A_375 : vector<1x16xf32> to vector<16xf32>
      %parallel_loop3A_377 = arith.constant 0 : i32
      %parallel_loop3A_378 = arith.addi %parallel_loop3A_270, %parallel_loop3A_377 : i32
      %parallel_loop3A_379 = arith.index_cast %parallel_loop3A_378 : i32 to index
      %parallel_loop3A_380 = arith.constant 80 : index
      %parallel_loop3A_381 = tpu.vector_load %arg8[%parallel_loop3A_379, %parallel_loop3A_380] {strides = array<i32>} : memref<128x128xf32, #tpu.memory_space<vmem>>, vector<1x16xf32>,
      %parallel_loop3A_382 = vector.shape_cast %parallel_loop3A_381 : vector<1x16xf32> to vector<16xf32>
      %parallel_loop3A_383 = vector.shape_cast %parallel_loop3A_376 : vector<16xf32> to vector<1x16xf32>
      tpu.vector_store %arg8[%parallel_loop3A_379, %parallel_loop3A_380], %parallel_loop3A_383 {add = true, strides = array<i32>} : memref<128x128xf32, #tpu.memory_space<vmem>>, vector<1x16xf32>,
      %parallel_loop3A_384 = arith.constant 0 : i32
      %parallel_loop3A_385 = arith.addi %parallel_loop3A_270, %parallel_loop3A_384 : i32
      %parallel_loop3A_386 = arith.index_cast %parallel_loop3A_385 : i32 to index
      %parallel_loop3A_387 = arith.constant 80 : index
      %parallel_loop3A_388 = tpu.vector_load %arg9[%parallel_loop3A_386, %parallel_loop3A_387] {strides = array<i32>} : memref<128x128xf32, #tpu.memory_space<vmem>>, vector<1x16xf32>,
      %parallel_loop3A_389 = vector.shape_cast %parallel_loop3A_388 : vector<1x16xf32> to vector<16xf32>
      %parallel_loop3A_390 = vector.shape_cast %parallel_loop3A_376 : vector<16xf32> to vector<1x16xf32>
      tpu.vector_store %arg9[%parallel_loop3A_386, %parallel_loop3A_387], %parallel_loop3A_390 {add = true, strides = array<i32>} : memref<128x128xf32, #tpu.memory_space<vmem>>, vector<1x16xf32>,
      %parallel_loop3A_391 = arith.constant 0 : i32
      %parallel_loop3A_392 = arith.addi %parallel_loop3A_270, %parallel_loop3A_391 : i32
      %parallel_loop3A_393 = arith.index_cast %parallel_loop3A_392 : i32 to index
      %parallel_loop3A_394 = arith.constant 96 : index
      %parallel_loop3A_395 = tpu.vector_load %arg7[%parallel_loop3A_393, %parallel_loop3A_394] {strides = array<i32>} : memref<128x128xf32, #tpu.memory_space<vmem>>, vector<1x16xf32>,
      %parallel_loop3A_396 = vector.shape_cast %parallel_loop3A_395 : vector<1x16xf32> to vector<16xf32>
      %parallel_loop3A_397 = arith.constant 0 : i32
      %parallel_loop3A_398 = arith.addi %parallel_loop3A_270, %parallel_loop3A_397 : i32
      %parallel_loop3A_399 = arith.index_cast %parallel_loop3A_398 : i32 to index
      %parallel_loop3A_400 = arith.constant 96 : index
      %parallel_loop3A_401 = tpu.vector_load %arg8[%parallel_loop3A_399, %parallel_loop3A_400] {strides = array<i32>} : memref<128x128xf32, #tpu.memory_space<vmem>>, vector<1x16xf32>,
      %parallel_loop3A_402 = vector.shape_cast %parallel_loop3A_401 : vector<1x16xf32> to vector<16xf32>
      %parallel_loop3A_403 = vector.shape_cast %parallel_loop3A_396 : vector<16xf32> to vector<1x16xf32>
      tpu.vector_store %arg8[%parallel_loop3A_399, %parallel_loop3A_400], %parallel_loop3A_403 {add = true, strides = array<i32>} : memref<128x128xf32, #tpu.memory_space<vmem>>, vector<1x16xf32>,
      %parallel_loop3A_404 = arith.constant 0 : i32
      %parallel_loop3A_405 = arith.addi %parallel_loop3A_270, %parallel_loop3A_404 : i32
      %parallel_loop3A_406 = arith.index_cast %parallel_loop3A_405 : i32 to index
      %parallel_loop3A_407 = arith.constant 96 : index
      %parallel_loop3A_408 = tpu.vector_load %arg9[%parallel_loop3A_406, %parallel_loop3A_407] {strides = array<i32>} : memref<128x128xf32, #tpu.memory_space<vmem>>, vector<1x16xf32>,
      %parallel_loop3A_409 = vector.shape_cast %parallel_loop3A_408 : vector<1x16xf32> to vector<16xf32>
      %parallel_loop3A_410 = vector.shape_cast %parallel_loop3A_396 : vector<16xf32> to vector<1x16xf32>
      tpu.vector_store %arg9[%parallel_loop3A_406, %parallel_loop3A_407], %parallel_loop3A_410 {add = true, strides = array<i32>} : memref<128x128xf32, #tpu.memory_space<vmem>>, vector<1x16xf32>,
      %parallel_loop3A_411 = arith.constant 0 : i32
      %parallel_loop3A_412 = arith.addi %parallel_loop3A_270, %parallel_loop3A_411 : i32
      %parallel_loop3A_413 = arith.index_cast %parallel_loop3A_412 : i32 to index
      %parallel_loop3A_414 = arith.constant 112 : index
      %parallel_loop3A_415 = tpu.vector_load %arg7[%parallel_loop3A_413, %parallel_loop3A_414] {strides = array<i32>} : memref<128x128xf32, #tpu.memory_space<vmem>>, vector<1x16xf32>,
      %parallel_loop3A_416 = vector.shape_cast %parallel_loop3A_415 : vector<1x16xf32> to vector<16xf32>
      %parallel_loop3A_417 = arith.constant 0 : i32
      %parallel_loop3A_418 = arith.addi %parallel_loop3A_270, %parallel_loop3A_417 : i32
      %parallel_loop3A_419 = arith.index_cast %parallel_loop3A_418 : i32 to index
      %parallel_loop3A_420 = arith.constant 112 : index
      %parallel_loop3A_421 = tpu.vector_load %arg8[%parallel_loop3A_419, %parallel_loop3A_420] {strides = array<i32>} : memref<128x128xf32, #tpu.memory_space<vmem>>, vector<1x16xf32>,
      %parallel_loop3A_422 = vector.shape_cast %parallel_loop3A_421 : vector<1x16xf32> to vector<16xf32>
      %parallel_loop3A_423 = vector.shape_cast %parallel_loop3A_416 : vector<16xf32> to vector<1x16xf32>
      tpu.vector_store %arg8[%parallel_loop3A_419, %parallel_loop3A_420], %parallel_loop3A_423 {add = true, strides = array<i32>} : memref<128x128xf32, #tpu.memory_space<vmem>>, vector<1x16xf32>,
      %parallel_loop3A_424 = arith.constant 0 : i32
      %parallel_loop3A_425 = arith.addi %parallel_loop3A_270, %parallel_loop3A_424 : i32
      %parallel_loop3A_426 = arith.index_cast %parallel_loop3A_425 : i32 to index
      %parallel_loop3A_427 = arith.constant 112 : index
      %parallel_loop3A_428 = tpu.vector_load %arg9[%parallel_loop3A_426, %parallel_loop3A_427] {strides = array<i32>} : memref<128x128xf32, #tpu.memory_space<vmem>>, vector<1x16xf32>,
      %parallel_loop3A_429 = vector.shape_cast %parallel_loop3A_428 : vector<1x16xf32> to vector<16xf32>
      %parallel_loop3A_430 = vector.shape_cast %parallel_loop3A_416 : vector<16xf32> to vector<1x16xf32>
      tpu.vector_store %arg9[%parallel_loop3A_426, %parallel_loop3A_427], %parallel_loop3A_430 {add = true, strides = array<i32>} : memref<128x128xf32, #tpu.memory_space<vmem>>, vector<1x16xf32>,
      %parallel_loop3A_431 = arith.constant 1 : i32
      %parallel_loop3A_432 = arith.addi %parallel_loop3A_270, %parallel_loop3A_431 : i32
      %parallel_loop3A_433 = arith.index_cast %parallel_loop3A_432 : i32 to index
      %parallel_loop3A_434 = arith.constant 0 : index
      %parallel_loop3A_435 = tpu.vector_load %arg7[%parallel_loop3A_433, %parallel_loop3A_434] {strides = array<i32>} : memref<128x128xf32, #tpu.memory_space<vmem>>, vector<1x16xf32>,
      %parallel_loop3A_436 = vector.shape_cast %parallel_loop3A_435 : vector<1x16xf32> to vector<16xf32>
      %parallel_loop3A_437 = arith.constant 1 : i32
      %parallel_loop3A_438 = arith.addi %parallel_loop3A_270, %parallel_loop3A_437 : i32
      %parallel_loop3A_439 = arith.index_cast %parallel_loop3A_438 : i32 to index
      %parallel_loop3A_440 = arith.constant 0 : index
      %parallel_loop3A_441 = tpu.vector_load %arg8[%parallel_loop3A_439, %parallel_loop3A_440] {strides = array<i32>} : memref<128x128xf32, #tpu.memory_space<vmem>>, vector<1x16xf32>,
      %parallel_loop3A_442 = vector.shape_cast %parallel_loop3A_441 : vector<1x16xf32> to vector<16xf32>
      %parallel_loop3A_443 = vector.shape_cast %parallel_loop3A_436 : vector<16xf32> to vector<1x16xf32>
      tpu.vector_store %arg8[%parallel_loop3A_439, %parallel_loop3A_440], %parallel_loop3A_443 {add = true, strides = array<i32>} : memref<128x128xf32, #tpu.memory_space<vmem>>, vector<1x16xf32>,
      %parallel_loop3A_444 = arith.constant 1 : i32
      %parallel_loop3A_445 = arith.addi %parallel_loop3A_270, %parallel_loop3A_444 : i32
      %parallel_loop3A_446 = arith.index_cast %parallel_loop3A_445 : i32 to index
      %parallel_loop3A_447 = arith.constant 0 : index
      %parallel_loop3A_448 = tpu.vector_load %arg9[%parallel_loop3A_446, %parallel_loop3A_447] {strides = array<i32>} : memref<128x128xf32, #tpu.memory_space<vmem>>, vector<1x16xf32>,
      %parallel_loop3A_449 = vector.shape_cast %parallel_loop3A_448 : vector<1x16xf32> to vector<16xf32>
      %parallel_loop3A_450 = vector.shape_cast %parallel_loop3A_436 : vector<16xf32> to vector<1x16xf32>
      tpu.vector_store %arg9[%parallel_loop3A_446, %parallel_loop3A_447], %parallel_loop3A_450 {add = true, strides = array<i32>} : memref<128x128xf32, #tpu.memory_space<vmem>>, vector<1x16xf32>,
      %parallel_loop3A_451 = arith.constant 1 : i32
      %parallel_loop3A_452 = arith.addi %parallel_loop3A_270, %parallel_loop3A_451 : i32
      %parallel_loop3A_453 = arith.index_cast %parallel_loop3A_452 : i32 to index
      %parallel_loop3A_454 = arith.constant 16 : index
      %parallel_loop3A_455 = tpu.vector_load %arg7[%parallel_loop3A_453, %parallel_loop3A_454] {strides = array<i32>} : memref<128x128xf32, #tpu.memory_space<vmem>>, vector<1x16xf32>,
      %parallel_loop3A_456 = vector.shape_cast %parallel_loop3A_455 : vector<1x16xf32> to vector<16xf32>
      %parallel_loop3A_457 = arith.constant 1 : i32
      %parallel_loop3A_458 = arith.addi %parallel_loop3A_270, %parallel_loop3A_457 : i32
      %parallel_loop3A_459 = arith.index_cast %parallel_loop3A_458 : i32 to index
      %parallel_loop3A_460 = arith.constant 16 : index
      %parallel_loop3A_461 = tpu.vector_load %arg8[%parallel_loop3A_459, %parallel_loop3A_460] {strides = array<i32>} : memref<128x128xf32, #tpu.memory_space<vmem>>, vector<1x16xf32>,
      %parallel_loop3A_462 = vector.shape_cast %parallel_loop3A_461 : vector<1x16xf32> to vector<16xf32>
      %parallel_loop3A_463 = vector.shape_cast %parallel_loop3A_456 : vector<16xf32> to vector<1x16xf32>
      tpu.vector_store %arg8[%parallel_loop3A_459, %parallel_loop3A_460], %parallel_loop3A_463 {add = true, strides = array<i32>} : memref<128x128xf32, #tpu.memory_space<vmem>>, vector<1x16xf32>,
      %parallel_loop3A_464 = arith.constant 1 : i32
      %parallel_loop3A_465 = arith.addi %parallel_loop3A_270, %parallel_loop3A_464 : i32
      %parallel_loop3A_466 = arith.index_cast %parallel_loop3A_465 : i32 to index
      %parallel_loop3A_467 = arith.constant 16 : index
      %parallel_loop3A_468 = tpu.vector_load %arg9[%parallel_loop3A_466, %parallel_loop3A_467] {strides = array<i32>} : memref<128x128xf32, #tpu.memory_space<vmem>>, vector<1x16xf32>,
      %parallel_loop3A_469 = vector.shape_cast %parallel_loop3A_468 : vector<1x16xf32> to vector<16xf32>
      %parallel_loop3A_470 = vector.shape_cast %parallel_loop3A_456 : vector<16xf32> to vector<1x16xf32>
      tpu.vector_store %arg9[%parallel_loop3A_466, %parallel_loop3A_467], %parallel_loop3A_470 {add = true, strides = array<i32>} : memref<128x128xf32, #tpu.memory_space<vmem>>, vector<1x16xf32>,
      %parallel_loop3A_471 = arith.constant 1 : i32
      %parallel_loop3A_472 = arith.addi %parallel_loop3A_270, %parallel_loop3A_471 : i32
      %parallel_loop3A_473 = arith.index_cast %parallel_loop3A_472 : i32 to index
      %parallel_loop3A_474 = arith.constant 32 : index
      %parallel_loop3A_475 = tpu.vector_load %arg7[%parallel_loop3A_473, %parallel_loop3A_474] {strides = array<i32>} : memref<128x128xf32, #tpu.memory_space<vmem>>, vector<1x16xf32>,
      %parallel_loop3A_476 = vector.shape_cast %parallel_loop3A_475 : vector<1x16xf32> to vector<16xf32>
      %parallel_loop3A_477 = arith.constant 1 : i32
      %parallel_loop3A_478 = arith.addi %parallel_loop3A_270, %parallel_loop3A_477 : i32
      %parallel_loop3A_479 = arith.index_cast %parallel_loop3A_478 : i32 to index
      %parallel_loop3A_480 = arith.constant 32 : index
      %parallel_loop3A_481 = tpu.vector_load %arg8[%parallel_loop3A_479, %parallel_loop3A_480] {strides = array<i32>} : memref<128x128xf32, #tpu.memory_space<vmem>>, vector<1x16xf32>,
      %parallel_loop3A_482 = vector.shape_cast %parallel_loop3A_481 : vector<1x16xf32> to vector<16xf32>
      %parallel_loop3A_483 = vector.shape_cast %parallel_loop3A_476 : vector<16xf32> to vector<1x16xf32>
      tpu.vector_store %arg8[%parallel_loop3A_479, %parallel_loop3A_480], %parallel_loop3A_483 {add = true, strides = array<i32>} : memref<128x128xf32, #tpu.memory_space<vmem>>, vector<1x16xf32>,
      %parallel_loop3A_484 = arith.constant 1 : i32
      %parallel_loop3A_485 = arith.addi %parallel_loop3A_270, %parallel_loop3A_484 : i32
      %parallel_loop3A_486 = arith.index_cast %parallel_loop3A_485 : i32 to index
      %parallel_loop3A_487 = arith.constant 32 : index
      %parallel_loop3A_488 = tpu.vector_load %arg9[%parallel_loop3A_486, %parallel_loop3A_487] {strides = array<i32>} : memref<128x128xf32, #tpu.memory_space<vmem>>, vector<1x16xf32>,
      %parallel_loop3A_489 = vector.shape_cast %parallel_loop3A_488 : vector<1x16xf32> to vector<16xf32>
      %parallel_loop3A_490 = vector.shape_cast %parallel_loop3A_476 : vector<16xf32> to vector<1x16xf32>
      tpu.vector_store %arg9[%parallel_loop3A_486, %parallel_loop3A_487], %parallel_loop3A_490 {add = true, strides = array<i32>} : memref<128x128xf32, #tpu.memory_space<vmem>>, vector<1x16xf32>,
      %parallel_loop3A_491 = arith.constant 1 : i32
      %parallel_loop3A_492 = arith.addi %parallel_loop3A_270, %parallel_loop3A_491 : i32
      %parallel_loop3A_493 = arith.index_cast %parallel_loop3A_492 : i32 to index
      %parallel_loop3A_494 = arith.constant 48 : index
      %parallel_loop3A_495 = tpu.vector_load %arg7[%parallel_loop3A_493, %parallel_loop3A_494] {strides = array<i32>} : memref<128x128xf32, #tpu.memory_space<vmem>>, vector<1x16xf32>,
      %parallel_loop3A_496 = vector.shape_cast %parallel_loop3A_495 : vector<1x16xf32> to vector<16xf32>
      %parallel_loop3A_497 = arith.constant 1 : i32
      %parallel_loop3A_498 = arith.addi %parallel_loop3A_270, %parallel_loop3A_497 : i32
      %parallel_loop3A_499 = arith.index_cast %parallel_loop3A_498 : i32 to index
      %parallel_loop3A_500 = arith.constant 48 : index
      %parallel_loop3A_501 = tpu.vector_load %arg8[%parallel_loop3A_499, %parallel_loop3A_500] {strides = array<i32>} : memref<128x128xf32, #tpu.memory_space<vmem>>, vector<1x16xf32>,
      %parallel_loop3A_502 = vector.shape_cast %parallel_loop3A_501 : vector<1x16xf32> to vector<16xf32>
      %parallel_loop3A_503 = vector.shape_cast %parallel_loop3A_496 : vector<16xf32> to vector<1x16xf32>
      tpu.vector_store %arg8[%parallel_loop3A_499, %parallel_loop3A_500], %parallel_loop3A_503 {add = true, strides = array<i32>} : memref<128x128xf32, #tpu.memory_space<vmem>>, vector<1x16xf32>,
      %parallel_loop3A_504 = arith.constant 1 : i32
      %parallel_loop3A_505 = arith.addi %parallel_loop3A_270, %parallel_loop3A_504 : i32
      %parallel_loop3A_506 = arith.index_cast %parallel_loop3A_505 : i32 to index
      %parallel_loop3A_507 = arith.constant 48 : index
      %parallel_loop3A_508 = tpu.vector_load %arg9[%parallel_loop3A_506, %parallel_loop3A_507] {strides = array<i32>} : memref<128x128xf32, #tpu.memory_space<vmem>>, vector<1x16xf32>,
      %parallel_loop3A_509 = vector.shape_cast %parallel_loop3A_508 : vector<1x16xf32> to vector<16xf32>
      %parallel_loop3A_510 = vector.shape_cast %parallel_loop3A_496 : vector<16xf32> to vector<1x16xf32>
      tpu.vector_store %arg9[%parallel_loop3A_506, %parallel_loop3A_507], %parallel_loop3A_510 {add = true, strides = array<i32>} : memref<128x128xf32, #tpu.memory_space<vmem>>, vector<1x16xf32>,
      %parallel_loop3A_511 = arith.constant 1 : i32
      %parallel_loop3A_512 = arith.addi %parallel_loop3A_270, %parallel_loop3A_511 : i32
      %parallel_loop3A_513 = arith.index_cast %parallel_loop3A_512 : i32 to index
      %parallel_loop3A_514 = arith.constant 64 : index
      %parallel_loop3A_515 = tpu.vector_load %arg7[%parallel_loop3A_513, %parallel_loop3A_514] {strides = array<i32>} : memref<128x128xf32, #tpu.memory_space<vmem>>, vector<1x16xf32>,
      %parallel_loop3A_516 = vector.shape_cast %parallel_loop3A_515 : vector<1x16xf32> to vector<16xf32>
      %parallel_loop3A_517 = arith.constant 1 : i32
      %parallel_loop3A_518 = arith.addi %parallel_loop3A_270, %parallel_loop3A_517 : i32
      %parallel_loop3A_519 = arith.index_cast %parallel_loop3A_518 : i32 to index
      %parallel_loop3A_520 = arith.constant 64 : index
      %parallel_loop3A_521 = tpu.vector_load %arg8[%parallel_loop3A_519, %parallel_loop3A_520] {strides = array<i32>} : memref<128x128xf32, #tpu.memory_space<vmem>>, vector<1x16xf32>,
      %parallel_loop3A_522 = vector.shape_cast %parallel_loop3A_521 : vector<1x16xf32> to vector<16xf32>
      %parallel_loop3A_523 = vector.shape_cast %parallel_loop3A_516 : vector<16xf32> to vector<1x16xf32>
      tpu.vector_store %arg8[%parallel_loop3A_519, %parallel_loop3A_520], %parallel_loop3A_523 {add = true, strides = array<i32>} : memref<128x128xf32, #tpu.memory_space<vmem>>, vector<1x16xf32>,
      %parallel_loop3A_524 = arith.constant 1 : i32
      %parallel_loop3A_525 = arith.addi %parallel_loop3A_270, %parallel_loop3A_524 : i32
      %parallel_loop3A_526 = arith.index_cast %parallel_loop3A_525 : i32 to index
      %parallel_loop3A_527 = arith.constant 64 : index
      %parallel_loop3A_528 = tpu.vector_load %arg9[%parallel_loop3A_526, %parallel_loop3A_527] {strides = array<i32>} : memref<128x128xf32, #tpu.memory_space<vmem>>, vector<1x16xf32>,
      %parallel_loop3A_529 = vector.shape_cast %parallel_loop3A_528 : vector<1x16xf32> to vector<16xf32>
      %parallel_loop3A_530 = vector.shape_cast %parallel_loop3A_516 : vector<16xf32> to vector<1x16xf32>
      tpu.vector_store %arg9[%parallel_loop3A_526, %parallel_loop3A_527], %parallel_loop3A_530 {add = true, strides = array<i32>} : memref<128x128xf32, #tpu.memory_space<vmem>>, vector<1x16xf32>,
      %parallel_loop3A_531 = arith.constant 1 : i32
      %parallel_loop3A_532 = arith.addi %parallel_loop3A_270, %parallel_loop3A_531 : i32
      %parallel_loop3A_533 = arith.index_cast %parallel_loop3A_532 : i32 to index
      %parallel_loop3A_534 = arith.constant 80 : index
      %parallel_loop3A_535 = tpu.vector_load %arg7[%parallel_loop3A_533, %parallel_loop3A_534] {strides = array<i32>} : memref<128x128xf32, #tpu.memory_space<vmem>>, vector<1x16xf32>,
      %parallel_loop3A_536 = vector.shape_cast %parallel_loop3A_535 : vector<1x16xf32> to vector<16xf32>
      %parallel_loop3A_537 = arith.constant 1 : i32
      %parallel_loop3A_538 = arith.addi %parallel_loop3A_270, %parallel_loop3A_537 : i32
      %parallel_loop3A_539 = arith.index_cast %parallel_loop3A_538 : i32 to index
      %parallel_loop3A_540 = arith.constant 80 : index
      %parallel_loop3A_541 = tpu.vector_load %arg8[%parallel_loop3A_539, %parallel_loop3A_540] {strides = array<i32>} : memref<128x128xf32, #tpu.memory_space<vmem>>, vector<1x16xf32>,
      %parallel_loop3A_542 = vector.shape_cast %parallel_loop3A_541 : vector<1x16xf32> to vector<16xf32>
      %parallel_loop3A_543 = vector.shape_cast %parallel_loop3A_536 : vector<16xf32> to vector<1x16xf32>
      tpu.vector_store %arg8[%parallel_loop3A_539, %parallel_loop3A_540], %parallel_loop3A_543 {add = true, strides = array<i32>} : memref<128x128xf32, #tpu.memory_space<vmem>>, vector<1x16xf32>,
      %parallel_loop3A_544 = arith.constant 1 : i32
      %parallel_loop3A_545 = arith.addi %parallel_loop3A_270, %parallel_loop3A_544 : i32
      %parallel_loop3A_546 = arith.index_cast %parallel_loop3A_545 : i32 to index
      %parallel_loop3A_547 = arith.constant 80 : index
      %parallel_loop3A_548 = tpu.vector_load %arg9[%parallel_loop3A_546, %parallel_loop3A_547] {strides = array<i32>} : memref<128x128xf32, #tpu.memory_space<vmem>>, vector<1x16xf32>,
      %parallel_loop3A_549 = vector.shape_cast %parallel_loop3A_548 : vector<1x16xf32> to vector<16xf32>
      %parallel_loop3A_550 = vector.shape_cast %parallel_loop3A_536 : vector<16xf32> to vector<1x16xf32>
      tpu.vector_store %arg9[%parallel_loop3A_546, %parallel_loop3A_547], %parallel_loop3A_550 {add = true, strides = array<i32>} : memref<128x128xf32, #tpu.memory_space<vmem>>, vector<1x16xf32>,
      %parallel_loop3A_551 = arith.constant 1 : i32
      %parallel_loop3A_552 = arith.addi %parallel_loop3A_270, %parallel_loop3A_551 : i32
      %parallel_loop3A_553 = arith.index_cast %parallel_loop3A_552 : i32 to index
      %parallel_loop3A_554 = arith.constant 96 : index
      %parallel_loop3A_555 = tpu.vector_load %arg7[%parallel_loop3A_553, %parallel_loop3A_554] {strides = array<i32>} : memref<128x128xf32, #tpu.memory_space<vmem>>, vector<1x16xf32>,
      %parallel_loop3A_556 = vector.shape_cast %parallel_loop3A_555 : vector<1x16xf32> to vector<16xf32>
      %parallel_loop3A_557 = arith.constant 1 : i32
      %parallel_loop3A_558 = arith.addi %parallel_loop3A_270, %parallel_loop3A_557 : i32
      %parallel_loop3A_559 = arith.index_cast %parallel_loop3A_558 : i32 to index
      %parallel_loop3A_560 = arith.constant 96 : index
      %parallel_loop3A_561 = tpu.vector_load %arg8[%parallel_loop3A_559, %parallel_loop3A_560] {strides = array<i32>} : memref<128x128xf32, #tpu.memory_space<vmem>>, vector<1x16xf32>,
      %parallel_loop3A_562 = vector.shape_cast %parallel_loop3A_561 : vector<1x16xf32> to vector<16xf32>
      %parallel_loop3A_563 = vector.shape_cast %parallel_loop3A_556 : vector<16xf32> to vector<1x16xf32>
      tpu.vector_store %arg8[%parallel_loop3A_559, %parallel_loop3A_560], %parallel_loop3A_563 {add = true, strides = array<i32>} : memref<128x128xf32, #tpu.memory_space<vmem>>, vector<1x16xf32>,
      %parallel_loop3A_564 = arith.constant 1 : i32
      %parallel_loop3A_565 = arith.addi %parallel_loop3A_270, %parallel_loop3A_564 : i32
      %parallel_loop3A_566 = arith.index_cast %parallel_loop3A_565 : i32 to index
      %parallel_loop3A_567 = arith.constant 96 : index
      %parallel_loop3A_568 = tpu.vector_load %arg9[%parallel_loop3A_566, %parallel_loop3A_567] {strides = array<i32>} : memref<128x128xf32, #tpu.memory_space<vmem>>, vector<1x16xf32>,
      %parallel_loop3A_569 = vector.shape_cast %parallel_loop3A_568 : vector<1x16xf32> to vector<16xf32>
      %parallel_loop3A_570 = vector.shape_cast %parallel_loop3A_556 : vector<16xf32> to vector<1x16xf32>
      tpu.vector_store %arg9[%parallel_loop3A_566, %parallel_loop3A_567], %parallel_loop3A_570 {add = true, strides = array<i32>} : memref<128x128xf32, #tpu.memory_space<vmem>>, vector<1x16xf32>,
      %parallel_loop3A_571 = arith.constant 1 : i32
      %parallel_loop3A_572 = arith.addi %parallel_loop3A_270, %parallel_loop3A_571 : i32
      %parallel_loop3A_573 = arith.index_cast %parallel_loop3A_572 : i32 to index
      %parallel_loop3A_574 = arith.constant 112 : index
      %parallel_loop3A_575 = tpu.vector_load %arg7[%parallel_loop3A_573, %parallel_loop3A_574] {strides = array<i32>} : memref<128x128xf32, #tpu.memory_space<vmem>>, vector<1x16xf32>,
      %parallel_loop3A_576 = vector.shape_cast %parallel_loop3A_575 : vector<1x16xf32> to vector<16xf32>
      %parallel_loop3A_577 = arith.constant 1 : i32
      %parallel_loop3A_578 = arith.addi %parallel_loop3A_270, %parallel_loop3A_577 : i32
      %parallel_loop3A_579 = arith.index_cast %parallel_loop3A_578 : i32 to index
      %parallel_loop3A_580 = arith.constant 112 : index
      %parallel_loop3A_581 = tpu.vector_load %arg8[%parallel_loop3A_579, %parallel_loop3A_580] {strides = array<i32>} : memref<128x128xf32, #tpu.memory_space<vmem>>, vector<1x16xf32>,
      %parallel_loop3A_582 = vector.shape_cast %parallel_loop3A_581 : vector<1x16xf32> to vector<16xf32>
      %parallel_loop3A_583 = vector.shape_cast %parallel_loop3A_576 : vector<16xf32> to vector<1x16xf32>
      tpu.vector_store %arg8[%parallel_loop3A_579, %parallel_loop3A_580], %parallel_loop3A_583 {add = true, strides = array<i32>} : memref<128x128xf32, #tpu.memory_space<vmem>>, vector<1x16xf32>,
      %parallel_loop3A_584 = arith.constant 1 : i32
      %parallel_loop3A_585 = arith.addi %parallel_loop3A_270, %parallel_loop3A_584 : i32
      %parallel_loop3A_586 = arith.index_cast %parallel_loop3A_585 : i32 to index
      %parallel_loop3A_587 = arith.constant 112 : index
      %parallel_loop3A_588 = tpu.vector_load %arg9[%parallel_loop3A_586, %parallel_loop3A_587] {strides = array<i32>} : memref<128x128xf32, #tpu.memory_space<vmem>>, vector<1x16xf32>,
      %parallel_loop3A_589 = vector.shape_cast %parallel_loop3A_588 : vector<1x16xf32> to vector<16xf32>
      %parallel_loop3A_590 = vector.shape_cast %parallel_loop3A_576 : vector<16xf32> to vector<1x16xf32>
      tpu.vector_store %arg9[%parallel_loop3A_586, %parallel_loop3A_587], %parallel_loop3A_590 {add = true, strides = array<i32>} : memref<128x128xf32, #tpu.memory_space<vmem>>, vector<1x16xf32>,
    } {sc.loop_unroll_factor = 1 : i64, sc.parallel_access}
    %mul3A_193 = arith.constant 8 : i32
    %mul3A_194 = arith.muli %select_n3A, %mul3A_193 : i32
    %add3A_195 = arith.constant 4 : i32
    %add3A_196 = arith.addi %mul3A_194, %add3A_195 : i32
    %mul3A_197 = arith.constant 2048 : i32
    %mul3A_198 = arith.muli %add3A_196, %mul3A_197 : i32
    %add3A_199 = arith.addi %mul3A_198, %mul3A_20 : i32
    %dma_start3A_200 = arith.constant 0 : i32
    %dma_start3A_201 = tpu.memref_slice %arg5[%add3A_199, %dma_start3A_200] : memref<32768x128xf32, #tpu.memory_space<hbm>> -> memref<128x128xf32, #tpu.memory_space<hbm>>
    %dma_start3A_202 = arith.constant 0 : i32
    %dma_start3A_203 = tpu.memref_slice %arg5[%add3A_199, %dma_start3A_202] : memref<32768x128xf32, #tpu.memory_space<hbm>> -> memref<128x128xf32, #tpu.memory_space<hbm>>
    tpu.enqueue_dma source(%arg8 : memref<128x128xf32, #tpu.memory_space<vmem>>) target(%dma_start3A_203 : memref<128x128xf32, #tpu.memory_space<hbm>>) target_semaphore(%arg16 : memref<!tpu.dma_semaphore, #tpu.memory_space<semaphore_mem>>)
    %mul3A_204 = arith.constant 8 : i32
    %mul3A_205 = arith.muli %select_n3A, %mul3A_204 : i32
    %add3A_206 = arith.constant 5 : i32
    %add3A_207 = arith.addi %mul3A_205, %add3A_206 : i32
    %mul3A_208 = arith.constant 2048 : i32
    %mul3A_209 = arith.muli %add3A_207, %mul3A_208 : i32
    %add3A_210 = arith.addi %mul3A_209, %mul3A_20 : i32
    %dma_start3A_211 = arith.constant 0 : i32
    %dma_start3A_212 = tpu.memref_slice %arg5[%add3A_210, %dma_start3A_211] : memref<32768x128xf32, #tpu.memory_space<hbm>> -> memref<128x128xf32, #tpu.memory_space<hbm>>
    %dma_start3A_213 = arith.constant 0 : i32
    %dma_start3A_214 = tpu.memref_slice %arg5[%add3A_210, %dma_start3A_213] : memref<32768x128xf32, #tpu.memory_space<hbm>> -> memref<128x128xf32, #tpu.memory_space<hbm>>
    tpu.enqueue_dma source(%arg9 : memref<128x128xf32, #tpu.memory_space<vmem>>) target(%dma_start3A_214 : memref<128x128xf32, #tpu.memory_space<hbm>>) target_semaphore(%arg17 : memref<!tpu.dma_semaphore, #tpu.memory_space<semaphore_mem>>)
    %dma_wait3A_215 = arith.constant 6 : i32
    %dma_wait3A_216 = arith.constant 0 : i32
    %dma_wait3A_217 = tpu.memref_slice %arg6[%dma_wait3A_215, %dma_wait3A_216] : memref<8x128xi32, #tpu.memory_space<vmem>> -> memref<1x128xi32, #tpu.memory_space<vmem>>
    %dma_wait3A_218 = tpu.memref_squeeze %dma_wait3A_217 : memref<1x128xi32, #tpu.memory_space<vmem>> -> memref<128xi32, #tpu.memory_space<vmem>>
    %dma_wait3A_219 = arith.constant 0 : i32
    %dma_wait3A_220 = arith.constant 0 : i32
    %dma_wait3A_221 = tpu.memref_slice %arg3[%dma_wait3A_219, %dma_wait3A_220] : memref<100000x128xf32, #tpu.memory_space<hbm>> -> memref<100000x128xf32, #tpu.memory_space<hbm>>
    tpu.wait_indirect_dma semaphore(%arg14 : memref<!tpu.dma_semaphore, #tpu.memory_space<semaphore_mem>>) src(%dma_wait3A_221 : memref<100000x128xf32, #tpu.memory_space<hbm>>) dst(%arg10 : memref<128x128xf32, #tpu.memory_space<vmem>>)
    %dma_wait3A_222 = arith.constant 7 : i32
    %dma_wait3A_223 = arith.constant 0 : i32
    %dma_wait3A_224 = tpu.memref_slice %arg6[%dma_wait3A_222, %dma_wait3A_223] : memref<8x128xi32, #tpu.memory_space<vmem>> -> memref<1x128xi32, #tpu.memory_space<vmem>>
    %dma_wait3A_225 = tpu.memref_squeeze %dma_wait3A_224 : memref<1x128xi32, #tpu.memory_space<vmem>> -> memref<128xi32, #tpu.memory_space<vmem>>
    %dma_wait3A_226 = arith.constant 0 : i32
    %dma_wait3A_227 = arith.constant 0 : i32
    %dma_wait3A_228 = tpu.memref_slice %arg3[%dma_wait3A_226, %dma_wait3A_227] : memref<100000x128xf32, #tpu.memory_space<hbm>> -> memref<100000x128xf32, #tpu.memory_space<hbm>>
    tpu.wait_indirect_dma semaphore(%arg15 : memref<!tpu.dma_semaphore, #tpu.memory_space<semaphore_mem>>) src(%dma_wait3A_228 : memref<100000x128xf32, #tpu.memory_space<hbm>>) dst(%arg11 : memref<128x128xf32, #tpu.memory_space<vmem>>)
    %parallel_loop3A_229 = arith.constant 0 : i32
    %parallel_loop3A_230 = arith.constant 128 : i32
    %parallel_loop3A_231 = arith.constant 2 : i32
    scf.for %parallel_loop3A_270 = %parallel_loop3A_229 to %parallel_loop3A_230 step %parallel_loop3A_231  : i32 {
      %parallel_loop3A_271 = arith.constant 0 : i32
      %parallel_loop3A_272 = arith.addi %parallel_loop3A_270, %parallel_loop3A_271 : i32
      %parallel_loop3A_273 = arith.index_cast %parallel_loop3A_272 : i32 to index
      %parallel_loop3A_274 = arith.constant 0 : index
      %parallel_loop3A_275 = tpu.vector_load %arg7[%parallel_loop3A_273, %parallel_loop3A_274] {strides = array<i32>} : memref<128x128xf32, #tpu.memory_space<vmem>>, vector<1x16xf32>,
      %parallel_loop3A_276 = vector.shape_cast %parallel_loop3A_275 : vector<1x16xf32> to vector<16xf32>
      %parallel_loop3A_277 = arith.constant 0 : i32
      %parallel_loop3A_278 = arith.addi %parallel_loop3A_270, %parallel_loop3A_277 : i32
      %parallel_loop3A_279 = arith.index_cast %parallel_loop3A_278 : i32 to index
      %parallel_loop3A_280 = arith.constant 0 : index
      %parallel_loop3A_281 = tpu.vector_load %arg10[%parallel_loop3A_279, %parallel_loop3A_280] {strides = array<i32>} : memref<128x128xf32, #tpu.memory_space<vmem>>, vector<1x16xf32>,
      %parallel_loop3A_282 = vector.shape_cast %parallel_loop3A_281 : vector<1x16xf32> to vector<16xf32>
      %parallel_loop3A_283 = vector.shape_cast %parallel_loop3A_276 : vector<16xf32> to vector<1x16xf32>
      tpu.vector_store %arg10[%parallel_loop3A_279, %parallel_loop3A_280], %parallel_loop3A_283 {add = true, strides = array<i32>} : memref<128x128xf32, #tpu.memory_space<vmem>>, vector<1x16xf32>,
      %parallel_loop3A_284 = arith.constant 0 : i32
      %parallel_loop3A_285 = arith.addi %parallel_loop3A_270, %parallel_loop3A_284 : i32
      %parallel_loop3A_286 = arith.index_cast %parallel_loop3A_285 : i32 to index
      %parallel_loop3A_287 = arith.constant 0 : index
      %parallel_loop3A_288 = tpu.vector_load %arg11[%parallel_loop3A_286, %parallel_loop3A_287] {strides = array<i32>} : memref<128x128xf32, #tpu.memory_space<vmem>>, vector<1x16xf32>,
      %parallel_loop3A_289 = vector.shape_cast %parallel_loop3A_288 : vector<1x16xf32> to vector<16xf32>
      %parallel_loop3A_290 = vector.shape_cast %parallel_loop3A_276 : vector<16xf32> to vector<1x16xf32>
      tpu.vector_store %arg11[%parallel_loop3A_286, %parallel_loop3A_287], %parallel_loop3A_290 {add = true, strides = array<i32>} : memref<128x128xf32, #tpu.memory_space<vmem>>, vector<1x16xf32>,
      %parallel_loop3A_291 = arith.constant 0 : i32
      %parallel_loop3A_292 = arith.addi %parallel_loop3A_270, %parallel_loop3A_291 : i32
      %parallel_loop3A_293 = arith.index_cast %parallel_loop3A_292 : i32 to index
      %parallel_loop3A_294 = arith.constant 16 : index
      %parallel_loop3A_295 = tpu.vector_load %arg7[%parallel_loop3A_293, %parallel_loop3A_294] {strides = array<i32>} : memref<128x128xf32, #tpu.memory_space<vmem>>, vector<1x16xf32>,
      %parallel_loop3A_296 = vector.shape_cast %parallel_loop3A_295 : vector<1x16xf32> to vector<16xf32>
      %parallel_loop3A_297 = arith.constant 0 : i32
      %parallel_loop3A_298 = arith.addi %parallel_loop3A_270, %parallel_loop3A_297 : i32
      %parallel_loop3A_299 = arith.index_cast %parallel_loop3A_298 : i32 to index
      %parallel_loop3A_300 = arith.constant 16 : index
      %parallel_loop3A_301 = tpu.vector_load %arg10[%parallel_loop3A_299, %parallel_loop3A_300] {strides = array<i32>} : memref<128x128xf32, #tpu.memory_space<vmem>>, vector<1x16xf32>,
      %parallel_loop3A_302 = vector.shape_cast %parallel_loop3A_301 : vector<1x16xf32> to vector<16xf32>
      %parallel_loop3A_303 = vector.shape_cast %parallel_loop3A_296 : vector<16xf32> to vector<1x16xf32>
      tpu.vector_store %arg10[%parallel_loop3A_299, %parallel_loop3A_300], %parallel_loop3A_303 {add = true, strides = array<i32>} : memref<128x128xf32, #tpu.memory_space<vmem>>, vector<1x16xf32>,
      %parallel_loop3A_304 = arith.constant 0 : i32
      %parallel_loop3A_305 = arith.addi %parallel_loop3A_270, %parallel_loop3A_304 : i32
      %parallel_loop3A_306 = arith.index_cast %parallel_loop3A_305 : i32 to index
      %parallel_loop3A_307 = arith.constant 16 : index
      %parallel_loop3A_308 = tpu.vector_load %arg11[%parallel_loop3A_306, %parallel_loop3A_307] {strides = array<i32>} : memref<128x128xf32, #tpu.memory_space<vmem>>, vector<1x16xf32>,
      %parallel_loop3A_309 = vector.shape_cast %parallel_loop3A_308 : vector<1x16xf32> to vector<16xf32>
      %parallel_loop3A_310 = vector.shape_cast %parallel_loop3A_296 : vector<16xf32> to vector<1x16xf32>
      tpu.vector_store %arg11[%parallel_loop3A_306, %parallel_loop3A_307], %parallel_loop3A_310 {add = true, strides = array<i32>} : memref<128x128xf32, #tpu.memory_space<vmem>>, vector<1x16xf32>,
      %parallel_loop3A_311 = arith.constant 0 : i32
      %parallel_loop3A_312 = arith.addi %parallel_loop3A_270, %parallel_loop3A_311 : i32
      %parallel_loop3A_313 = arith.index_cast %parallel_loop3A_312 : i32 to index
      %parallel_loop3A_314 = arith.constant 32 : index
      %parallel_loop3A_315 = tpu.vector_load %arg7[%parallel_loop3A_313, %parallel_loop3A_314] {strides = array<i32>} : memref<128x128xf32, #tpu.memory_space<vmem>>, vector<1x16xf32>,
      %parallel_loop3A_316 = vector.shape_cast %parallel_loop3A_315 : vector<1x16xf32> to vector<16xf32>
      %parallel_loop3A_317 = arith.constant 0 : i32
      %parallel_loop3A_318 = arith.addi %parallel_loop3A_270, %parallel_loop3A_317 : i32
      %parallel_loop3A_319 = arith.index_cast %parallel_loop3A_318 : i32 to index
      %parallel_loop3A_320 = arith.constant 32 : index
      %parallel_loop3A_321 = tpu.vector_load %arg10[%parallel_loop3A_319, %parallel_loop3A_320] {strides = array<i32>} : memref<128x128xf32, #tpu.memory_space<vmem>>, vector<1x16xf32>,
      %parallel_loop3A_322 = vector.shape_cast %parallel_loop3A_321 : vector<1x16xf32> to vector<16xf32>
      %parallel_loop3A_323 = vector.shape_cast %parallel_loop3A_316 : vector<16xf32> to vector<1x16xf32>
      tpu.vector_store %arg10[%parallel_loop3A_319, %parallel_loop3A_320], %parallel_loop3A_323 {add = true, strides = array<i32>} : memref<128x128xf32, #tpu.memory_space<vmem>>, vector<1x16xf32>,
      %parallel_loop3A_324 = arith.constant 0 : i32
      %parallel_loop3A_325 = arith.addi %parallel_loop3A_270, %parallel_loop3A_324 : i32
      %parallel_loop3A_326 = arith.index_cast %parallel_loop3A_325 : i32 to index
      %parallel_loop3A_327 = arith.constant 32 : index
      %parallel_loop3A_328 = tpu.vector_load %arg11[%parallel_loop3A_326, %parallel_loop3A_327] {strides = array<i32>} : memref<128x128xf32, #tpu.memory_space<vmem>>, vector<1x16xf32>,
      %parallel_loop3A_329 = vector.shape_cast %parallel_loop3A_328 : vector<1x16xf32> to vector<16xf32>
      %parallel_loop3A_330 = vector.shape_cast %parallel_loop3A_316 : vector<16xf32> to vector<1x16xf32>
      tpu.vector_store %arg11[%parallel_loop3A_326, %parallel_loop3A_327], %parallel_loop3A_330 {add = true, strides = array<i32>} : memref<128x128xf32, #tpu.memory_space<vmem>>, vector<1x16xf32>,
      %parallel_loop3A_331 = arith.constant 0 : i32
      %parallel_loop3A_332 = arith.addi %parallel_loop3A_270, %parallel_loop3A_331 : i32
      %parallel_loop3A_333 = arith.index_cast %parallel_loop3A_332 : i32 to index
      %parallel_loop3A_334 = arith.constant 48 : index
      %parallel_loop3A_335 = tpu.vector_load %arg7[%parallel_loop3A_333, %parallel_loop3A_334] {strides = array<i32>} : memref<128x128xf32, #tpu.memory_space<vmem>>, vector<1x16xf32>,
      %parallel_loop3A_336 = vector.shape_cast %parallel_loop3A_335 : vector<1x16xf32> to vector<16xf32>
      %parallel_loop3A_337 = arith.constant 0 : i32
      %parallel_loop3A_338 = arith.addi %parallel_loop3A_270, %parallel_loop3A_337 : i32
      %parallel_loop3A_339 = arith.index_cast %parallel_loop3A_338 : i32 to index
      %parallel_loop3A_340 = arith.constant 48 : index
      %parallel_loop3A_341 = tpu.vector_load %arg10[%parallel_loop3A_339, %parallel_loop3A_340] {strides = array<i32>} : memref<128x128xf32, #tpu.memory_space<vmem>>, vector<1x16xf32>,
      %parallel_loop3A_342 = vector.shape_cast %parallel_loop3A_341 : vector<1x16xf32> to vector<16xf32>
      %parallel_loop3A_343 = vector.shape_cast %parallel_loop3A_336 : vector<16xf32> to vector<1x16xf32>
      tpu.vector_store %arg10[%parallel_loop3A_339, %parallel_loop3A_340], %parallel_loop3A_343 {add = true, strides = array<i32>} : memref<128x128xf32, #tpu.memory_space<vmem>>, vector<1x16xf32>,
      %parallel_loop3A_344 = arith.constant 0 : i32
      %parallel_loop3A_345 = arith.addi %parallel_loop3A_270, %parallel_loop3A_344 : i32
      %parallel_loop3A_346 = arith.index_cast %parallel_loop3A_345 : i32 to index
      %parallel_loop3A_347 = arith.constant 48 : index
      %parallel_loop3A_348 = tpu.vector_load %arg11[%parallel_loop3A_346, %parallel_loop3A_347] {strides = array<i32>} : memref<128x128xf32, #tpu.memory_space<vmem>>, vector<1x16xf32>,
      %parallel_loop3A_349 = vector.shape_cast %parallel_loop3A_348 : vector<1x16xf32> to vector<16xf32>
      %parallel_loop3A_350 = vector.shape_cast %parallel_loop3A_336 : vector<16xf32> to vector<1x16xf32>
      tpu.vector_store %arg11[%parallel_loop3A_346, %parallel_loop3A_347], %parallel_loop3A_350 {add = true, strides = array<i32>} : memref<128x128xf32, #tpu.memory_space<vmem>>, vector<1x16xf32>,
      %parallel_loop3A_351 = arith.constant 0 : i32
      %parallel_loop3A_352 = arith.addi %parallel_loop3A_270, %parallel_loop3A_351 : i32
      %parallel_loop3A_353 = arith.index_cast %parallel_loop3A_352 : i32 to index
      %parallel_loop3A_354 = arith.constant 64 : index
      %parallel_loop3A_355 = tpu.vector_load %arg7[%parallel_loop3A_353, %parallel_loop3A_354] {strides = array<i32>} : memref<128x128xf32, #tpu.memory_space<vmem>>, vector<1x16xf32>,
      %parallel_loop3A_356 = vector.shape_cast %parallel_loop3A_355 : vector<1x16xf32> to vector<16xf32>
      %parallel_loop3A_357 = arith.constant 0 : i32
      %parallel_loop3A_358 = arith.addi %parallel_loop3A_270, %parallel_loop3A_357 : i32
      %parallel_loop3A_359 = arith.index_cast %parallel_loop3A_358 : i32 to index
      %parallel_loop3A_360 = arith.constant 64 : index
      %parallel_loop3A_361 = tpu.vector_load %arg10[%parallel_loop3A_359, %parallel_loop3A_360] {strides = array<i32>} : memref<128x128xf32, #tpu.memory_space<vmem>>, vector<1x16xf32>,
      %parallel_loop3A_362 = vector.shape_cast %parallel_loop3A_361 : vector<1x16xf32> to vector<16xf32>
      %parallel_loop3A_363 = vector.shape_cast %parallel_loop3A_356 : vector<16xf32> to vector<1x16xf32>
      tpu.vector_store %arg10[%parallel_loop3A_359, %parallel_loop3A_360], %parallel_loop3A_363 {add = true, strides = array<i32>} : memref<128x128xf32, #tpu.memory_space<vmem>>, vector<1x16xf32>,
      %parallel_loop3A_364 = arith.constant 0 : i32
      %parallel_loop3A_365 = arith.addi %parallel_loop3A_270, %parallel_loop3A_364 : i32
      %parallel_loop3A_366 = arith.index_cast %parallel_loop3A_365 : i32 to index
      %parallel_loop3A_367 = arith.constant 64 : index
      %parallel_loop3A_368 = tpu.vector_load %arg11[%parallel_loop3A_366, %parallel_loop3A_367] {strides = array<i32>} : memref<128x128xf32, #tpu.memory_space<vmem>>, vector<1x16xf32>,
      %parallel_loop3A_369 = vector.shape_cast %parallel_loop3A_368 : vector<1x16xf32> to vector<16xf32>
      %parallel_loop3A_370 = vector.shape_cast %parallel_loop3A_356 : vector<16xf32> to vector<1x16xf32>
      tpu.vector_store %arg11[%parallel_loop3A_366, %parallel_loop3A_367], %parallel_loop3A_370 {add = true, strides = array<i32>} : memref<128x128xf32, #tpu.memory_space<vmem>>, vector<1x16xf32>,
      %parallel_loop3A_371 = arith.constant 0 : i32
      %parallel_loop3A_372 = arith.addi %parallel_loop3A_270, %parallel_loop3A_371 : i32
      %parallel_loop3A_373 = arith.index_cast %parallel_loop3A_372 : i32 to index
      %parallel_loop3A_374 = arith.constant 80 : index
      %parallel_loop3A_375 = tpu.vector_load %arg7[%parallel_loop3A_373, %parallel_loop3A_374] {strides = array<i32>} : memref<128x128xf32, #tpu.memory_space<vmem>>, vector<1x16xf32>,
      %parallel_loop3A_376 = vector.shape_cast %parallel_loop3A_375 : vector<1x16xf32> to vector<16xf32>
      %parallel_loop3A_377 = arith.constant 0 : i32
      %parallel_loop3A_378 = arith.addi %parallel_loop3A_270, %parallel_loop3A_377 : i32
      %parallel_loop3A_379 = arith.index_cast %parallel_loop3A_378 : i32 to index
      %parallel_loop3A_380 = arith.constant 80 : index
      %parallel_loop3A_381 = tpu.vector_load %arg10[%parallel_loop3A_379, %parallel_loop3A_380] {strides = array<i32>} : memref<128x128xf32, #tpu.memory_space<vmem>>, vector<1x16xf32>,
      %parallel_loop3A_382 = vector.shape_cast %parallel_loop3A_381 : vector<1x16xf32> to vector<16xf32>
      %parallel_loop3A_383 = vector.shape_cast %parallel_loop3A_376 : vector<16xf32> to vector<1x16xf32>
      tpu.vector_store %arg10[%parallel_loop3A_379, %parallel_loop3A_380], %parallel_loop3A_383 {add = true, strides = array<i32>} : memref<128x128xf32, #tpu.memory_space<vmem>>, vector<1x16xf32>,
      %parallel_loop3A_384 = arith.constant 0 : i32
      %parallel_loop3A_385 = arith.addi %parallel_loop3A_270, %parallel_loop3A_384 : i32
      %parallel_loop3A_386 = arith.index_cast %parallel_loop3A_385 : i32 to index
      %parallel_loop3A_387 = arith.constant 80 : index
      %parallel_loop3A_388 = tpu.vector_load %arg11[%parallel_loop3A_386, %parallel_loop3A_387] {strides = array<i32>} : memref<128x128xf32, #tpu.memory_space<vmem>>, vector<1x16xf32>,
      %parallel_loop3A_389 = vector.shape_cast %parallel_loop3A_388 : vector<1x16xf32> to vector<16xf32>
      %parallel_loop3A_390 = vector.shape_cast %parallel_loop3A_376 : vector<16xf32> to vector<1x16xf32>
      tpu.vector_store %arg11[%parallel_loop3A_386, %parallel_loop3A_387], %parallel_loop3A_390 {add = true, strides = array<i32>} : memref<128x128xf32, #tpu.memory_space<vmem>>, vector<1x16xf32>,
      %parallel_loop3A_391 = arith.constant 0 : i32
      %parallel_loop3A_392 = arith.addi %parallel_loop3A_270, %parallel_loop3A_391 : i32
      %parallel_loop3A_393 = arith.index_cast %parallel_loop3A_392 : i32 to index
      %parallel_loop3A_394 = arith.constant 96 : index
      %parallel_loop3A_395 = tpu.vector_load %arg7[%parallel_loop3A_393, %parallel_loop3A_394] {strides = array<i32>} : memref<128x128xf32, #tpu.memory_space<vmem>>, vector<1x16xf32>,
      %parallel_loop3A_396 = vector.shape_cast %parallel_loop3A_395 : vector<1x16xf32> to vector<16xf32>
      %parallel_loop3A_397 = arith.constant 0 : i32
      %parallel_loop3A_398 = arith.addi %parallel_loop3A_270, %parallel_loop3A_397 : i32
      %parallel_loop3A_399 = arith.index_cast %parallel_loop3A_398 : i32 to index
      %parallel_loop3A_400 = arith.constant 96 : index
      %parallel_loop3A_401 = tpu.vector_load %arg10[%parallel_loop3A_399, %parallel_loop3A_400] {strides = array<i32>} : memref<128x128xf32, #tpu.memory_space<vmem>>, vector<1x16xf32>,
      %parallel_loop3A_402 = vector.shape_cast %parallel_loop3A_401 : vector<1x16xf32> to vector<16xf32>
      %parallel_loop3A_403 = vector.shape_cast %parallel_loop3A_396 : vector<16xf32> to vector<1x16xf32>
      tpu.vector_store %arg10[%parallel_loop3A_399, %parallel_loop3A_400], %parallel_loop3A_403 {add = true, strides = array<i32>} : memref<128x128xf32, #tpu.memory_space<vmem>>, vector<1x16xf32>,
      %parallel_loop3A_404 = arith.constant 0 : i32
      %parallel_loop3A_405 = arith.addi %parallel_loop3A_270, %parallel_loop3A_404 : i32
      %parallel_loop3A_406 = arith.index_cast %parallel_loop3A_405 : i32 to index
      %parallel_loop3A_407 = arith.constant 96 : index
      %parallel_loop3A_408 = tpu.vector_load %arg11[%parallel_loop3A_406, %parallel_loop3A_407] {strides = array<i32>} : memref<128x128xf32, #tpu.memory_space<vmem>>, vector<1x16xf32>,
      %parallel_loop3A_409 = vector.shape_cast %parallel_loop3A_408 : vector<1x16xf32> to vector<16xf32>
      %parallel_loop3A_410 = vector.shape_cast %parallel_loop3A_396 : vector<16xf32> to vector<1x16xf32>
      tpu.vector_store %arg11[%parallel_loop3A_406, %parallel_loop3A_407], %parallel_loop3A_410 {add = true, strides = array<i32>} : memref<128x128xf32, #tpu.memory_space<vmem>>, vector<1x16xf32>,
      %parallel_loop3A_411 = arith.constant 0 : i32
      %parallel_loop3A_412 = arith.addi %parallel_loop3A_270, %parallel_loop3A_411 : i32
      %parallel_loop3A_413 = arith.index_cast %parallel_loop3A_412 : i32 to index
      %parallel_loop3A_414 = arith.constant 112 : index
      %parallel_loop3A_415 = tpu.vector_load %arg7[%parallel_loop3A_413, %parallel_loop3A_414] {strides = array<i32>} : memref<128x128xf32, #tpu.memory_space<vmem>>, vector<1x16xf32>,
      %parallel_loop3A_416 = vector.shape_cast %parallel_loop3A_415 : vector<1x16xf32> to vector<16xf32>
      %parallel_loop3A_417 = arith.constant 0 : i32
      %parallel_loop3A_418 = arith.addi %parallel_loop3A_270, %parallel_loop3A_417 : i32
      %parallel_loop3A_419 = arith.index_cast %parallel_loop3A_418 : i32 to index
      %parallel_loop3A_420 = arith.constant 112 : index
      %parallel_loop3A_421 = tpu.vector_load %arg10[%parallel_loop3A_419, %parallel_loop3A_420] {strides = array<i32>} : memref<128x128xf32, #tpu.memory_space<vmem>>, vector<1x16xf32>,
      %parallel_loop3A_422 = vector.shape_cast %parallel_loop3A_421 : vector<1x16xf32> to vector<16xf32>
      %parallel_loop3A_423 = vector.shape_cast %parallel_loop3A_416 : vector<16xf32> to vector<1x16xf32>
      tpu.vector_store %arg10[%parallel_loop3A_419, %parallel_loop3A_420], %parallel_loop3A_423 {add = true, strides = array<i32>} : memref<128x128xf32, #tpu.memory_space<vmem>>, vector<1x16xf32>,
      %parallel_loop3A_424 = arith.constant 0 : i32
      %parallel_loop3A_425 = arith.addi %parallel_loop3A_270, %parallel_loop3A_424 : i32
      %parallel_loop3A_426 = arith.index_cast %parallel_loop3A_425 : i32 to index
      %parallel_loop3A_427 = arith.constant 112 : index
      %parallel_loop3A_428 = tpu.vector_load %arg11[%parallel_loop3A_426, %parallel_loop3A_427] {strides = array<i32>} : memref<128x128xf32, #tpu.memory_space<vmem>>, vector<1x16xf32>,
      %parallel_loop3A_429 = vector.shape_cast %parallel_loop3A_428 : vector<1x16xf32> to vector<16xf32>
      %parallel_loop3A_430 = vector.shape_cast %parallel_loop3A_416 : vector<16xf32> to vector<1x16xf32>
      tpu.vector_store %arg11[%parallel_loop3A_426, %parallel_loop3A_427], %parallel_loop3A_430 {add = true, strides = array<i32>} : memref<128x128xf32, #tpu.memory_space<vmem>>, vector<1x16xf32>,
      %parallel_loop3A_431 = arith.constant 1 : i32
      %parallel_loop3A_432 = arith.addi %parallel_loop3A_270, %parallel_loop3A_431 : i32
      %parallel_loop3A_433 = arith.index_cast %parallel_loop3A_432 : i32 to index
      %parallel_loop3A_434 = arith.constant 0 : index
      %parallel_loop3A_435 = tpu.vector_load %arg7[%parallel_loop3A_433, %parallel_loop3A_434] {strides = array<i32>} : memref<128x128xf32, #tpu.memory_space<vmem>>, vector<1x16xf32>,
      %parallel_loop3A_436 = vector.shape_cast %parallel_loop3A_435 : vector<1x16xf32> to vector<16xf32>
      %parallel_loop3A_437 = arith.constant 1 : i32
      %parallel_loop3A_438 = arith.addi %parallel_loop3A_270, %parallel_loop3A_437 : i32
      %parallel_loop3A_439 = arith.index_cast %parallel_loop3A_438 : i32 to index
      %parallel_loop3A_440 = arith.constant 0 : index
      %parallel_loop3A_441 = tpu.vector_load %arg10[%parallel_loop3A_439, %parallel_loop3A_440] {strides = array<i32>} : memref<128x128xf32, #tpu.memory_space<vmem>>, vector<1x16xf32>,
      %parallel_loop3A_442 = vector.shape_cast %parallel_loop3A_441 : vector<1x16xf32> to vector<16xf32>
      %parallel_loop3A_443 = vector.shape_cast %parallel_loop3A_436 : vector<16xf32> to vector<1x16xf32>
      tpu.vector_store %arg10[%parallel_loop3A_439, %parallel_loop3A_440], %parallel_loop3A_443 {add = true, strides = array<i32>} : memref<128x128xf32, #tpu.memory_space<vmem>>, vector<1x16xf32>,
      %parallel_loop3A_444 = arith.constant 1 : i32
      %parallel_loop3A_445 = arith.addi %parallel_loop3A_270, %parallel_loop3A_444 : i32
      %parallel_loop3A_446 = arith.index_cast %parallel_loop3A_445 : i32 to index
      %parallel_loop3A_447 = arith.constant 0 : index
      %parallel_loop3A_448 = tpu.vector_load %arg11[%parallel_loop3A_446, %parallel_loop3A_447] {strides = array<i32>} : memref<128x128xf32, #tpu.memory_space<vmem>>, vector<1x16xf32>,
      %parallel_loop3A_449 = vector.shape_cast %parallel_loop3A_448 : vector<1x16xf32> to vector<16xf32>
      %parallel_loop3A_450 = vector.shape_cast %parallel_loop3A_436 : vector<16xf32> to vector<1x16xf32>
      tpu.vector_store %arg11[%parallel_loop3A_446, %parallel_loop3A_447], %parallel_loop3A_450 {add = true, strides = array<i32>} : memref<128x128xf32, #tpu.memory_space<vmem>>, vector<1x16xf32>,
      %parallel_loop3A_451 = arith.constant 1 : i32
      %parallel_loop3A_452 = arith.addi %parallel_loop3A_270, %parallel_loop3A_451 : i32
      %parallel_loop3A_453 = arith.index_cast %parallel_loop3A_452 : i32 to index
      %parallel_loop3A_454 = arith.constant 16 : index
      %parallel_loop3A_455 = tpu.vector_load %arg7[%parallel_loop3A_453, %parallel_loop3A_454] {strides = array<i32>} : memref<128x128xf32, #tpu.memory_space<vmem>>, vector<1x16xf32>,
      %parallel_loop3A_456 = vector.shape_cast %parallel_loop3A_455 : vector<1x16xf32> to vector<16xf32>
      %parallel_loop3A_457 = arith.constant 1 : i32
      %parallel_loop3A_458 = arith.addi %parallel_loop3A_270, %parallel_loop3A_457 : i32
      %parallel_loop3A_459 = arith.index_cast %parallel_loop3A_458 : i32 to index
      %parallel_loop3A_460 = arith.constant 16 : index
      %parallel_loop3A_461 = tpu.vector_load %arg10[%parallel_loop3A_459, %parallel_loop3A_460] {strides = array<i32>} : memref<128x128xf32, #tpu.memory_space<vmem>>, vector<1x16xf32>,
      %parallel_loop3A_462 = vector.shape_cast %parallel_loop3A_461 : vector<1x16xf32> to vector<16xf32>
      %parallel_loop3A_463 = vector.shape_cast %parallel_loop3A_456 : vector<16xf32> to vector<1x16xf32>
      tpu.vector_store %arg10[%parallel_loop3A_459, %parallel_loop3A_460], %parallel_loop3A_463 {add = true, strides = array<i32>} : memref<128x128xf32, #tpu.memory_space<vmem>>, vector<1x16xf32>,
      %parallel_loop3A_464 = arith.constant 1 : i32
      %parallel_loop3A_465 = arith.addi %parallel_loop3A_270, %parallel_loop3A_464 : i32
      %parallel_loop3A_466 = arith.index_cast %parallel_loop3A_465 : i32 to index
      %parallel_loop3A_467 = arith.constant 16 : index
      %parallel_loop3A_468 = tpu.vector_load %arg11[%parallel_loop3A_466, %parallel_loop3A_467] {strides = array<i32>} : memref<128x128xf32, #tpu.memory_space<vmem>>, vector<1x16xf32>,
      %parallel_loop3A_469 = vector.shape_cast %parallel_loop3A_468 : vector<1x16xf32> to vector<16xf32>
      %parallel_loop3A_470 = vector.shape_cast %parallel_loop3A_456 : vector<16xf32> to vector<1x16xf32>
      tpu.vector_store %arg11[%parallel_loop3A_466, %parallel_loop3A_467], %parallel_loop3A_470 {add = true, strides = array<i32>} : memref<128x128xf32, #tpu.memory_space<vmem>>, vector<1x16xf32>,
      %parallel_loop3A_471 = arith.constant 1 : i32
      %parallel_loop3A_472 = arith.addi %parallel_loop3A_270, %parallel_loop3A_471 : i32
      %parallel_loop3A_473 = arith.index_cast %parallel_loop3A_472 : i32 to index
      %parallel_loop3A_474 = arith.constant 32 : index
      %parallel_loop3A_475 = tpu.vector_load %arg7[%parallel_loop3A_473, %parallel_loop3A_474] {strides = array<i32>} : memref<128x128xf32, #tpu.memory_space<vmem>>, vector<1x16xf32>,
      %parallel_loop3A_476 = vector.shape_cast %parallel_loop3A_475 : vector<1x16xf32> to vector<16xf32>
      %parallel_loop3A_477 = arith.constant 1 : i32
      %parallel_loop3A_478 = arith.addi %parallel_loop3A_270, %parallel_loop3A_477 : i32
      %parallel_loop3A_479 = arith.index_cast %parallel_loop3A_478 : i32 to index
      %parallel_loop3A_480 = arith.constant 32 : index
      %parallel_loop3A_481 = tpu.vector_load %arg10[%parallel_loop3A_479, %parallel_loop3A_480] {strides = array<i32>} : memref<128x128xf32, #tpu.memory_space<vmem>>, vector<1x16xf32>,
      %parallel_loop3A_482 = vector.shape_cast %parallel_loop3A_481 : vector<1x16xf32> to vector<16xf32>
      %parallel_loop3A_483 = vector.shape_cast %parallel_loop3A_476 : vector<16xf32> to vector<1x16xf32>
      tpu.vector_store %arg10[%parallel_loop3A_479, %parallel_loop3A_480], %parallel_loop3A_483 {add = true, strides = array<i32>} : memref<128x128xf32, #tpu.memory_space<vmem>>, vector<1x16xf32>,
      %parallel_loop3A_484 = arith.constant 1 : i32
      %parallel_loop3A_485 = arith.addi %parallel_loop3A_270, %parallel_loop3A_484 : i32
      %parallel_loop3A_486 = arith.index_cast %parallel_loop3A_485 : i32 to index
      %parallel_loop3A_487 = arith.constant 32 : index
      %parallel_loop3A_488 = tpu.vector_load %arg11[%parallel_loop3A_486, %parallel_loop3A_487] {strides = array<i32>} : memref<128x128xf32, #tpu.memory_space<vmem>>, vector<1x16xf32>,
      %parallel_loop3A_489 = vector.shape_cast %parallel_loop3A_488 : vector<1x16xf32> to vector<16xf32>
      %parallel_loop3A_490 = vector.shape_cast %parallel_loop3A_476 : vector<16xf32> to vector<1x16xf32>
      tpu.vector_store %arg11[%parallel_loop3A_486, %parallel_loop3A_487], %parallel_loop3A_490 {add = true, strides = array<i32>} : memref<128x128xf32, #tpu.memory_space<vmem>>, vector<1x16xf32>,
      %parallel_loop3A_491 = arith.constant 1 : i32
      %parallel_loop3A_492 = arith.addi %parallel_loop3A_270, %parallel_loop3A_491 : i32
      %parallel_loop3A_493 = arith.index_cast %parallel_loop3A_492 : i32 to index
      %parallel_loop3A_494 = arith.constant 48 : index
      %parallel_loop3A_495 = tpu.vector_load %arg7[%parallel_loop3A_493, %parallel_loop3A_494] {strides = array<i32>} : memref<128x128xf32, #tpu.memory_space<vmem>>, vector<1x16xf32>,
      %parallel_loop3A_496 = vector.shape_cast %parallel_loop3A_495 : vector<1x16xf32> to vector<16xf32>
      %parallel_loop3A_497 = arith.constant 1 : i32
      %parallel_loop3A_498 = arith.addi %parallel_loop3A_270, %parallel_loop3A_497 : i32
      %parallel_loop3A_499 = arith.index_cast %parallel_loop3A_498 : i32 to index
      %parallel_loop3A_500 = arith.constant 48 : index
      %parallel_loop3A_501 = tpu.vector_load %arg10[%parallel_loop3A_499, %parallel_loop3A_500] {strides = array<i32>} : memref<128x128xf32, #tpu.memory_space<vmem>>, vector<1x16xf32>,
      %parallel_loop3A_502 = vector.shape_cast %parallel_loop3A_501 : vector<1x16xf32> to vector<16xf32>
      %parallel_loop3A_503 = vector.shape_cast %parallel_loop3A_496 : vector<16xf32> to vector<1x16xf32>
      tpu.vector_store %arg10[%parallel_loop3A_499, %parallel_loop3A_500], %parallel_loop3A_503 {add = true, strides = array<i32>} : memref<128x128xf32, #tpu.memory_space<vmem>>, vector<1x16xf32>,
      %parallel_loop3A_504 = arith.constant 1 : i32
      %parallel_loop3A_505 = arith.addi %parallel_loop3A_270, %parallel_loop3A_504 : i32
      %parallel_loop3A_506 = arith.index_cast %parallel_loop3A_505 : i32 to index
      %parallel_loop3A_507 = arith.constant 48 : index
      %parallel_loop3A_508 = tpu.vector_load %arg11[%parallel_loop3A_506, %parallel_loop3A_507] {strides = array<i32>} : memref<128x128xf32, #tpu.memory_space<vmem>>, vector<1x16xf32>,
      %parallel_loop3A_509 = vector.shape_cast %parallel_loop3A_508 : vector<1x16xf32> to vector<16xf32>
      %parallel_loop3A_510 = vector.shape_cast %parallel_loop3A_496 : vector<16xf32> to vector<1x16xf32>
      tpu.vector_store %arg11[%parallel_loop3A_506, %parallel_loop3A_507], %parallel_loop3A_510 {add = true, strides = array<i32>} : memref<128x128xf32, #tpu.memory_space<vmem>>, vector<1x16xf32>,
      %parallel_loop3A_511 = arith.constant 1 : i32
      %parallel_loop3A_512 = arith.addi %parallel_loop3A_270, %parallel_loop3A_511 : i32
      %parallel_loop3A_513 = arith.index_cast %parallel_loop3A_512 : i32 to index
      %parallel_loop3A_514 = arith.constant 64 : index
      %parallel_loop3A_515 = tpu.vector_load %arg7[%parallel_loop3A_513, %parallel_loop3A_514] {strides = array<i32>} : memref<128x128xf32, #tpu.memory_space<vmem>>, vector<1x16xf32>,
      %parallel_loop3A_516 = vector.shape_cast %parallel_loop3A_515 : vector<1x16xf32> to vector<16xf32>
      %parallel_loop3A_517 = arith.constant 1 : i32
      %parallel_loop3A_518 = arith.addi %parallel_loop3A_270, %parallel_loop3A_517 : i32
      %parallel_loop3A_519 = arith.index_cast %parallel_loop3A_518 : i32 to index
      %parallel_loop3A_520 = arith.constant 64 : index
      %parallel_loop3A_521 = tpu.vector_load %arg10[%parallel_loop3A_519, %parallel_loop3A_520] {strides = array<i32>} : memref<128x128xf32, #tpu.memory_space<vmem>>, vector<1x16xf32>,
      %parallel_loop3A_522 = vector.shape_cast %parallel_loop3A_521 : vector<1x16xf32> to vector<16xf32>
      %parallel_loop3A_523 = vector.shape_cast %parallel_loop3A_516 : vector<16xf32> to vector<1x16xf32>
      tpu.vector_store %arg10[%parallel_loop3A_519, %parallel_loop3A_520], %parallel_loop3A_523 {add = true, strides = array<i32>} : memref<128x128xf32, #tpu.memory_space<vmem>>, vector<1x16xf32>,
      %parallel_loop3A_524 = arith.constant 1 : i32
      %parallel_loop3A_525 = arith.addi %parallel_loop3A_270, %parallel_loop3A_524 : i32
      %parallel_loop3A_526 = arith.index_cast %parallel_loop3A_525 : i32 to index
      %parallel_loop3A_527 = arith.constant 64 : index
      %parallel_loop3A_528 = tpu.vector_load %arg11[%parallel_loop3A_526, %parallel_loop3A_527] {strides = array<i32>} : memref<128x128xf32, #tpu.memory_space<vmem>>, vector<1x16xf32>,
      %parallel_loop3A_529 = vector.shape_cast %parallel_loop3A_528 : vector<1x16xf32> to vector<16xf32>
      %parallel_loop3A_530 = vector.shape_cast %parallel_loop3A_516 : vector<16xf32> to vector<1x16xf32>
      tpu.vector_store %arg11[%parallel_loop3A_526, %parallel_loop3A_527], %parallel_loop3A_530 {add = true, strides = array<i32>} : memref<128x128xf32, #tpu.memory_space<vmem>>, vector<1x16xf32>,
      %parallel_loop3A_531 = arith.constant 1 : i32
      %parallel_loop3A_532 = arith.addi %parallel_loop3A_270, %parallel_loop3A_531 : i32
      %parallel_loop3A_533 = arith.index_cast %parallel_loop3A_532 : i32 to index
      %parallel_loop3A_534 = arith.constant 80 : index
      %parallel_loop3A_535 = tpu.vector_load %arg7[%parallel_loop3A_533, %parallel_loop3A_534] {strides = array<i32>} : memref<128x128xf32, #tpu.memory_space<vmem>>, vector<1x16xf32>,
      %parallel_loop3A_536 = vector.shape_cast %parallel_loop3A_535 : vector<1x16xf32> to vector<16xf32>
      %parallel_loop3A_537 = arith.constant 1 : i32
      %parallel_loop3A_538 = arith.addi %parallel_loop3A_270, %parallel_loop3A_537 : i32
      %parallel_loop3A_539 = arith.index_cast %parallel_loop3A_538 : i32 to index
      %parallel_loop3A_540 = arith.constant 80 : index
      %parallel_loop3A_541 = tpu.vector_load %arg10[%parallel_loop3A_539, %parallel_loop3A_540] {strides = array<i32>} : memref<128x128xf32, #tpu.memory_space<vmem>>, vector<1x16xf32>,
      %parallel_loop3A_542 = vector.shape_cast %parallel_loop3A_541 : vector<1x16xf32> to vector<16xf32>
      %parallel_loop3A_543 = vector.shape_cast %parallel_loop3A_536 : vector<16xf32> to vector<1x16xf32>
      tpu.vector_store %arg10[%parallel_loop3A_539, %parallel_loop3A_540], %parallel_loop3A_543 {add = true, strides = array<i32>} : memref<128x128xf32, #tpu.memory_space<vmem>>, vector<1x16xf32>,
      %parallel_loop3A_544 = arith.constant 1 : i32
      %parallel_loop3A_545 = arith.addi %parallel_loop3A_270, %parallel_loop3A_544 : i32
      %parallel_loop3A_546 = arith.index_cast %parallel_loop3A_545 : i32 to index
      %parallel_loop3A_547 = arith.constant 80 : index
      %parallel_loop3A_548 = tpu.vector_load %arg11[%parallel_loop3A_546, %parallel_loop3A_547] {strides = array<i32>} : memref<128x128xf32, #tpu.memory_space<vmem>>, vector<1x16xf32>,
      %parallel_loop3A_549 = vector.shape_cast %parallel_loop3A_548 : vector<1x16xf32> to vector<16xf32>
      %parallel_loop3A_550 = vector.shape_cast %parallel_loop3A_536 : vector<16xf32> to vector<1x16xf32>
      tpu.vector_store %arg11[%parallel_loop3A_546, %parallel_loop3A_547], %parallel_loop3A_550 {add = true, strides = array<i32>} : memref<128x128xf32, #tpu.memory_space<vmem>>, vector<1x16xf32>,
      %parallel_loop3A_551 = arith.constant 1 : i32
      %parallel_loop3A_552 = arith.addi %parallel_loop3A_270, %parallel_loop3A_551 : i32
      %parallel_loop3A_553 = arith.index_cast %parallel_loop3A_552 : i32 to index
      %parallel_loop3A_554 = arith.constant 96 : index
      %parallel_loop3A_555 = tpu.vector_load %arg7[%parallel_loop3A_553, %parallel_loop3A_554] {strides = array<i32>} : memref<128x128xf32, #tpu.memory_space<vmem>>, vector<1x16xf32>,
      %parallel_loop3A_556 = vector.shape_cast %parallel_loop3A_555 : vector<1x16xf32> to vector<16xf32>
      %parallel_loop3A_557 = arith.constant 1 : i32
      %parallel_loop3A_558 = arith.addi %parallel_loop3A_270, %parallel_loop3A_557 : i32
      %parallel_loop3A_559 = arith.index_cast %parallel_loop3A_558 : i32 to index
      %parallel_loop3A_560 = arith.constant 96 : index
      %parallel_loop3A_561 = tpu.vector_load %arg10[%parallel_loop3A_559, %parallel_loop3A_560] {strides = array<i32>} : memref<128x128xf32, #tpu.memory_space<vmem>>, vector<1x16xf32>,
      %parallel_loop3A_562 = vector.shape_cast %parallel_loop3A_561 : vector<1x16xf32> to vector<16xf32>
      %parallel_loop3A_563 = vector.shape_cast %parallel_loop3A_556 : vector<16xf32> to vector<1x16xf32>
      tpu.vector_store %arg10[%parallel_loop3A_559, %parallel_loop3A_560], %parallel_loop3A_563 {add = true, strides = array<i32>} : memref<128x128xf32, #tpu.memory_space<vmem>>, vector<1x16xf32>,
      %parallel_loop3A_564 = arith.constant 1 : i32
      %parallel_loop3A_565 = arith.addi %parallel_loop3A_270, %parallel_loop3A_564 : i32
      %parallel_loop3A_566 = arith.index_cast %parallel_loop3A_565 : i32 to index
      %parallel_loop3A_567 = arith.constant 96 : index
      %parallel_loop3A_568 = tpu.vector_load %arg11[%parallel_loop3A_566, %parallel_loop3A_567] {strides = array<i32>} : memref<128x128xf32, #tpu.memory_space<vmem>>, vector<1x16xf32>,
      %parallel_loop3A_569 = vector.shape_cast %parallel_loop3A_568 : vector<1x16xf32> to vector<16xf32>
      %parallel_loop3A_570 = vector.shape_cast %parallel_loop3A_556 : vector<16xf32> to vector<1x16xf32>
      tpu.vector_store %arg11[%parallel_loop3A_566, %parallel_loop3A_567], %parallel_loop3A_570 {add = true, strides = array<i32>} : memref<128x128xf32, #tpu.memory_space<vmem>>, vector<1x16xf32>,
      %parallel_loop3A_571 = arith.constant 1 : i32
      %parallel_loop3A_572 = arith.addi %parallel_loop3A_270, %parallel_loop3A_571 : i32
      %parallel_loop3A_573 = arith.index_cast %parallel_loop3A_572 : i32 to index
      %parallel_loop3A_574 = arith.constant 112 : index
      %parallel_loop3A_575 = tpu.vector_load %arg7[%parallel_loop3A_573, %parallel_loop3A_574] {strides = array<i32>} : memref<128x128xf32, #tpu.memory_space<vmem>>, vector<1x16xf32>,
      %parallel_loop3A_576 = vector.shape_cast %parallel_loop3A_575 : vector<1x16xf32> to vector<16xf32>
      %parallel_loop3A_577 = arith.constant 1 : i32
      %parallel_loop3A_578 = arith.addi %parallel_loop3A_270, %parallel_loop3A_577 : i32
      %parallel_loop3A_579 = arith.index_cast %parallel_loop3A_578 : i32 to index
      %parallel_loop3A_580 = arith.constant 112 : index
      %parallel_loop3A_581 = tpu.vector_load %arg10[%parallel_loop3A_579, %parallel_loop3A_580] {strides = array<i32>} : memref<128x128xf32, #tpu.memory_space<vmem>>, vector<1x16xf32>,
      %parallel_loop3A_582 = vector.shape_cast %parallel_loop3A_581 : vector<1x16xf32> to vector<16xf32>
      %parallel_loop3A_583 = vector.shape_cast %parallel_loop3A_576 : vector<16xf32> to vector<1x16xf32>
      tpu.vector_store %arg10[%parallel_loop3A_579, %parallel_loop3A_580], %parallel_loop3A_583 {add = true, strides = array<i32>} : memref<128x128xf32, #tpu.memory_space<vmem>>, vector<1x16xf32>,
      %parallel_loop3A_584 = arith.constant 1 : i32
      %parallel_loop3A_585 = arith.addi %parallel_loop3A_270, %parallel_loop3A_584 : i32
      %parallel_loop3A_586 = arith.index_cast %parallel_loop3A_585 : i32 to index
      %parallel_loop3A_587 = arith.constant 112 : index
      %parallel_loop3A_588 = tpu.vector_load %arg11[%parallel_loop3A_586, %parallel_loop3A_587] {strides = array<i32>} : memref<128x128xf32, #tpu.memory_space<vmem>>, vector<1x16xf32>,
      %parallel_loop3A_589 = vector.shape_cast %parallel_loop3A_588 : vector<1x16xf32> to vector<16xf32>
      %parallel_loop3A_590 = vector.shape_cast %parallel_loop3A_576 : vector<16xf32> to vector<1x16xf32>
      tpu.vector_store %arg11[%parallel_loop3A_586, %parallel_loop3A_587], %parallel_loop3A_590 {add = true, strides = array<i32>} : memref<128x128xf32, #tpu.memory_space<vmem>>, vector<1x16xf32>,
    } {sc.loop_unroll_factor = 1 : i64, sc.parallel_access}
    %mul3A_232 = arith.constant 8 : i32
    %mul3A_233 = arith.muli %select_n3A, %mul3A_232 : i32
    %add3A_234 = arith.constant 6 : i32
    %add3A_235 = arith.addi %mul3A_233, %add3A_234 : i32
    %mul3A_236 = arith.constant 2048 : i32
    %mul3A_237 = arith.muli %add3A_235, %mul3A_236 : i32
    %add3A_238 = arith.addi %mul3A_237, %mul3A_20 : i32
    %dma_start3A_239 = arith.constant 0 : i32
    %dma_start3A_240 = tpu.memref_slice %arg5[%add3A_238, %dma_start3A_239] : memref<32768x128xf32, #tpu.memory_space<hbm>> -> memref<128x128xf32, #tpu.memory_space<hbm>>
    %dma_start3A_241 = arith.constant 0 : i32
    %dma_start3A_242 = tpu.memref_slice %arg5[%add3A_238, %dma_start3A_241] : memref<32768x128xf32, #tpu.memory_space<hbm>> -> memref<128x128xf32, #tpu.memory_space<hbm>>
    tpu.enqueue_dma source(%arg10 : memref<128x128xf32, #tpu.memory_space<vmem>>) target(%dma_start3A_242 : memref<128x128xf32, #tpu.memory_space<hbm>>) target_semaphore(%arg18 : memref<!tpu.dma_semaphore, #tpu.memory_space<semaphore_mem>>)
    %mul3A_243 = arith.constant 8 : i32
    %mul3A_244 = arith.muli %select_n3A, %mul3A_243 : i32
    %add3A_245 = arith.constant 7 : i32
    %add3A_246 = arith.addi %mul3A_244, %add3A_245 : i32
    %mul3A_247 = arith.constant 2048 : i32
    %mul3A_248 = arith.muli %add3A_246, %mul3A_247 : i32
    %add3A_249 = arith.addi %mul3A_248, %mul3A_20 : i32
    %dma_start3A_250 = arith.constant 0 : i32
    %dma_start3A_251 = tpu.memref_slice %arg5[%add3A_249, %dma_start3A_250] : memref<32768x128xf32, #tpu.memory_space<hbm>> -> memref<128x128xf32, #tpu.memory_space<hbm>>
    %dma_start3A_252 = arith.constant 0 : i32
    %dma_start3A_253 = tpu.memref_slice %arg5[%add3A_249, %dma_start3A_252] : memref<32768x128xf32, #tpu.memory_space<hbm>> -> memref<128x128xf32, #tpu.memory_space<hbm>>
    tpu.enqueue_dma source(%arg11 : memref<128x128xf32, #tpu.memory_space<vmem>>) target(%dma_start3A_253 : memref<128x128xf32, #tpu.memory_space<hbm>>) target_semaphore(%arg19 : memref<!tpu.dma_semaphore, #tpu.memory_space<semaphore_mem>>)
    %dma_wait3A_254 = arith.constant 0 : i32
    %dma_wait3A_255 = tpu.memref_slice %arg5[%add3A_199, %dma_wait3A_254] : memref<32768x128xf32, #tpu.memory_space<hbm>> -> memref<128x128xf32, #tpu.memory_space<hbm>>
    %dma_wait3A_256 = arith.constant 0 : i32
    %dma_wait3A_257 = tpu.memref_slice %arg5[%add3A_199, %dma_wait3A_256] : memref<32768x128xf32, #tpu.memory_space<hbm>> -> memref<128x128xf32, #tpu.memory_space<hbm>>
    tpu.wait_dma2 semaphore(%arg16 : memref<!tpu.dma_semaphore, #tpu.memory_space<semaphore_mem>>) src(%arg8 : memref<128x128xf32, #tpu.memory_space<vmem>>) dst(%dma_wait3A_257 : memref<128x128xf32, #tpu.memory_space<hbm>>)
    %dma_wait3A_258 = arith.constant 0 : i32
    %dma_wait3A_259 = tpu.memref_slice %arg5[%add3A_210, %dma_wait3A_258] : memref<32768x128xf32, #tpu.memory_space<hbm>> -> memref<128x128xf32, #tpu.memory_space<hbm>>
    %dma_wait3A_260 = arith.constant 0 : i32
    %dma_wait3A_261 = tpu.memref_slice %arg5[%add3A_210, %dma_wait3A_260] : memref<32768x128xf32, #tpu.memory_space<hbm>> -> memref<128x128xf32, #tpu.memory_space<hbm>>
    tpu.wait_dma2 semaphore(%arg17 : memref<!tpu.dma_semaphore, #tpu.memory_space<semaphore_mem>>) src(%arg9 : memref<128x128xf32, #tpu.memory_space<vmem>>) dst(%dma_wait3A_261 : memref<128x128xf32, #tpu.memory_space<hbm>>)
    %dma_wait3A_262 = arith.constant 0 : i32
    %dma_wait3A_263 = tpu.memref_slice %arg5[%add3A_238, %dma_wait3A_262] : memref<32768x128xf32, #tpu.memory_space<hbm>> -> memref<128x128xf32, #tpu.memory_space<hbm>>
    %dma_wait3A_264 = arith.constant 0 : i32
    %dma_wait3A_265 = tpu.memref_slice %arg5[%add3A_238, %dma_wait3A_264] : memref<32768x128xf32, #tpu.memory_space<hbm>> -> memref<128x128xf32, #tpu.memory_space<hbm>>
    tpu.wait_dma2 semaphore(%arg18 : memref<!tpu.dma_semaphore, #tpu.memory_space<semaphore_mem>>) src(%arg10 : memref<128x128xf32, #tpu.memory_space<vmem>>) dst(%dma_wait3A_265 : memref<128x128xf32, #tpu.memory_space<hbm>>)
    %dma_wait3A_266 = arith.constant 0 : i32
    %dma_wait3A_267 = tpu.memref_slice %arg5[%add3A_249, %dma_wait3A_266] : memref<32768x128xf32, #tpu.memory_space<hbm>> -> memref<128x128xf32, #tpu.memory_space<hbm>>
    %dma_wait3A_268 = arith.constant 0 : i32
    %dma_wait3A_269 = tpu.memref_slice %arg5[%add3A_249, %dma_wait3A_268] : memref<32768x128xf32, #tpu.memory_space<hbm>> -> memref<128x128xf32, #tpu.memory_space<hbm>>
    tpu.wait_dma2 semaphore(%arg19 : memref<!tpu.dma_semaphore, #tpu.memory_space<semaphore_mem>>) src(%arg11 : memref<128x128xf32, #tpu.memory_space<vmem>>) dst(%dma_wait3A_269 : memref<128x128xf32, #tpu.memory_space<hbm>>)
    return
  }
}

</mosaic_0001>

<sc_bundles>
// kernel: kernel.3.cloned.1.call-start
scs
__scs_entry_jumppad:
0x0: {  	(pc) =	sbr.rel $0x88, $3  }
0x1: {  	(tag) =	ssettag $0x0;
	lr =	simm.s32 $0x1  }
0x2: {  	[smem:$0x3F9E] =	sst lr;
	_ =	strace $0xD0000000  }
0x3: {  	_ = 	snop  }
0x4: {  	_ = 	snop  }
0x5: {  	_ = 	snop  }
0x6: {  	_ = 	snop  }
0x7: {  	_ = 	snop  }
__scs_overlays_trampoline_lowered:
0x8: {  	[smem:$0x3FAD] =	sst s0  }
0x9: {  	[smem:$0x3FAE] =	sst s1  }
0xa: {  	[smem:$0x3FAF] =	sst s2  }
0xb: {  	[smem:$0x3FB0] =	sst s3  }
0xc: {  	[smem:$0x3FB1] =	sst s4  }
0xd: {  	[smem:$0x3FB2] =	sst s5  }
0xe: {  	[smem:$0x3FB3] =	sst s6  }
0xf: {  	[smem:$0x3FB4] =	sst s7  }
0x10: {  	[smem:$0x3FB5] =	sst s8  }
0x11: {  	[smem:$0x3FB6] =	sst s9;
	s0 =	simm.s32 @!p0 $0x0  }
0x12: {  	s1 =	sld [smem:$0x3F9C];
	s0 =	simm.s32 @p0 $0x1  }
0x13: {  	[smem:$0x3FB7] =	sst s0;
	s0 =	simm.s32 @!p1 $0x0  }
0x14: {  	s2 =	sld [smem:$0x3F9B];
	s0 =	simm.s32 @p1 $0x1  }
0x15: {  	[smem:$0x3FB8] =	sst s0;
	s0 =	simm.s32 @!p2 $0x0  }
0x16: {  	s3 =	sld [smem:$0x3FDB];
	s0 =	simm.s32 @p2 $0x1  }
0x17: {  	s4 =	simm.s32 $0x1BF5;
	[smem:$0x3FBA] =	sst s0  }
0x18: {  	s0 =	sld [smem:$0x3F9D];
	_ =	swait.ge [sflag:s4], $0x0  }
0x19: {  	s7 =	sld [smem:$0x3F9E]  }
0x1a: {  	s8 =	sadd.s32 $0xFFFFE003, lr  }
0x1b: {  	s9 =	sadd.s32 $0xFFFFFEF7, lr;
	s5 =	simm.s32 $0xFFFFFFFF;
	p2 =	slt.u32 s8, $0xFFFFF086  }
0x1c: {  	p1 =	slt.u32 s9, $0xF7A;
	s5 =	simm.s32 @!p2 $0x0  }
0x1d: {  	s5 =	simm.s32 @p1 $0x1;
	p0 =	seq.s32 s7, s2  }
0x1e: {  	s7 =	smul.u32 @!p0 $0xF7A, s2;
	p2 =	seq.s32 @!p0 s5, $0x0  }
0x1f: {  	s9 =	smul.u32 $0xF7A, s1;
	s8 =	simm.s32 @!p0 $0x1BF5;
	p2 =	por !p2, p0  }
0x20: {  	[sflag:s8] =	ssyncset.s32 @!p0 $0xFFFFF086;
	s6 =	sadd.s32 @!p0 s3, s7;
	s7 =	simm.s32 @!p0 $0x108  }
0x21: {  	s3 =	sadd.s32 s3, s9;
	s6 =	sadd.s32 @!p0 $0x88, s6;
	s7 =	simm.s32 @p2 $0x1082  }
0x22: {  	[simem:s7], [sflag:s8] =	dma.local @!p0 [hbm:s6], $0xF7A  }
0x23: {  	s9 =	sor.u32 $0xD0000000, s2;
	s6 =	simm.s32 $0x108;
	_ =	swait.ge @!p0 [sflag:s8], $0x0  }
0x24: {  	s3 =	sadd.s32 $0x88, s3;
	s6 =	simm.s32 @!p1 $0x1082;
	[sflag:s4] =	ssyncset.s32 $0xFFFFF086  }
0x25: {  	[simem:s6], [sflag:s4] =	dma.local [hbm:s3], $0xF7A  }
0x26: {  	[smem:$0x3F9E] =	sst s1;
	(tag) =	ssettag s2;
	_ =	strace s9  }
0x27: {  	s1 =	sld [smem:$0x3FAE]  }
0x28: {  	s2 =	sld [smem:$0x3FAF]  }
0x29: {  	s4 =	sld [smem:$0x3FB1]  }
0x2a: {  	p0 =	seq.s32 s5, $0x0;
	s5 =	sld [smem:$0x3FB2]  }
0x2b: {  	s6 =	sld [smem:$0x3FB3]  }
0x2c: {  	s7 =	sld [smem:$0x3FB4]  }
0x2d: {  	s3 =	simm.s32 $0x108;
	s8 =	sld [smem:$0x3FB5]  }
0x2e: {  	s3 =	simm.s32 @!p0 $0x1082;
	s9 =	sld [smem:$0x3FB6]  }
0x2f: {  	lr =	sadd.s32 s0, s3;
	s0 =	sld [smem:$0x3FAD]  }
0x30: {  	s3 =	sld [smem:$0x3FB0]  }
0x31: {  	[smem:$0x3FB9] =	sst s10  }
0x32: {  	s10 =	sld [smem:$0x3FB7];
	_ =	sdelay $0x3  }
0x33: {  	p0 =	seq.s32 s10, $0x1;
	s10 =	sld [smem:$0x3FB9];
	_ =	sdelay $0x3  }
0x34: {  	[smem:$0x3FB9] =	sst s10  }
0x35: {  	s10 =	sld [smem:$0x3FB8];
	_ =	sdelay $0x3  }
0x36: {  	p1 =	seq.s32 s10, $0x1;
	s10 =	sld [smem:$0x3FB9];
	_ =	sdelay $0x3  }
0x37: {  	[smem:$0x3FB9] =	sst s10  }
0x38: {  	s10 =	sld [smem:$0x3FBA]  }
0x39: {  	_ = 	snop;
	(pc) =	sbr.ind lr, $3  }
0x3a: {  	_ = 	snop  }
0x3b: {  	_ = 	snop  }
0x3c: {  	p2 =	seq.s32 s10, $0x1;
	s10 =	sld [smem:$0x3FB9]  }
0x3d: {  	_ =	shalt  }
0x3e: {  	_ =	shalt  }
0x3f: {  	_ =	shalt  }
0x40: {  	_ =	shalt  }
0x41: {  	_ =	shalt  }
0x42: {  	_ =	shalt  }
0x43: {  	_ =	shalt  }
0x44: {  	_ =	shalt  }
0x45: {  	_ =	shalt  }
0x46: {  	_ =	shalt  }
0x47: {  	_ =	shalt  }
0x48: {  	_ =	shalt  }
0x49: {  	_ =	shalt  }
0x4a: {  	_ =	shalt  }
0x4b: {  	_ =	shalt  }
0x4c: {  	_ =	shalt  }
0x4d: {  	_ =	shalt  }
0x4e: {  	_ =	shalt  }
0x4f: {  	_ =	shalt  }
0x50: {  	_ =	shalt  }
0x51: {  	_ =	shalt  }
0x52: {  	_ =	shalt  }
0x53: {  	_ =	shalt  }
0x54: {  	_ =	shalt  }
0x55: {  	_ =	shalt  }
0x56: {  	_ =	shalt  }
0x57: {  	_ =	shalt  }
0x58: {  	_ =	shalt  }
0x59: {  	_ =	shalt  }
0x5a: {  	_ =	shalt  }
0x5b: {  	_ =	shalt  }
0x5c: {  	_ =	shalt  }
0x5d: {  	_ =	shalt  }
0x5e: {  	_ =	shalt  }
0x5f: {  	_ =	shalt  }
0x60: {  	_ =	shalt  }
0x61: {  	_ =	shalt  }
0x62: {  	_ =	shalt  }
0x63: {  	_ =	shalt  }
0x64: {  	_ =	shalt  }
0x65: {  	_ =	shalt  }
0x66: {  	_ =	shalt  }
0x67: {  	_ =	shalt  }
0x68: {  	_ =	shalt  }
0x69: {  	_ =	shalt  }
0x6a: {  	_ =	shalt  }
0x6b: {  	_ =	shalt  }
0x6c: {  	_ =	shalt  }
0x6d: {  	_ =	shalt  }
0x6e: {  	_ =	shalt  }
0x6f: {  	_ =	shalt  }
0x70: {  	_ =	shalt  }
0x71: {  	_ =	shalt  }
0x72: {  	_ =	shalt  }
0x73: {  	_ =	shalt  }
0x74: {  	_ =	shalt  }
0x75: {  	_ =	shalt  }
0x76: {  	_ =	shalt  }
0x77: {  	_ =	shalt  }
0x78: {  	_ =	shalt  }
0x79: {  	_ =	shalt  }
0x7a: {  	_ =	shalt  }
0x7b: {  	_ =	shalt  }
0x7c: {  	_ =	shalt  }
0x7d: {  	_ =	shalt  }
0x7e: {  	_ =	shalt  }
0x7f: {  	_ =	shalt  }
0x80: {  	_ =	shalt  }
0x81: {  	_ =	shalt  }
0x82: {  	_ =	shalt  }
0x83: {  	_ =	shalt  }
0x84: {  	_ =	shalt  }
0x85: {  	_ =	shalt  }
0x86: {  	_ =	shalt  }
0x87: {  	_ =	shalt  }
.Lfunc_end0:
.L_simem_size_0:
called_computation_lowered:
.L_overlay_start_0:
0x88: {  	s2 =	sld [smem:$0x3FD9]  }
0x89: {  	s3 =	sld [smem:$0x3FFE];
	_ =	sdelay $0x1  }
0x8a: {  	s1 =	srdreg.scid  }
0x8b: {  	s0 =	sand.u32 $0x1, s1  }
0x8c: {  	s18 =	sshll.u32 s0, $0xA;
	s2 =	sadd.s32 s3, s2  }
0x8d: {  	s2 =	sadd.s32 s2, s18  }
0x8e: {  	[smem:$0x3FC5] =	sst s2  }
0x8f: {  	_ = 	snop  }
0x90: {  	s2 =	sld [smem:$0x3FC9]  }
0x91: {  	s19 =	sld [smem:$0x3FC8]  }
0x92: {  	s4 =	sld [smem:$0x3FC7]  }
0x93: {  	s5 =	sld [smem:$0x3FD0];
	(tm) =	ssettm $0x1  }
0x94: {  	s6 =	sld [smem:$0x3FFB];
	_ =	sdelay $0x3  }
0x95: {  	_ =	strace s6  }
0x96: {  	s6 =	sld [smem:$0x3FFC];
	_ =	sdelay $0x3  }
0x97: {  	_ =	strace s6  }
0x98: {  	s6 =	sld [smem:$0x3FFD];
	_ =	sdelay $0x3  }
0x99: {  	_ =	strace s6  }
0x9a: {  	_ =	strace $0x8FFFFFFF  }
0x9b: {  	s20 =	sld [smem:$0x3FDB];
	_ =	sdelay $0x1  }
0x9c: {  	s7 =	simm.s32 $_scs_section_size  }
0x9d: {  	s8 =	simm.s32 $_size__tile_overlayer_lowered;
	s9 =	simm.s32 $_tile_overlayer_lowered  }
0x9e: {  	s23 =	simm.s32 $0x1BFF;
	s22 =	sshll.u32 s9, $0x1;
	s6 =	sadd.s32 s7, s20  }
0x9f: {  	s10 =	simm.s32 $0x0;
	s21 =	sshll.u32 s8, $0x1;
	s8 =	sadd.s32 s22, s6  }
0xa0: {  	[timem:s10], [sflag:s23] =	dma.local [hbm:s8], s21  }
0xa1: {  	_ =	swait.ge [sflag:s23], s21  }
0xa2: {  	s7 =	ssub.s32 $0x0, s21;
	[sflag:s23] =	ssyncset.done $0x0  }
0xa3: {  	[sflag:s23] =	ssyncadd.s32 s7;
	_ =	sdelay $0x1  }
0xa4: {  	s24 =	simm.s32 $0x1B8B  }
0xa5: {  	_ =	swait.ge [sflag:s24], $0x1  }
0xa6: {  	[sflag:s24] =	ssyncset.done $0x0  }
0xa7: {  	s25 =	simm.s32 $0x1B8E;
	[sflag:s24] =	ssyncadd.s32 $0xFFFFFFFF  }
0xa8: {  	s26 =	simm.s32 $execute0_lowered;
	[smem:$0x3FD2] =	sst s25  }
0xa9: {  	s7 =	sshll.u32 s26, $0x1;
	_ =	strace $0x80000046;
	[dreg:$0x1] =	wrdreg $0xFFFFFFFF  }
0xaa: {  	s28 =	simm.s32 $_size_execute0_lowered;
	s6 =	sadd.s32 s6, s7;
	[dreg:$0x0] =	wrdreg $0x0  }
0xab: {  	s7 =	sshll.u32 s28, $0x1;
	[dreg:$0x2] =	wrdreg s6  }
0xac: {  	[dreg:$0x3] =	wrdreg s7  }
0xad: {  	[dreg:$0x4] =	wrdreg $0xC0  }
0xae: {  	_ =	task [dreg:s10], $0x5FFFF  }
0xaf: {  	[dreg:$0x1] =	wrdreg $0xFFFFFFFF  }
0xb0: {  	[dreg:$0x0] =	wrdreg $0x60  }
0xb1: {  	[dreg:$0x2] =	wrdreg s2  }
0xb2: {  	[dreg:$0x3] =	wrdreg s19  }
0xb3: {  	[dreg:$0x4] =	wrdreg s4  }
0xb4: {  	[dreg:$0x5] =	wrdreg s5  }
0xb5: {  	[dreg:$0x6] =	wrdreg $0x9  }
0xb6: {  	_ =	task.clear_ibuf [dreg:s10], $0x7FFFF;
	_ =	strace $0x90000046  }
0xb7: {  	s29 =	simm.s32 $0x9;
	_ =	strace $0x80000048  }
0xb8: {  	_ =	swait.ge [sflag:s29], $0x1  }
0xb9: {  	[sflag:s29] =	ssyncadd.s32 $0xFFFFFFFF  }
0xba: {  	_ =	strace $0x90000048  }
0xbb: {  	_ =	sfence  }
0xbc: {  	s30 =	sld [smem:$0x0];
	_ =	sdelay $0x2  }
0xbd: {  	s31 =	sshll.u32 s1, $0xD;
	s1 =	sshrl.u32 s1, $0x2  }
0xbe: {  	s3 =	sand.u32 $0x4000, s31;
	s1 =	sadd.s32 s1, s30  }
0xbf: {  	s0 =	sor.u32 s3, s0;
	s1 =	sshll.u32 s1, $0x11  }
0xc0: {  	s0 =	sor.u32 s1, s0  }
0xc1: {  	s0 =	sadd.s32 $0x8F2B, s0  }
0xc2: {  	[sflag:s0] =	ssyncadd.remote.s32 $0x1  }
0xc3: {  	_ =	sfence.sel $0xFFFF  }
0xc4: {  	[dreg:$0x0] =	wrdreg $0xFFFFFFFF;
	(pc) =	sbr.abs _section_cstart, $3  }
0xc5: {  	[dreg:$0x1] =	wrdreg $0xFFFFFFFF  }
0xc6: {  	_ =	task.clear_ibuf [dreg:s10], $0x2FFFF;
	_ =	strace $0x9FFFFFFF  }
0xc7: {  	(tm) =	ssettm $0x7FFFFFFF  }
tec
execute0_lowered:
.L_overlay_start_1:
0x0: {  	(tag) =	ssettag $0x1  }
0x1: {  	s0 =	rddreg [dreg:$0x0]  }
0x2: {  	s1 =	rddreg [dreg:$0x1]  }
0x3: {  	s2 =	rddreg [dreg:$0x2]  }
0x4: {  	s4 =	rddreg [dreg:$0x3];
	s3 =	simm.s32 $0x0;
	s5 =	srdreg.scid  }
0x5: {  	s8 =	stileid.u32;
	s15 =	simm.s32 $0xA;
	s16 =	simm.s32 $0x80  }
0x6: {  	s17 =	simm.s32 $0x4400;
	s18 =	simm.s32 $0x8400;
	s20 =	simm.s32 $0xC400  }
0x7: {  	s22 =	simm.s32 $0x10400;
	s28 =	simm.s32 $0x3;
	s29 =	simm.s32 $0x4  }
0x8: {  	s30 =	simm.s32 $0x5;
	s31 =	simm.s32 $0x6;
	s19 =	simm.s32 $0x7  }
0x9: {  	s21 =	simm.s32 $0x8;
	[smem:$0x7FF] =	sst s3;
	s5 =	sand.u32 $0x1, s5  }
0xa: {  	s6 =	sshll.u32 s8, $0x1;
	s8 =	sshll.u32 s8, $0xF;
	_ =	strace $0x80000047  }
0xb: {  	s6 =	sor.u32 s5, s6;
	s5 =	ssub.s32 $0x2, s5;
	s8 =	sand.u32 $0x40000, s8  }
0xc: {  	s7 =	sshll.u32 s6, $0xB;
	s9 =	sshrl.u32 s5, $0x1;
	s24 =	sshll.u32 s6, $0x7  }
0xd: {  	s26 =	sadd.s32 s4, s8;
	s7 =	sand.u32 $0x7800, s7;
	s14 =	ssub.s32 s5, s9  }
0xe: {  	s0 =	sadd.s32 s0, s24;
	s24 =	simm.s32 $0x9;
	s25 =	sor.u32 s8, s7  }
0xf: {  	[dreg:$0x5] =	wrdreg s0;
	s5 =	sadd.s32 s2, s7;
	s6 =	sadd.s32 s7, s26  }
0x10: {  	s14 =	smax.u32 s14, $0x1;
	s26 =	simm.s32 $0x2;
	s4 =	sadd.s32 s25, s4  }
0x11: {  	s2 =	simm.s32 $0x0;
	s25 =	simm.s32 $0x1;
	s7 =	sadd.s32 $0x8000, s4  }
0x12: {  	s8 =	sadd.s32 $0x10000, s4;
	s9 =	sadd.s32 $0x18000, s4;
	s10 =	sadd.s32 $0x20000, s4  }
0x13: {  	s11 =	sadd.s32 $0x28000, s4;
	s12 =	sadd.s32 $0x30000, s4;
	s13 =	sadd.s32 $0x38000, s4  }
.LBB2_1:
0x14: {  	s0 =	rddreg [dreg:$0x5]  }
0x15: {  	[tilespmem:s3], [sflag:$0xA] =	stream.linear.gather [hbm4b:s0+s3], $0x400, $0x38;
	[tilespmem:$0x14400] =	vst v63  }
0x16: {  	_ =	swait.ge [sflag:s15], $0x400  }
0x17: {  	[sflag:s15] =	ssyncset.done $0x0  }
0x18: {  	[sflag:s15] =	ssyncadd.s32 $0xFFFFFC00  }
0x19: {  	[tilespmem:s17], [sflag:$0x1] =	stream.indirect.gather [hbm4b:s1+s16], $0x80, s3, s16, $0xb8;
	[tilespmem:$0x14400] =	vst v63  }
0x1a: {  	_ = 	snop  }
0x1b: {  	[tilespmem:s18], [sflag:$0x2] =	stream.indirect.gather [hbm4b:s1+s16], $0x80, s16, s16, $0xb8;
	[tilespmem:$0x14400] =	vst v63  }
0x1c: {  	s23 =	simm.s32 $0x100  }
0x1d: {  	[tilespmem:s20], [sflag:$0x3] =	stream.indirect.gather [hbm4b:s1+s16], $0x80, s23, s16, $0xb8;
	[tilespmem:$0x14400] =	vst v63  }
0x1e: {  	s4 =	simm.s32 $0x180  }
0x1f: {  	[tilespmem:s22], [sflag:$0x4] =	stream.indirect.gather [hbm4b:s1+s16], $0x80, s4, s16, $0xb8;
	[tilespmem:$0x14400] =	vst v63  }
0x20: {  	s23 =	simm.s32 $0x400  }
0x21: {  	[tilespmem:s23], [sflag:$0x9] =	stream.linear.gather [hbm4b:s5+s3], $0x4000, $0x38;
	[tilespmem:$0x14400] =	vst v63  }
0x22: {  	_ =	swait.ge [sflag:s24], $0x4000  }
0x23: {  	[sflag:s24] =	ssyncset.done $0x0  }
0x24: {  	[sflag:s24] =	ssyncadd.s32 $0xFFFFC000  }
0x25: {  	_ =	swait.ge [sflag:s25], $0x4000  }
0x26: {  	[sflag:s25] =	ssyncset.done $0x0  }
0x27: {  	[sflag:s25] =	ssyncadd.s32 $0xFFFFC000  }
0x28: {  	_ =	swait.ge [sflag:s26], $0x4000  }
0x29: {  	[sflag:s26] =	ssyncset.done $0x0  }
0x2a: {  	s23 =	simm.s32 $0x0;
	[sflag:s26] =	ssyncadd.s32 $0xFFFFC000  }
0x2b: {  	v0 =	vld [tilespmem:s23+$0x4F0]  }
0x2c: {  	v1 =	vld [tilespmem:s23+$0x400]  }
0x2d: {  	v2 =	vld [tilespmem:s23+$0x410]  }
0x2e: {  	v3 =	vld [tilespmem:s23+$0x420]  }
0x2f: {  	v4 =	vld [tilespmem:s23+$0x430]  }
0x30: {  	v5 =	vld [tilespmem:s23+$0x440]  }
0x31: {  	v6 =	vld [tilespmem:s23+$0x450]  }
0x32: {  	v7 =	vld [tilespmem:s23+$0x460]  }
0x33: {  	v8 =	vld [tilespmem:s23+$0x470]  }
0x34: {  	v9 =	vld [tilespmem:s23+$0x480]  }
0x35: {  	v10 =	vld [tilespmem:s23+$0x490]  }
0x36: {  	v11 =	vld [tilespmem:s23+$0x4A0]  }
0x37: {  	v12 =	vld [tilespmem:s23+$0x4B0]  }
0x38: {  	v13 =	vld [tilespmem:s23+$0x4C0]  }
0x39: {  	v14 =	vld [tilespmem:s23+$0x4D0]  }
0x3a: {  	v15 =	vld [tilespmem:s23+$0x4E0]  }
0x3b: {  	[tilespmem:s23+$0x84F0] =	vst.add.f32.msk $0xffff, v0  }
0x3c: {  	[tilespmem:s23+$0x4400] =	vst.add.f32.msk $0xffff, v1  }
0x3d: {  	[tilespmem:s23+$0x8400] =	vst.add.f32.msk $0xffff, v1  }
0x3e: {  	[tilespmem:s23+$0x4410] =	vst.add.f32.msk $0xffff, v2  }
0x3f: {  	[tilespmem:s23+$0x8410] =	vst.add.f32.msk $0xffff, v2  }
0x40: {  	[tilespmem:s23+$0x4420] =	vst.add.f32.msk $0xffff, v3  }
0x41: {  	[tilespmem:s23+$0x8420] =	vst.add.f32.msk $0xffff, v3  }
0x42: {  	[tilespmem:s23+$0x4430] =	vst.add.f32.msk $0xffff, v4  }
0x43: {  	[tilespmem:s23+$0x8430] =	vst.add.f32.msk $0xffff, v4  }
0x44: {  	[tilespmem:s23+$0x4440] =	vst.add.f32.msk $0xffff, v5  }
0x45: {  	[tilespmem:s23+$0x8440] =	vst.add.f32.msk $0xffff, v5  }
0x46: {  	[tilespmem:s23+$0x4450] =	vst.add.f32.msk $0xffff, v6  }
0x47: {  	[tilespmem:s23+$0x8450] =	vst.add.f32.msk $0xffff, v6  }
0x48: {  	[tilespmem:s23+$0x4460] =	vst.add.f32.msk $0xffff, v7  }
0x49: {  	[tilespmem:s23+$0x8460] =	vst.add.f32.msk $0xffff, v7  }
0x4a: {  	[tilespmem:s23+$0x4470] =	vst.add.f32.msk $0xffff, v8  }
0x4b: {  	[tilespmem:s23+$0x8470] =	vst.add.f32.msk $0xffff, v8  }
0x4c: {  	[tilespmem:s23+$0x4480] =	vst.add.f32.msk $0xffff, v9  }
0x4d: {  	[tilespmem:s23+$0x8480] =	vst.add.f32.msk $0xffff, v9  }
0x4e: {  	[tilespmem:s23+$0x4490] =	vst.add.f32.msk $0xffff, v10  }
0x4f: {  	[tilespmem:s23+$0x8490] =	vst.add.f32.msk $0xffff, v10  }
0x50: {  	[tilespmem:s23+$0x44A0] =	vst.add.f32.msk $0xffff, v11  }
0x51: {  	[tilespmem:s23+$0x84A0] =	vst.add.f32.msk $0xffff, v11  }
0x52: {  	[tilespmem:s23+$0x44B0] =	vst.add.f32.msk $0xffff, v12  }
0x53: {  	[tilespmem:s23+$0x84B0] =	vst.add.f32.msk $0xffff, v12  }
0x54: {  	[tilespmem:s23+$0x44C0] =	vst.add.f32.msk $0xffff, v13  }
0x55: {  	[tilespmem:s23+$0x84C0] =	vst.add.f32.msk $0xffff, v13  }
0x56: {  	[tilespmem:s23+$0x44D0] =	vst.add.f32.msk $0xffff, v14  }
0x57: {  	[tilespmem:s23+$0x84D0] =	vst.add.f32.msk $0xffff, v14  }
0x58: {  	[tilespmem:s23+$0x44E0] =	vst.add.f32.msk $0xffff, v15  }
0x59: {  	s0 =	simm.s32 $0x0;
	s4 =	simm.s32 $0x400;
	[tilespmem:s23+$0x84E0] =	vst.add.f32.msk $0xffff, v15  }
.LBB2_2:
0x5a: {  	s0 =	sadd.s32 $0x2, s0;
	[tilespmem:s23+$0x44F0] =	vst.add.f32.msk $0xffff, v0;
	s23 =	sshra.s32 s4, $0x2  }
0x5b: {  	v0 =	vld [tilespmem:s23+$0x4F0];
	p0 =	slt.u32 s0, $0x7E  }
0x5c: {  	v1 =	vld [tilespmem:s23+$0x400]  }
0x5d: {  	v2 =	vld [tilespmem:s23+$0x410]  }
0x5e: {  	v3 =	vld [tilespmem:s23+$0x420]  }
0x5f: {  	v4 =	vld [tilespmem:s23+$0x430]  }
0x60: {  	[tilespmem:s23+$0x84F0] =	vst.add.f32.msk $0xffff, v0  }
0x61: {  	v5 =	vld [tilespmem:s23+$0x440]  }
0x62: {  	v6 =	vld [tilespmem:s23+$0x450]  }
0x63: {  	v7 =	vld [tilespmem:s23+$0x460]  }
0x64: {  	v8 =	vld [tilespmem:s23+$0x470]  }
0x65: {  	v9 =	vld [tilespmem:s23+$0x480]  }
0x66: {  	v10 =	vld [tilespmem:s23+$0x490]  }
0x67: {  	v11 =	vld [tilespmem:s23+$0x4A0]  }
0x68: {  	v12 =	vld [tilespmem:s23+$0x4B0]  }
0x69: {  	v13 =	vld [tilespmem:s23+$0x4C0]  }
0x6a: {  	v14 =	vld [tilespmem:s23+$0x4D0]  }
0x6b: {  	v15 =	vld [tilespmem:s23+$0x4E0]  }
0x6c: {  	[tilespmem:s23+$0x4400] =	vst.add.f32.msk $0xffff, v1  }
0x6d: {  	[tilespmem:s23+$0x8400] =	vst.add.f32.msk $0xffff, v1  }
0x6e: {  	[tilespmem:s23+$0x4410] =	vst.add.f32.msk $0xffff, v2  }
0x6f: {  	[tilespmem:s23+$0x8410] =	vst.add.f32.msk $0xffff, v2  }
0x70: {  	[tilespmem:s23+$0x4420] =	vst.add.f32.msk $0xffff, v3  }
0x71: {  	[tilespmem:s23+$0x8420] =	vst.add.f32.msk $0xffff, v3  }
0x72: {  	[tilespmem:s23+$0x4430] =	vst.add.f32.msk $0xffff, v4  }
0x73: {  	[tilespmem:s23+$0x8430] =	vst.add.f32.msk $0xffff, v4  }
0x74: {  	[tilespmem:s23+$0x4440] =	vst.add.f32.msk $0xffff, v5  }
0x75: {  	[tilespmem:s23+$0x8440] =	vst.add.f32.msk $0xffff, v5  }
0x76: {  	[tilespmem:s23+$0x4450] =	vst.add.f32.msk $0xffff, v6  }
0x77: {  	[tilespmem:s23+$0x8450] =	vst.add.f32.msk $0xffff, v6  }
0x78: {  	[tilespmem:s23+$0x4460] =	vst.add.f32.msk $0xffff, v7  }
0x79: {  	[tilespmem:s23+$0x8460] =	vst.add.f32.msk $0xffff, v7  }
0x7a: {  	[tilespmem:s23+$0x4470] =	vst.add.f32.msk $0xffff, v8  }
0x7b: {  	[tilespmem:s23+$0x8470] =	vst.add.f32.msk $0xffff, v8  }
0x7c: {  	[tilespmem:s23+$0x4480] =	vst.add.f32.msk $0xffff, v9  }
0x7d: {  	[tilespmem:s23+$0x8480] =	vst.add.f32.msk $0xffff, v9  }
0x7e: {  	[tilespmem:s23+$0x4490] =	vst.add.f32.msk $0xffff, v10  }
0x7f: {  	[tilespmem:s23+$0x8490] =	vst.add.f32.msk $0xffff, v10  }
0x80: {  	[tilespmem:s23+$0x44A0] =	vst.add.f32.msk $0xffff, v11  }
0x81: {  	[tilespmem:s23+$0x84A0] =	vst.add.f32.msk $0xffff, v11  }
0x82: {  	[tilespmem:s23+$0x44B0] =	vst.add.f32.msk $0xffff, v12  }
0x83: {  	[tilespmem:s23+$0x84B0] =	vst.add.f32.msk $0xffff, v12  }
0x84: {  	[tilespmem:s23+$0x44C0] =	vst.add.f32.msk $0xffff, v13  }
.Ltmp0:
0x85: {  	[tilespmem:s23+$0x84C0] =	vst.add.f32.msk $0xffff, v13;
	(pc) =	sbr.rel @p0 .LBB2_2-.Ltmp0, $4  }
0x86: {  	[tilespmem:s23+$0x44D0] =	vst.add.f32.msk $0xffff, v14  }
0x87: {  	[tilespmem:s23+$0x84D0] =	vst.add.f32.msk $0xffff, v14  }
0x88: {  	[tilespmem:s23+$0x44E0] =	vst.add.f32.msk $0xffff, v15  }
0x89: {  	s4 =	sadd.s32 $0x400, s4;
	[tilespmem:s23+$0x84E0] =	vst.add.f32.msk $0xffff, v15  }
0x8a: {  	[tilespmem:s23+$0x44F0] =	vst.add.f32.msk $0xffff, v0;
	s0 =	simm.s32 $0x0  }
0x8b: {  	[hbm4b:s6+s0] =	stream.linear.scatter [tilespmem:s17], [sflag:$0x5], $0x4000, $0x38;
	[tilespmem:$0x14400] =	vst v63  }
0x8c: {  	_ = 	snop  }
0x8d: {  	[hbm4b:s7+s0] =	stream.linear.scatter [tilespmem:s18], [sflag:$0x6], $0x4000, $0x38;
	[tilespmem:$0x14400] =	vst v63  }
0x8e: {  	_ =	swait.ge [sflag:s28], $0x4000  }
0x8f: {  	[sflag:s28] =	ssyncset.done $0x0  }
0x90: {  	[sflag:s28] =	ssyncadd.s32 $0xFFFFC000  }
0x91: {  	_ =	swait.ge [sflag:s29], $0x4000  }
0x92: {  	[sflag:s29] =	ssyncset.done $0x0  }
0x93: {  	[sflag:s29] =	ssyncadd.s32 $0xFFFFC000  }
0x94: {  	_ =	swait.ge [sflag:s30], $0x4000  }
0x95: {  	[sflag:s30] =	ssyncset.done $0x0  }
0x96: {  	[sflag:s30] =	ssyncadd.s32 $0xFFFFC000  }
0x97: {  	_ =	swait.ge [sflag:s31], $0x4000  }
0x98: {  	[sflag:s31] =	ssyncset.done $0x0  }
0x99: {  	s4 =	simm.s32 $0x200;
	[sflag:s31] =	ssyncadd.s32 $0xFFFFC000  }
0x9a: {  	[tilespmem:s17], [sflag:$0x1] =	stream.indirect.gather [hbm4b:s1+s16], $0x80, s4, s16, $0xb8;
	[tilespmem:$0x14400] =	vst v63  }
0x9b: {  	s23 =	simm.s32 $0x280  }
0x9c: {  	[tilespmem:s18], [sflag:$0x2] =	stream.indirect.gather [hbm4b:s1+s16], $0x80, s23, s16, $0xb8;
	[tilespmem:$0x14400] =	vst v63  }
0x9d: {  	s23 =	simm.s32 $0x0  }
0x9e: {  	v0 =	vld [tilespmem:s23+$0x4F0]  }
0x9f: {  	v1 =	vld [tilespmem:s23+$0x400]  }
0xa0: {  	v2 =	vld [tilespmem:s23+$0x410]  }
0xa1: {  	v3 =	vld [tilespmem:s23+$0x420]  }
0xa2: {  	v4 =	vld [tilespmem:s23+$0x430]  }
0xa3: {  	v5 =	vld [tilespmem:s23+$0x440]  }
0xa4: {  	v6 =	vld [tilespmem:s23+$0x450]  }
0xa5: {  	v7 =	vld [tilespmem:s23+$0x460]  }
0xa6: {  	v8 =	vld [tilespmem:s23+$0x470]  }
0xa7: {  	v9 =	vld [tilespmem:s23+$0x480]  }
0xa8: {  	v10 =	vld [tilespmem:s23+$0x490]  }
0xa9: {  	v11 =	vld [tilespmem:s23+$0x4A0]  }
0xaa: {  	v12 =	vld [tilespmem:s23+$0x4B0]  }
0xab: {  	v13 =	vld [tilespmem:s23+$0x4C0]  }
0xac: {  	v14 =	vld [tilespmem:s23+$0x4D0]  }
0xad: {  	v15 =	vld [tilespmem:s23+$0x4E0]  }
0xae: {  	[tilespmem:s23+$0x104F0] =	vst.add.f32.msk $0xffff, v0  }
0xaf: {  	[tilespmem:s23+$0xC400] =	vst.add.f32.msk $0xffff, v1  }
0xb0: {  	[tilespmem:s23+$0x10400] =	vst.add.f32.msk $0xffff, v1  }
0xb1: {  	[tilespmem:s23+$0xC410] =	vst.add.f32.msk $0xffff, v2  }
0xb2: {  	[tilespmem:s23+$0x10410] =	vst.add.f32.msk $0xffff, v2  }
0xb3: {  	[tilespmem:s23+$0xC420] =	vst.add.f32.msk $0xffff, v3  }
0xb4: {  	[tilespmem:s23+$0x10420] =	vst.add.f32.msk $0xffff, v3  }
0xb5: {  	[tilespmem:s23+$0xC430] =	vst.add.f32.msk $0xffff, v4  }
0xb6: {  	[tilespmem:s23+$0x10430] =	vst.add.f32.msk $0xffff, v4  }
0xb7: {  	[tilespmem:s23+$0xC440] =	vst.add.f32.msk $0xffff, v5  }
0xb8: {  	[tilespmem:s23+$0x10440] =	vst.add.f32.msk $0xffff, v5  }
0xb9: {  	[tilespmem:s23+$0xC450] =	vst.add.f32.msk $0xffff, v6  }
0xba: {  	[tilespmem:s23+$0x10450] =	vst.add.f32.msk $0xffff, v6  }
0xbb: {  	[tilespmem:s23+$0xC460] =	vst.add.f32.msk $0xffff, v7  }
0xbc: {  	[tilespmem:s23+$0x10460] =	vst.add.f32.msk $0xffff, v7  }
0xbd: {  	[tilespmem:s23+$0xC470] =	vst.add.f32.msk $0xffff, v8  }
0xbe: {  	[tilespmem:s23+$0x10470] =	vst.add.f32.msk $0xffff, v8  }
0xbf: {  	[tilespmem:s23+$0xC480] =	vst.add.f32.msk $0xffff, v9  }
0xc0: {  	[tilespmem:s23+$0x10480] =	vst.add.f32.msk $0xffff, v9  }
0xc1: {  	[tilespmem:s23+$0xC490] =	vst.add.f32.msk $0xffff, v10  }
0xc2: {  	[tilespmem:s23+$0x10490] =	vst.add.f32.msk $0xffff, v10  }
0xc3: {  	[tilespmem:s23+$0xC4A0] =	vst.add.f32.msk $0xffff, v11  }
0xc4: {  	[tilespmem:s23+$0x104A0] =	vst.add.f32.msk $0xffff, v11  }
0xc5: {  	[tilespmem:s23+$0xC4B0] =	vst.add.f32.msk $0xffff, v12  }
0xc6: {  	[tilespmem:s23+$0x104B0] =	vst.add.f32.msk $0xffff, v12  }
0xc7: {  	[tilespmem:s23+$0xC4C0] =	vst.add.f32.msk $0xffff, v13  }
0xc8: {  	[tilespmem:s23+$0x104C0] =	vst.add.f32.msk $0xffff, v13  }
0xc9: {  	[tilespmem:s23+$0xC4D0] =	vst.add.f32.msk $0xffff, v14  }
0xca: {  	[tilespmem:s23+$0x104D0] =	vst.add.f32.msk $0xffff, v14  }
0xcb: {  	[tilespmem:s23+$0xC4E0] =	vst.add.f32.msk $0xffff, v15  }
0xcc: {  	s0 =	simm.s32 $0x0;
	s4 =	simm.s32 $0x400;
	[tilespmem:s23+$0x104E0] =	vst.add.f32.msk $0xffff, v15  }
.LBB2_4:
0xcd: {  	s0 =	sadd.s32 $0x2, s0;
	[tilespmem:s23+$0xC4F0] =	vst.add.f32.msk $0xffff, v0;
	s23 =	sshra.s32 s4, $0x2  }
0xce: {  	v0 =	vld [tilespmem:s23+$0x4F0];
	p0 =	slt.u32 s0, $0x7E  }
0xcf: {  	v1 =	vld [tilespmem:s23+$0x400]  }
0xd0: {  	v2 =	vld [tilespmem:s23+$0x410]  }
0xd1: {  	v3 =	vld [tilespmem:s23+$0x420]  }
0xd2: {  	v4 =	vld [tilespmem:s23+$0x430]  }
0xd3: {  	[tilespmem:s23+$0x104F0] =	vst.add.f32.msk $0xffff, v0  }
0xd4: {  	v5 =	vld [tilespmem:s23+$0x440]  }
0xd5: {  	v6 =	vld [tilespmem:s23+$0x450]  }
0xd6: {  	v7 =	vld [tilespmem:s23+$0x460]  }
0xd7: {  	v8 =	vld [tilespmem:s23+$0x470]  }
0xd8: {  	v9 =	vld [tilespmem:s23+$0x480]  }
0xd9: {  	v10 =	vld [tilespmem:s23+$0x490]  }
0xda: {  	v11 =	vld [tilespmem:s23+$0x4A0]  }
0xdb: {  	v12 =	vld [tilespmem:s23+$0x4B0]  }
0xdc: {  	v13 =	vld [tilespmem:s23+$0x4C0]  }
0xdd: {  	v14 =	vld [tilespmem:s23+$0x4D0]  }
0xde: {  	v15 =	vld [tilespmem:s23+$0x4E0]  }
0xdf: {  	[tilespmem:s23+$0xC400] =	vst.add.f32.msk $0xffff, v1  }
0xe0: {  	[tilespmem:s23+$0x10400] =	vst.add.f32.msk $0xffff, v1  }
0xe1: {  	[tilespmem:s23+$0xC410] =	vst.add.f32.msk $0xffff, v2  }
0xe2: {  	[tilespmem:s23+$0x10410] =	vst.add.f32.msk $0xffff, v2  }
0xe3: {  	[tilespmem:s23+$0xC420] =	vst.add.f32.msk $0xffff, v3  }
0xe4: {  	[tilespmem:s23+$0x10420] =	vst.add.f32.msk $0xffff, v3  }
0xe5: {  	[tilespmem:s23+$0xC430] =	vst.add.f32.msk $0xffff, v4  }
0xe6: {  	[tilespmem:s23+$0x10430] =	vst.add.f32.msk $0xffff, v4  }
0xe7: {  	[tilespmem:s23+$0xC440] =	vst.add.f32.msk $0xffff, v5  }
0xe8: {  	[tilespmem:s23+$0x10440] =	vst.add.f32.msk $0xffff, v5  }
0xe9: {  	[tilespmem:s23+$0xC450] =	vst.add.f32.msk $0xffff, v6  }
0xea: {  	[tilespmem:s23+$0x10450] =	vst.add.f32.msk $0xffff, v6  }
0xeb: {  	[tilespmem:s23+$0xC460] =	vst.add.f32.msk $0xffff, v7  }
0xec: {  	[tilespmem:s23+$0x10460] =	vst.add.f32.msk $0xffff, v7  }
0xed: {  	[tilespmem:s23+$0xC470] =	vst.add.f32.msk $0xffff, v8  }
0xee: {  	[tilespmem:s23+$0x10470] =	vst.add.f32.msk $0xffff, v8  }
0xef: {  	[tilespmem:s23+$0xC480] =	vst.add.f32.msk $0xffff, v9  }
0xf0: {  	[tilespmem:s23+$0x10480] =	vst.add.f32.msk $0xffff, v9  }
0xf1: {  	[tilespmem:s23+$0xC490] =	vst.add.f32.msk $0xffff, v10  }
0xf2: {  	[tilespmem:s23+$0x10490] =	vst.add.f32.msk $0xffff, v10  }
0xf3: {  	[tilespmem:s23+$0xC4A0] =	vst.add.f32.msk $0xffff, v11  }
0xf4: {  	[tilespmem:s23+$0x104A0] =	vst.add.f32.msk $0xffff, v11  }
0xf5: {  	[tilespmem:s23+$0xC4B0] =	vst.add.f32.msk $0xffff, v12  }
0xf6: {  	[tilespmem:s23+$0x104B0] =	vst.add.f32.msk $0xffff, v12  }
0xf7: {  	[tilespmem:s23+$0xC4C0] =	vst.add.f32.msk $0xffff, v13  }
.Ltmp1:
0xf8: {  	[tilespmem:s23+$0x104C0] =	vst.add.f32.msk $0xffff, v13;
	(pc) =	sbr.rel @p0 .LBB2_4-.Ltmp1, $4  }
0xf9: {  	[tilespmem:s23+$0xC4D0] =	vst.add.f32.msk $0xffff, v14  }
0xfa: {  	[tilespmem:s23+$0x104D0] =	vst.add.f32.msk $0xffff, v14  }
0xfb: {  	[tilespmem:s23+$0xC4E0] =	vst.add.f32.msk $0xffff, v15  }
0xfc: {  	s4 =	sadd.s32 $0x400, s4;
	[tilespmem:s23+$0x104E0] =	vst.add.f32.msk $0xffff, v15  }
0xfd: {  	[tilespmem:s23+$0xC4F0] =	vst.add.f32.msk $0xffff, v0;
	s0 =	simm.s32 $0x0  }
0xfe: {  	[hbm4b:s8+s0] =	stream.linear.scatter [tilespmem:s20], [sflag:$0x7], $0x4000, $0x38;
	[tilespmem:$0x14400] =	vst v63  }
0xff: {  	_ = 	snop  }
0x100: {  	[hbm4b:s9+s0] =	stream.linear.scatter [tilespmem:s22], [sflag:$0x8], $0x4000, $0x38;
	[tilespmem:$0x14400] =	vst v63  }
0x101: {  	_ =	swait.ge [sflag:s25], $0x4000  }
0x102: {  	[sflag:s25] =	ssyncset.done $0x0  }
0x103: {  	[sflag:s25] =	ssyncadd.s32 $0xFFFFC000  }
0x104: {  	_ =	swait.ge [sflag:s26], $0x4000  }
0x105: {  	[sflag:s26] =	ssyncset.done $0x0  }
0x106: {  	[sflag:s26] =	ssyncadd.s32 $0xFFFFC000  }
0x107: {  	_ =	swait.ge [sflag:s19], $0x4000  }
0x108: {  	[sflag:s19] =	ssyncset.done $0x0  }
0x109: {  	[sflag:s19] =	ssyncadd.s32 $0xFFFFC000  }
0x10a: {  	_ =	swait.ge [sflag:s21], $0x4000  }
0x10b: {  	[sflag:s21] =	ssyncset.done $0x0  }
0x10c: {  	s4 =	simm.s32 $0x300;
	[sflag:s21] =	ssyncadd.s32 $0xFFFFC000  }
0x10d: {  	[tilespmem:s20], [sflag:$0x3] =	stream.indirect.gather [hbm4b:s1+s16], $0x80, s4, s16, $0xb8;
	[tilespmem:$0x14400] =	vst v63  }
0x10e: {  	s23 =	simm.s32 $0x380  }
0x10f: {  	[tilespmem:s22], [sflag:$0x4] =	stream.indirect.gather [hbm4b:s1+s16], $0x80, s23, s16, $0xb8;
	[tilespmem:$0x14400] =	vst v63  }
0x110: {  	s23 =	simm.s32 $0x0  }
0x111: {  	v0 =	vld [tilespmem:s23+$0x4F0]  }
0x112: {  	v1 =	vld [tilespmem:s23+$0x400]  }
0x113: {  	v2 =	vld [tilespmem:s23+$0x410]  }
0x114: {  	v3 =	vld [tilespmem:s23+$0x420]  }
0x115: {  	v4 =	vld [tilespmem:s23+$0x430]  }
0x116: {  	v5 =	vld [tilespmem:s23+$0x440]  }
0x117: {  	v6 =	vld [tilespmem:s23+$0x450]  }
0x118: {  	v7 =	vld [tilespmem:s23+$0x460]  }
0x119: {  	v8 =	vld [tilespmem:s23+$0x470]  }
0x11a: {  	v9 =	vld [tilespmem:s23+$0x480]  }
0x11b: {  	v10 =	vld [tilespmem:s23+$0x490]  }
0x11c: {  	v11 =	vld [tilespmem:s23+$0x4A0]  }
0x11d: {  	v12 =	vld [tilespmem:s23+$0x4B0]  }
0x11e: {  	v13 =	vld [tilespmem:s23+$0x4C0]  }
0x11f: {  	v14 =	vld [tilespmem:s23+$0x4D0]  }
0x120: {  	v15 =	vld [tilespmem:s23+$0x4E0]  }
0x121: {  	[tilespmem:s23+$0x84F0] =	vst.add.f32.msk $0xffff, v0  }
0x122: {  	[tilespmem:s23+$0x4400] =	vst.add.f32.msk $0xffff, v1  }
0x123: {  	[tilespmem:s23+$0x8400] =	vst.add.f32.msk $0xffff, v1  }
0x124: {  	[tilespmem:s23+$0x4410] =	vst.add.f32.msk $0xffff, v2  }
0x125: {  	[tilespmem:s23+$0x8410] =	vst.add.f32.msk $0xffff, v2  }
0x126: {  	[tilespmem:s23+$0x4420] =	vst.add.f32.msk $0xffff, v3  }
0x127: {  	[tilespmem:s23+$0x8420] =	vst.add.f32.msk $0xffff, v3  }
0x128: {  	[tilespmem:s23+$0x4430] =	vst.add.f32.msk $0xffff, v4  }
0x129: {  	[tilespmem:s23+$0x8430] =	vst.add.f32.msk $0xffff, v4  }
0x12a: {  	[tilespmem:s23+$0x4440] =	vst.add.f32.msk $0xffff, v5  }
0x12b: {  	[tilespmem:s23+$0x8440] =	vst.add.f32.msk $0xffff, v5  }
0x12c: {  	[tilespmem:s23+$0x4450] =	vst.add.f32.msk $0xffff, v6  }
0x12d: {  	[tilespmem:s23+$0x8450] =	vst.add.f32.msk $0xffff, v6  }
0x12e: {  	[tilespmem:s23+$0x4460] =	vst.add.f32.msk $0xffff, v7  }
0x12f: {  	[tilespmem:s23+$0x8460] =	vst.add.f32.msk $0xffff, v7  }
0x130: {  	[tilespmem:s23+$0x4470] =	vst.add.f32.msk $0xffff, v8  }
0x131: {  	[tilespmem:s23+$0x8470] =	vst.add.f32.msk $0xffff, v8  }
0x132: {  	[tilespmem:s23+$0x4480] =	vst.add.f32.msk $0xffff, v9  }
0x133: {  	[tilespmem:s23+$0x8480] =	vst.add.f32.msk $0xffff, v9  }
0x134: {  	[tilespmem:s23+$0x4490] =	vst.add.f32.msk $0xffff, v10  }
0x135: {  	[tilespmem:s23+$0x8490] =	vst.add.f32.msk $0xffff, v10  }
0x136: {  	[tilespmem:s23+$0x44A0] =	vst.add.f32.msk $0xffff, v11  }
0x137: {  	[tilespmem:s23+$0x84A0] =	vst.add.f32.msk $0xffff, v11  }
0x138: {  	[tilespmem:s23+$0x44B0] =	vst.add.f32.msk $0xffff, v12  }
0x139: {  	[tilespmem:s23+$0x84B0] =	vst.add.f32.msk $0xffff, v12  }
0x13a: {  	[tilespmem:s23+$0x44C0] =	vst.add.f32.msk $0xffff, v13  }
0x13b: {  	[tilespmem:s23+$0x84C0] =	vst.add.f32.msk $0xffff, v13  }
0x13c: {  	[tilespmem:s23+$0x44D0] =	vst.add.f32.msk $0xffff, v14  }
0x13d: {  	[tilespmem:s23+$0x84D0] =	vst.add.f32.msk $0xffff, v14  }
0x13e: {  	[tilespmem:s23+$0x44E0] =	vst.add.f32.msk $0xffff, v15  }
0x13f: {  	s0 =	simm.s32 $0x0;
	s4 =	simm.s32 $0x400;
	[tilespmem:s23+$0x84E0] =	vst.add.f32.msk $0xffff, v15  }
.LBB2_6:
0x140: {  	s0 =	sadd.s32 $0x2, s0;
	[tilespmem:s23+$0x44F0] =	vst.add.f32.msk $0xffff, v0;
	s23 =	sshra.s32 s4, $0x2  }
0x141: {  	v0 =	vld [tilespmem:s23+$0x4F0];
	p0 =	slt.u32 s0, $0x7E  }
0x142: {  	v1 =	vld [tilespmem:s23+$0x400]  }
0x143: {  	v2 =	vld [tilespmem:s23+$0x410]  }
0x144: {  	v3 =	vld [tilespmem:s23+$0x420]  }
0x145: {  	v4 =	vld [tilespmem:s23+$0x430]  }
0x146: {  	[tilespmem:s23+$0x84F0] =	vst.add.f32.msk $0xffff, v0  }
0x147: {  	v5 =	vld [tilespmem:s23+$0x440]  }
0x148: {  	v6 =	vld [tilespmem:s23+$0x450]  }
0x149: {  	v7 =	vld [tilespmem:s23+$0x460]  }
0x14a: {  	v8 =	vld [tilespmem:s23+$0x470]  }
0x14b: {  	v9 =	vld [tilespmem:s23+$0x480]  }
0x14c: {  	v10 =	vld [tilespmem:s23+$0x490]  }
0x14d: {  	v11 =	vld [tilespmem:s23+$0x4A0]  }
0x14e: {  	v12 =	vld [tilespmem:s23+$0x4B0]  }
0x14f: {  	v13 =	vld [tilespmem:s23+$0x4C0]  }
0x150: {  	v14 =	vld [tilespmem:s23+$0x4D0]  }
0x151: {  	v15 =	vld [tilespmem:s23+$0x4E0]  }
0x152: {  	[tilespmem:s23+$0x4400] =	vst.add.f32.msk $0xffff, v1  }
0x153: {  	[tilespmem:s23+$0x8400] =	vst.add.f32.msk $0xffff, v1  }
0x154: {  	[tilespmem:s23+$0x4410] =	vst.add.f32.msk $0xffff, v2  }
0x155: {  	[tilespmem:s23+$0x8410] =	vst.add.f32.msk $0xffff, v2  }
0x156: {  	[tilespmem:s23+$0x4420] =	vst.add.f32.msk $0xffff, v3  }
0x157: {  	[tilespmem:s23+$0x8420] =	vst.add.f32.msk $0xffff, v3  }
0x158: {  	[tilespmem:s23+$0x4430] =	vst.add.f32.msk $0xffff, v4  }
0x159: {  	[tilespmem:s23+$0x8430] =	vst.add.f32.msk $0xffff, v4  }
0x15a: {  	[tilespmem:s23+$0x4440] =	vst.add.f32.msk $0xffff, v5  }
0x15b: {  	[tilespmem:s23+$0x8440] =	vst.add.f32.msk $0xffff, v5  }
0x15c: {  	[tilespmem:s23+$0x4450] =	vst.add.f32.msk $0xffff, v6  }
0x15d: {  	[tilespmem:s23+$0x8450] =	vst.add.f32.msk $0xffff, v6  }
0x15e: {  	[tilespmem:s23+$0x4460] =	vst.add.f32.msk $0xffff, v7  }
0x15f: {  	[tilespmem:s23+$0x8460] =	vst.add.f32.msk $0xffff, v7  }
0x160: {  	[tilespmem:s23+$0x4470] =	vst.add.f32.msk $0xffff, v8  }
0x161: {  	[tilespmem:s23+$0x8470] =	vst.add.f32.msk $0xffff, v8  }
0x162: {  	[tilespmem:s23+$0x4480] =	vst.add.f32.msk $0xffff, v9  }
0x163: {  	[tilespmem:s23+$0x8480] =	vst.add.f32.msk $0xffff, v9  }
0x164: {  	[tilespmem:s23+$0x4490] =	vst.add.f32.msk $0xffff, v10  }
0x165: {  	[tilespmem:s23+$0x8490] =	vst.add.f32.msk $0xffff, v10  }
0x166: {  	[tilespmem:s23+$0x44A0] =	vst.add.f32.msk $0xffff, v11  }
0x167: {  	[tilespmem:s23+$0x84A0] =	vst.add.f32.msk $0xffff, v11  }
0x168: {  	[tilespmem:s23+$0x44B0] =	vst.add.f32.msk $0xffff, v12  }
0x169: {  	[tilespmem:s23+$0x84B0] =	vst.add.f32.msk $0xffff, v12  }
0x16a: {  	[tilespmem:s23+$0x44C0] =	vst.add.f32.msk $0xffff, v13  }
.Ltmp2:
0x16b: {  	[tilespmem:s23+$0x84C0] =	vst.add.f32.msk $0xffff, v13;
	(pc) =	sbr.rel @p0 .LBB2_6-.Ltmp2, $4  }
0x16c: {  	[tilespmem:s23+$0x44D0] =	vst.add.f32.msk $0xffff, v14  }
0x16d: {  	[tilespmem:s23+$0x84D0] =	vst.add.f32.msk $0xffff, v14  }
0x16e: {  	[tilespmem:s23+$0x44E0] =	vst.add.f32.msk $0xffff, v15  }
0x16f: {  	s4 =	sadd.s32 $0x400, s4;
	[tilespmem:s23+$0x84E0] =	vst.add.f32.msk $0xffff, v15  }
0x170: {  	[tilespmem:s23+$0x44F0] =	vst.add.f32.msk $0xffff, v0;
	s0 =	simm.s32 $0x0  }
0x171: {  	[hbm4b:s10+s0] =	stream.linear.scatter [tilespmem:s17], [sflag:$0x5], $0x4000, $0x38;
	[tilespmem:$0x14400] =	vst v63  }
0x172: {  	_ = 	snop  }
0x173: {  	[hbm4b:s11+s0] =	stream.linear.scatter [tilespmem:s18], [sflag:$0x6], $0x4000, $0x38;
	[tilespmem:$0x14400] =	vst v63  }
0x174: {  	_ =	swait.ge [sflag:s28], $0x4000  }
0x175: {  	[sflag:s28] =	ssyncset.done $0x0  }
0x176: {  	[sflag:s28] =	ssyncadd.s32 $0xFFFFC000  }
0x177: {  	_ =	swait.ge [sflag:s29], $0x4000  }
0x178: {  	[sflag:s29] =	ssyncset.done $0x0  }
0x179: {  	s23 =	simm.s32 $0x0;
	[sflag:s29] =	ssyncadd.s32 $0xFFFFC000  }
0x17a: {  	v0 =	vld [tilespmem:s23+$0x4F0]  }
0x17b: {  	v1 =	vld [tilespmem:s23+$0x400]  }
0x17c: {  	v2 =	vld [tilespmem:s23+$0x410]  }
0x17d: {  	v3 =	vld [tilespmem:s23+$0x420]  }
0x17e: {  	v4 =	vld [tilespmem:s23+$0x430]  }
0x17f: {  	v5 =	vld [tilespmem:s23+$0x440]  }
0x180: {  	v6 =	vld [tilespmem:s23+$0x450]  }
0x181: {  	v7 =	vld [tilespmem:s23+$0x460]  }
0x182: {  	v8 =	vld [tilespmem:s23+$0x470]  }
0x183: {  	v9 =	vld [tilespmem:s23+$0x480]  }
0x184: {  	v10 =	vld [tilespmem:s23+$0x490]  }
0x185: {  	v11 =	vld [tilespmem:s23+$0x4A0]  }
0x186: {  	v12 =	vld [tilespmem:s23+$0x4B0]  }
0x187: {  	v13 =	vld [tilespmem:s23+$0x4C0]  }
0x188: {  	v14 =	vld [tilespmem:s23+$0x4D0]  }
0x189: {  	v15 =	vld [tilespmem:s23+$0x4E0]  }
0x18a: {  	[tilespmem:s23+$0x104F0] =	vst.add.f32.msk $0xffff, v0  }
0x18b: {  	[tilespmem:s23+$0xC400] =	vst.add.f32.msk $0xffff, v1  }
0x18c: {  	[tilespmem:s23+$0x10400] =	vst.add.f32.msk $0xffff, v1  }
0x18d: {  	[tilespmem:s23+$0xC410] =	vst.add.f32.msk $0xffff, v2  }
0x18e: {  	[tilespmem:s23+$0x10410] =	vst.add.f32.msk $0xffff, v2  }
0x18f: {  	[tilespmem:s23+$0xC420] =	vst.add.f32.msk $0xffff, v3  }
0x190: {  	[tilespmem:s23+$0x10420] =	vst.add.f32.msk $0xffff, v3  }
0x191: {  	[tilespmem:s23+$0xC430] =	vst.add.f32.msk $0xffff, v4  }
0x192: {  	[tilespmem:s23+$0x10430] =	vst.add.f32.msk $0xffff, v4  }
0x193: {  	[tilespmem:s23+$0xC440] =	vst.add.f32.msk $0xffff, v5  }
0x194: {  	[tilespmem:s23+$0x10440] =	vst.add.f32.msk $0xffff, v5  }
0x195: {  	[tilespmem:s23+$0xC450] =	vst.add.f32.msk $0xffff, v6  }
0x196: {  	[tilespmem:s23+$0x10450] =	vst.add.f32.msk $0xffff, v6  }
0x197: {  	[tilespmem:s23+$0xC460] =	vst.add.f32.msk $0xffff, v7  }
0x198: {  	[tilespmem:s23+$0x10460] =	vst.add.f32.msk $0xffff, v7  }
0x199: {  	[tilespmem:s23+$0xC470] =	vst.add.f32.msk $0xffff, v8  }
0x19a: {  	[tilespmem:s23+$0x10470] =	vst.add.f32.msk $0xffff, v8  }
0x19b: {  	[tilespmem:s23+$0xC480] =	vst.add.f32.msk $0xffff, v9  }
0x19c: {  	[tilespmem:s23+$0x10480] =	vst.add.f32.msk $0xffff, v9  }
0x19d: {  	[tilespmem:s23+$0xC490] =	vst.add.f32.msk $0xffff, v10  }
0x19e: {  	[tilespmem:s23+$0x10490] =	vst.add.f32.msk $0xffff, v10  }
0x19f: {  	[tilespmem:s23+$0xC4A0] =	vst.add.f32.msk $0xffff, v11  }
0x1a0: {  	[tilespmem:s23+$0x104A0] =	vst.add.f32.msk $0xffff, v11  }
0x1a1: {  	[tilespmem:s23+$0xC4B0] =	vst.add.f32.msk $0xffff, v12  }
0x1a2: {  	[tilespmem:s23+$0x104B0] =	vst.add.f32.msk $0xffff, v12  }
0x1a3: {  	[tilespmem:s23+$0xC4C0] =	vst.add.f32.msk $0xffff, v13  }
0x1a4: {  	[tilespmem:s23+$0x104C0] =	vst.add.f32.msk $0xffff, v13  }
0x1a5: {  	[tilespmem:s23+$0xC4D0] =	vst.add.f32.msk $0xffff, v14  }
0x1a6: {  	[tilespmem:s23+$0x104D0] =	vst.add.f32.msk $0xffff, v14  }
0x1a7: {  	[tilespmem:s23+$0xC4E0] =	vst.add.f32.msk $0xffff, v15  }
0x1a8: {  	s4 =	simm.s32 $0x400;
	s0 =	simm.s32 $0x0;
	[tilespmem:s23+$0x104E0] =	vst.add.f32.msk $0xffff, v15  }
.LBB2_8:
0x1a9: {  	s0 =	sadd.s32 $0x2, s0;
	[tilespmem:s23+$0xC4F0] =	vst.add.f32.msk $0xffff, v0;
	s23 =	sshra.s32 s4, $0x2  }
0x1aa: {  	v0 =	vld [tilespmem:s23+$0x4F0];
	p0 =	slt.u32 s0, $0x7E  }
0x1ab: {  	v1 =	vld [tilespmem:s23+$0x400]  }
0x1ac: {  	v2 =	vld [tilespmem:s23+$0x410]  }
0x1ad: {  	v3 =	vld [tilespmem:s23+$0x420]  }
0x1ae: {  	v4 =	vld [tilespmem:s23+$0x430]  }
0x1af: {  	[tilespmem:s23+$0x104F0] =	vst.add.f32.msk $0xffff, v0  }
0x1b0: {  	v5 =	vld [tilespmem:s23+$0x440]  }
0x1b1: {  	v6 =	vld [tilespmem:s23+$0x450]  }
0x1b2: {  	v7 =	vld [tilespmem:s23+$0x460]  }
0x1b3: {  	v8 =	vld [tilespmem:s23+$0x470]  }
0x1b4: {  	v9 =	vld [tilespmem:s23+$0x480]  }
0x1b5: {  	v10 =	vld [tilespmem:s23+$0x490]  }
0x1b6: {  	v11 =	vld [tilespmem:s23+$0x4A0]  }
0x1b7: {  	v12 =	vld [tilespmem:s23+$0x4B0]  }
0x1b8: {  	v13 =	vld [tilespmem:s23+$0x4C0]  }
0x1b9: {  	v14 =	vld [tilespmem:s23+$0x4D0]  }
0x1ba: {  	v15 =	vld [tilespmem:s23+$0x4E0]  }
0x1bb: {  	[tilespmem:s23+$0xC400] =	vst.add.f32.msk $0xffff, v1  }
0x1bc: {  	[tilespmem:s23+$0x10400] =	vst.add.f32.msk $0xffff, v1  }
0x1bd: {  	[tilespmem:s23+$0xC410] =	vst.add.f32.msk $0xffff, v2  }
0x1be: {  	[tilespmem:s23+$0x10410] =	vst.add.f32.msk $0xffff, v2  }
0x1bf: {  	[tilespmem:s23+$0xC420] =	vst.add.f32.msk $0xffff, v3  }
0x1c0: {  	[tilespmem:s23+$0x10420] =	vst.add.f32.msk $0xffff, v3  }
0x1c1: {  	[tilespmem:s23+$0xC430] =	vst.add.f32.msk $0xffff, v4  }
0x1c2: {  	[tilespmem:s23+$0x10430] =	vst.add.f32.msk $0xffff, v4  }
0x1c3: {  	[tilespmem:s23+$0xC440] =	vst.add.f32.msk $0xffff, v5  }
0x1c4: {  	[tilespmem:s23+$0x10440] =	vst.add.f32.msk $0xffff, v5  }
0x1c5: {  	[tilespmem:s23+$0xC450] =	vst.add.f32.msk $0xffff, v6  }
0x1c6: {  	[tilespmem:s23+$0x10450] =	vst.add.f32.msk $0xffff, v6  }
0x1c7: {  	[tilespmem:s23+$0xC460] =	vst.add.f32.msk $0xffff, v7  }
0x1c8: {  	[tilespmem:s23+$0x10460] =	vst.add.f32.msk $0xffff, v7  }
0x1c9: {  	[tilespmem:s23+$0xC470] =	vst.add.f32.msk $0xffff, v8  }
0x1ca: {  	[tilespmem:s23+$0x10470] =	vst.add.f32.msk $0xffff, v8  }
0x1cb: {  	[tilespmem:s23+$0xC480] =	vst.add.f32.msk $0xffff, v9  }
0x1cc: {  	[tilespmem:s23+$0x10480] =	vst.add.f32.msk $0xffff, v9  }
0x1cd: {  	[tilespmem:s23+$0xC490] =	vst.add.f32.msk $0xffff, v10  }
0x1ce: {  	[tilespmem:s23+$0x10490] =	vst.add.f32.msk $0xffff, v10  }
0x1cf: {  	[tilespmem:s23+$0xC4A0] =	vst.add.f32.msk $0xffff, v11  }
0x1d0: {  	[tilespmem:s23+$0x104A0] =	vst.add.f32.msk $0xffff, v11  }
0x1d1: {  	[tilespmem:s23+$0xC4B0] =	vst.add.f32.msk $0xffff, v12  }
0x1d2: {  	[tilespmem:s23+$0x104B0] =	vst.add.f32.msk $0xffff, v12  }
0x1d3: {  	[tilespmem:s23+$0xC4C0] =	vst.add.f32.msk $0xffff, v13  }
.Ltmp3:
0x1d4: {  	[tilespmem:s23+$0x104C0] =	vst.add.f32.msk $0xffff, v13;
	(pc) =	sbr.rel @p0 .LBB2_8-.Ltmp3, $4  }
0x1d5: {  	[tilespmem:s23+$0xC4D0] =	vst.add.f32.msk $0xffff, v14  }
0x1d6: {  	[tilespmem:s23+$0x104D0] =	vst.add.f32.msk $0xffff, v14  }
0x1d7: {  	[tilespmem:s23+$0xC4E0] =	vst.add.f32.msk $0xffff, v15  }
0x1d8: {  	s4 =	sadd.s32 $0x400, s4;
	[tilespmem:s23+$0x104E0] =	vst.add.f32.msk $0xffff, v15  }
0x1d9: {  	[tilespmem:s23+$0xC4F0] =	vst.add.f32.msk $0xffff, v0  }
0x1da: {  	[hbm4b:s12+s3] =	stream.linear.scatter [tilespmem:s20], [sflag:$0x7], $0x4000, $0x38;
	[tilespmem:$0x14400] =	vst v63  }
0x1db: {  	_ = 	snop  }
0x1dc: {  	[hbm4b:s13+s3] =	stream.linear.scatter [tilespmem:s22], [sflag:$0x8], $0x4000, $0x38;
	[tilespmem:$0x14400] =	vst v63  }
0x1dd: {  	_ =	swait.ge [sflag:s30], $0x4000  }
0x1de: {  	[sflag:s30] =	ssyncset.done $0x0  }
0x1df: {  	[sflag:s30] =	ssyncadd.s32 $0xFFFFC000  }
0x1e0: {  	_ =	swait.ge [sflag:s31], $0x4000  }
0x1e1: {  	[sflag:s31] =	ssyncset.done $0x0  }
0x1e2: {  	s2 =	sadd.s32 $0x1, s2;
	[sflag:s31] =	ssyncadd.s32 $0xFFFFC000  }
0x1e3: {  	p0 =	sne.s32 s2, s14;
	_ =	swait.ge [sflag:s19], $0x4000  }
.Ltmp4:
0x1e4: {  	[sflag:s19] =	ssyncset.done $0x0;
	(pc) =	sbr.rel @p0 .LBB2_1-.Ltmp4, $4  }
0x1e5: {  	[sflag:s19] =	ssyncadd.s32 $0xFFFFC000  }
0x1e6: {  	_ =	swait.ge [sflag:s21], $0x4000  }
0x1e7: {  	[sflag:s21] =	ssyncset.done $0x0  }
0x1e8: {  	[sflag:s21] =	ssyncadd.s32 $0xFFFFC000  }
0x1e9: {  	_ =	sfence.sel $0x180000  }
0x1ea: {  	[bflag:$0x0] =	sbarrier.arrive $0xFFFF  }
0x1eb: {  	_ =	strace $0x90000047  }
0x1ec: {  	s0 =	stileid.u32;
	[bflag:$0x2] =	sbarrier.arrive $0xFFFF  }
0x1ed: {  	p0 =	sne.s32 s0, $0x0;
	s0 =	rddreg [dreg:$0x4]  }
0x1ee: {  	s0 =	sadd.s32 @!p0 $0x100000, s0  }
0x1ef: {  	[sflag:s0] =	ssyncadd.tile.s32 @!p0 $0x1;
	_ =	shalt  }
.Lfunc_end2:
_tile_overlayer_lowered:
.L_overlay_start_2:
0x1f0: {  	(tag) =	ssettag $0x2  }
0x1f1: {  	s0 =	rddreg [dreg:$0x0];
	s2 =	stileid.u32  }
0x1f2: {  	s1 =	rddreg [dreg:$0x1];
	p0 =	sne.s32 s2, $0x0  }
0x1f3: {  	s3 =	rddreg [dreg:$0x2];
	[bflag:$0x3] =	sbarrier.arrive $0xFFFF;
	s2 =	simm.s32 @!p0 $0x1C0A  }
0x1f4: {  	[timem:s3], [sflag:s2] =	dma.local @!p0 [hbm:s0], s1  }
0x1f5: {  	s0 =	simm.s32 @!p0 $0xA  }
0x1f6: {  	_ =	swait.ge @!p0 [sflag:s0], s1  }
0x1f7: {  	s1 =	ssub.s32 @!p0 $0x0, s1;
	[sflag:s0] =	ssyncset.done @!p0 $0x0  }
0x1f8: {  	[sflag:s0] =	ssyncadd.s32 @!p0 s1  }
0x1f9: {  	[bflag:$0x3] =	sbarrier.arrive $0xFFFF  }
0x1fa: {  	_ =	shalt  }

</sc_bundles>
